<compile_context>
chip_gen: v7x
topology: tpu7x:2x2x1
jax: 0.10.2.dev20260603
libtpu: 0.0.44.dev20260713+nightly
codegen_flags: <defaults>
</compile_context>

<pallas_src>
import functools
import math

import jax
import jax.numpy as jnp
from jax import lax
from jax.experimental import pallas as pl
from jax.experimental.pallas import tpu as pltpu
from jax.experimental.pallas import tpu_sc as plsc

N_NODES = 10000
D = 128
NGRAPH = 64
NCLS = 10

NC = 2
NS = 16
NW = NC * NS
CHUNK = 64
NBUF = 4
CHUNKS_PER_TILE = 160
IDX_GROUP = 40
EDGES_PER_TILE = CHUNKS_PER_TILE * CHUNK
E_PAD = NW * EDGES_PER_TILE
ACC_ROWS = 10240
ROWS_PER_TILE = ACC_ROWS // NS
DUMMY = N_NODES

_sc_mesh = plsc.VectorSubcoreMesh(core_axis_name="c", subcore_axis_name="s")


@functools.partial(
    pl.kernel,
    out_type=jax.ShapeDtypeStruct((NW, ACC_ROWS), jnp.float32),
    mesh=_sc_mesh,
    scratch_types=[
        pltpu.VMEM((EDGES_PER_TILE,), jnp.int32),
        pltpu.VMEM((ACC_ROWS,), jnp.float32),
    ],
    compiler_params=pltpu.CompilerParams(needs_layout_passes=False),
)
def _sc_degree(col_hbm, out_hbm, col_v, cnt_v):
    c = lax.axis_index("c")
    s = lax.axis_index("s")
    wid = s * NC + c
    pltpu.sync_copy(
        col_hbm.at[pl.ds(wid * EDGES_PER_TILE, EDGES_PER_TILE)], col_v)
    zeros = jnp.zeros((16,), jnp.float32)

    def zbody(i, carry):
        cnt_v[pl.ds(i * 16, 16)] = zeros
        return carry

    lax.fori_loop(0, ACC_ROWS // 16, zbody, 0)
    ones = jnp.ones((16,), jnp.float32)

    def body(i, carry):
        idx = col_v[pl.ds(i * 16, 16)]
        plsc.addupdate_scatter(cnt_v, [idx], ones)
        return carry

    lax.fori_loop(0, EDGES_PER_TILE // 16, body, 0)
    pltpu.sync_copy(cnt_v, out_hbm.at[wid])


def _tc_scale_body(x_ref, w_ref, cnt_ref, xs_ref, dinv_ref):
    cnt = jnp.sum(cnt_ref[...], axis=0)[:N_NODES]
    dinv = lax.rsqrt(cnt + 1.0)
    x = jnp.dot(x_ref[...], w_ref[...], preferred_element_type=jnp.float32)
    xs_ref[...] = x * dinv[:, None]
    dinv_ref[...] = dinv


_tc_scale = pl.pallas_call(
    _tc_scale_body,
    out_shape=(
        jax.ShapeDtypeStruct((N_NODES, D), jnp.float32),
        jax.ShapeDtypeStruct((N_NODES,), jnp.float32),
    ),
)


@functools.partial(
    pl.kernel,
    out_type=jax.ShapeDtypeStruct((NC, ACC_ROWS, D), jnp.float32),
    mesh=_sc_mesh,
    scratch_types=(
        [pltpu.VMEM((IDX_GROUP, CHUNK), jnp.int32)] * 2
        + [pltpu.VMEM((CHUNK, D), jnp.float32)] * NBUF
        + [pltpu.VMEM_SHARED((ACC_ROWS, D), jnp.float32)]
        + [pltpu.SemaphoreType.DMA] * (2 * NBUF)
    ),
)
def _sc_edges(row_hbm, col_hbm, xs_hbm, zero_hbm, out_hbm, row_v, col_v,
              *scr):
    c = lax.axis_index("c")
    s = lax.axis_index("s")
    wid = s * NC + c
    bufs = scr[:NBUF]
    accum = scr[NBUF]
    gsem = scr[NBUF + 1:2 * NBUF + 1]
    ssem = scr[2 * NBUF + 1:]

    pltpu.sync_copy(zero_hbm,
                    accum.at[pl.ds(s * ROWS_PER_TILE, ROWS_PER_TILE)])
    plsc.subcore_barrier()

    for grp in range(CHUNKS_PER_TILE // IDX_GROUP):
        pltpu.sync_copy(row_hbm.at[wid, pl.ds(grp * IDX_GROUP, IDX_GROUP)],
                        row_v)
        pltpu.sync_copy(col_hbm.at[wid, pl.ds(grp * IDX_GROUP, IDX_GROUP)],
                        col_v)
        for k in range(NBUF):
            pltpu.async_copy(xs_hbm.at[row_v.at[k]], bufs[k], gsem[k])

        def pbody(it, carry):
            base = it * NBUF
            for k in range(NBUF):
                pltpu.make_async_copy(
                    xs_hbm.at[row_v.at[base + k]], bufs[k], gsem[k]).wait()
                pltpu.async_copy(bufs[k], accum.at[col_v.at[base + k]],
                                 ssem[k], add=True)
            nxt = base + NBUF
            for k in range(NBUF):
                pltpu.make_async_copy(
                    xs_hbm.at[row_v.at[base + k]], bufs[k], ssem[k]).wait()
                pltpu.async_copy(
                    xs_hbm.at[row_v.at[nxt + k]], bufs[k], gsem[k])
            return carry

        lax.fori_loop(0, IDX_GROUP // NBUF - 1, pbody, 0)
        base = IDX_GROUP - NBUF
        for k in range(NBUF):
            pltpu.make_async_copy(
                xs_hbm.at[row_v.at[base + k]], bufs[k], gsem[k]).wait()
            pltpu.async_copy(bufs[k], accum.at[col_v.at[base + k]],
                             ssem[k], add=True)
        for k in range(NBUF):
            pltpu.make_async_copy(
                xs_hbm.at[row_v.at[base + k]], bufs[k], ssem[k]).wait()
    plsc.subcore_barrier()

    pltpu.sync_copy(accum.at[pl.ds(s * ROWS_PER_TILE, ROWS_PER_TILE)],
                    out_hbm.at[c, pl.ds(s * ROWS_PER_TILE, ROWS_PER_TILE)])


def _tc_final_body(p_ref, xs_ref, dinv_ref, bg_ref, bidx_ref, wfc_ref,
                   bfc_ref, gam_ref, bet_ref, hid_ref, score_ref):
    total = p_ref[0, :N_NODES, :] + p_ref[1, :N_NODES, :] + xs_ref[...]
    hidden = total * dinv_ref[...][:, None] + bg_ref[...][None, :]
    hid_ref[...] = hidden
    gids = lax.broadcasted_iota(jnp.int32, (NGRAPH, N_NODES), 0)
    onehot = (gids == bidx_ref[...][None, :]).astype(jnp.float32)
    sums = jnp.dot(onehot, hidden, preferred_element_type=jnp.float32)
    counts = jnp.sum(onehot, axis=1)
    pooled = sums / jnp.maximum(counts, 1.0)[:, None]
    logits = (jnp.dot(pooled, wfc_ref[...], preferred_element_type=jnp.float32)
              + bfc_ref[...][None, :])
    score_ref[...] = (logits * (1.0 / math.sqrt(1.0 + 1e-5))
                      * gam_ref[...][None, :] + bet_ref[...][None, :])


_tc_final = pl.pallas_call(
    _tc_final_body,
    out_shape=(
        jax.ShapeDtypeStruct((N_NODES, D), jnp.float32),
        jax.ShapeDtypeStruct((NGRAPH, NCLS), jnp.float32),
    ),
)


def kernel(input_rep, batch_idx, graph_size, edge_index, W_gcn, b_gcn,
           W_fc, b_fc, bn_gamma, bn_beta):
    del graph_size
    row = edge_index[0].astype(jnp.int32)
    col = edge_index[1].astype(jnp.int32)
    n_edges = row.shape[0]
    pad = E_PAD - n_edges
    pad_iota = jnp.arange(pad, dtype=jnp.int32)
    rows_p = jnp.concatenate([row, pad_iota % N_NODES])
    cols_p = jnp.concatenate([col, DUMMY + pad_iota % (ACC_ROWS - N_NODES)])
    rows3 = rows_p.reshape(NW, CHUNKS_PER_TILE, CHUNK)
    cols3 = cols_p.reshape(NW, CHUNKS_PER_TILE, CHUNK)

    cnt = _sc_degree(cols_p)
    xs, dinv = _tc_scale(input_rep, W_gcn, cnt)
    zero2d = jnp.zeros((ROWS_PER_TILE, D), jnp.float32)
    partials = _sc_edges(rows3, cols3, xs, zero2d)
    hidden, score = _tc_final(partials, xs, dinv, b_gcn,
                              batch_idx.astype(jnp.int32), W_fc, b_fc,
                              bn_gamma, bn_beta)
    return (hidden, score)

# --- scband reference (transcript-rebuilt; emitter-appended) ---
"""Pipeline reference for scband-block-89567247991185 (READ-ONLY COPY).

The authoritative reference and input builder live on the scoring server;
editing this copy changes nothing except your own understanding.
"""

import jax, jax.numpy as jnp
import numpy as np

N_NODES = 10000
N_EDGES = 320000
D_FEAT = 128
CONV_HID = 128
NUM_CLASSES = 10
NUM_GRAPHS = 64


def setup_inputs(seed: int = 0) -> dict:
    key = jax.random.key(seed)
    ks = jax.random.split(key, 10)
    input_rep = jax.random.normal(ks[0], (N_NODES, D_FEAT), dtype=jnp.float32)
    batch_idx = jnp.sort(jax.random.randint(ks[1], (N_NODES,), 0, NUM_GRAPHS, dtype=jnp.int64) if jax.config.jax_enable_x64 else jax.random.randint(ks[1], (N_NODES,), 0, NUM_GRAPHS).astype(jnp.int32))
    graph_size = jax.random.randint(ks[2], (NUM_GRAPHS,), 0, 500).astype(jnp.int32)
    edge_index = jax.random.randint(ks[3], (2, N_EDGES), 0, N_NODES).astype(jnp.int32)
    # GCNConv parameters
    W_gcn = jax.random.normal(ks[4], (D_FEAT, CONV_HID), dtype=jnp.float32) * (1.0 / np.sqrt(D_FEAT))
    b_gcn = jnp.zeros((CONV_HID,), dtype=jnp.float32)
    # final fc: Linear(conv_hid, num_classes) + BatchNorm1d(num_classes) (eval mode)
    W_fc = jax.random.normal(ks[5], (CONV_HID, NUM_CLASSES), dtype=jnp.float32) * (1.0 / np.sqrt(CONV_HID))
    b_fc = jnp.zeros((NUM_CLASSES,), dtype=jnp.float32)
    bn_gamma = jnp.ones((NUM_CLASSES,), dtype=jnp.float32)
    bn_beta = jnp.zeros((NUM_CLASSES,), dtype=jnp.float32)
    return {
        'input_rep': input_rep,
        'batch_idx': batch_idx,
        'graph_size': graph_size,
        'edge_index': edge_index,
        'W_gcn': W_gcn,
        'b_gcn': b_gcn,
        'W_fc': W_fc,
        'b_fc': b_fc,
        'bn_gamma': bn_gamma,
        'bn_beta': bn_beta,
    }


def reference(input_rep, batch_idx, graph_size, edge_index, W_gcn, b_gcn, W_fc, b_fc, bn_gamma, bn_beta):
    N = input_rep.shape[0]
    # --- GCNConv (PyG semantics): x' = D^{-1/2} (A + I) D^{-1/2} (X W) + b ---
    x = input_rep @ W_gcn
    row = edge_index[0]
    col = edge_index[1]
    loop = jnp.arange(N, dtype=row.dtype)
    row = jnp.concatenate([row, loop])
    col = jnp.concatenate([col, loop])
    ones = jnp.ones(row.shape[0], dtype=x.dtype)
    deg = jax.ops.segment_sum(ones, col, num_segments=N)
    deg_inv_sqrt = jnp.where(deg > 0, deg ** -0.5, 0.0)
    norm = deg_inv_sqrt[row] * deg_inv_sqrt[col]
    msgs = x[row] * norm[:, None]
    hidden_rep = jax.ops.segment_sum(msgs, col, num_segments=N) + b_gcn
    # --- global mean pool over graphs ---
    sums = jax.ops.segment_sum(hidden_rep, batch_idx, num_segments=NUM_GRAPHS)
    counts = jax.ops.segment_sum(jnp.ones((N,), dtype=hidden_rep.dtype), batch_idx, num_segments=NUM_GRAPHS)
    h_pooled = sums / jnp.maximum(counts, 1.0)[:, None]
    # --- fc: Linear + BatchNorm1d (eval mode: running_mean=0, running_var=1) ---
    logits = h_pooled @ W_fc + b_fc
    score = logits / jnp.sqrt(1.0 + 1e-5) * bn_gamma + bn_beta
    return (hidden_rep, score)

if __name__ == "__main__":
    import jax
    _d = setup_inputs()
    print(jax.jit(kernel)(*tuple(_d.values())))

</pallas_src>

<mosaic_0001>
#map = affine_map<(d0, d1) -> (0)>
#map1 = affine_map<(d0, d1) -> (0, 0)>
module attributes {stable_mosaic.version = 14 : i64} {
  func.func @_sc_degree(%arg0: i32, %arg1: i32, %arg2: memref<327680xi32, #tpu.memory_space<hbm>>, %arg3: memref<32x10240xf32, #tpu.memory_space<hbm>>, %arg4: memref<10240xi32, #tpu.memory_space<vmem>>, %arg5: memref<10240xf32, #tpu.memory_space<vmem>>) attributes {dimension_semantics = [#tpu.dimension_semantics<core_parallel>, #tpu.dimension_semantics<subcore_parallel>], iteration_bounds = array<i64: 2, 16>, scalar_prefetch = 0 : i64, scratch_operands = 2 : i64, tpu.core_type = #tpu.core_type<sc_vector_subcore>, window_params = [{transform_indices = #map}, {transform_indices = #map1}]} {
    %mul3A = arith.constant 2 : i32
    %mul3A_0 = arith.muli %arg1, %mul3A : i32
    %add3A = arith.addi %mul3A_0, %arg0 : i32
    %mul3A_1 = arith.constant 10240 : i32
    %mul3A_2 = arith.muli %add3A, %mul3A_1 : i32
    "tpu.region"() ({
      %run_scoped3A = tpu.sem_alloc : memref<!tpu.dma_semaphore, #tpu.memory_space<semaphore_mem>>
      %dma_start3A = tpu.memref_slice %arg2[%mul3A_2] : memref<327680xi32, #tpu.memory_space<hbm>> -> memref<10240xi32, #tpu.memory_space<hbm>>
      %dma_start3A_17 = tpu.memref_slice %arg2[%mul3A_2] : memref<327680xi32, #tpu.memory_space<hbm>> -> memref<10240xi32, #tpu.memory_space<hbm>>
      tpu.enqueue_dma source(%dma_start3A_17 : memref<10240xi32, #tpu.memory_space<hbm>>) target(%arg4 : memref<10240xi32, #tpu.memory_space<vmem>>) target_semaphore(%run_scoped3A : memref<!tpu.dma_semaphore, #tpu.memory_space<semaphore_mem>>)
      %dma_wait3A = tpu.memref_slice %arg2[%mul3A_2] : memref<327680xi32, #tpu.memory_space<hbm>> -> memref<10240xi32, #tpu.memory_space<hbm>>
      %dma_wait3A_18 = tpu.memref_slice %arg2[%mul3A_2] : memref<327680xi32, #tpu.memory_space<hbm>> -> memref<10240xi32, #tpu.memory_space<hbm>>
      tpu.wait_dma2 semaphore(%run_scoped3A : memref<!tpu.dma_semaphore, #tpu.memory_space<semaphore_mem>>) src(%dma_wait3A_18 : memref<10240xi32, #tpu.memory_space<hbm>>) dst(%arg4 : memref<10240xi32, #tpu.memory_space<vmem>>)
      tpu.yield
    }) : () -> ()
    %broadcast_in_dim3A = arith.constant 0.000000e+00 : f32
    %broadcast_in_dim3A_3 = vector.broadcast %broadcast_in_dim3A : f32 to vector<16xf32>
    %scan3A = arith.constant 0 : i32
    %scan3A_4 = arith.constant 0 : i32
    %scan3A_5 = arith.constant 640 : i32
    %scan3A_6 = arith.addi %scan3A_4, %scan3A_5 : i32
    %scan3A_7 = arith.constant 1 : i32
    scf.for %scan3A_17 = %scan3A_4 to %scan3A_6 step %scan3A_7  : i32 {
      %mul3A_18 = arith.constant 16 : i32
      %mul3A_19 = arith.muli %scan3A_17, %mul3A_18 : i32
      %swap3A = arith.index_cast %mul3A_19 : i32 to index
      %swap3A_20 = tpu.vector_load %arg5[%swap3A] {strides = array<i32>} : memref<10240xf32, #tpu.memory_space<vmem>>, vector<16xf32>,
      tpu.vector_store %arg5[%swap3A], %broadcast_in_dim3A_3 {strides = array<i32>} : memref<10240xf32, #tpu.memory_space<vmem>>, vector<16xf32>,
    }
    %scan3A_8 = arith.constant 640 : i32
    %broadcast_in_dim3A_9 = arith.constant 1.000000e+00 : f32
    %broadcast_in_dim3A_10 = vector.broadcast %broadcast_in_dim3A_9 : f32 to vector<16xf32>
    %scan3A_11 = arith.constant 0 : i32
    %scan3A_12 = arith.constant 0 : i32
    %scan3A_13 = arith.constant 640 : i32
    %scan3A_14 = arith.addi %scan3A_12, %scan3A_13 : i32
    %scan3A_15 = arith.constant 1 : i32
    scf.for %scan3A_17 = %scan3A_12 to %scan3A_14 step %scan3A_15  : i32 {
      %mul3A_18 = arith.constant 16 : i32
      %mul3A_19 = arith.muli %scan3A_17, %mul3A_18 : i32
      %get3A = arith.index_cast %mul3A_19 : i32 to index
      %get3A_20 = tpu.vector_load %arg4[%get3A] {strides = array<i32>} : memref<10240xi32, #tpu.memory_space<vmem>>, vector<16xi32>,
      tpu.vector_store_idx %arg5[%get3A_20], %broadcast_in_dim3A_10 {add = true} : memref<10240xf32, #tpu.memory_space<vmem>>[vector<16xi32>], vector<16xf32>,
    }
    %scan3A_16 = arith.constant 640 : i32
    "tpu.region"() ({
      %run_scoped3A = tpu.sem_alloc : memref<!tpu.dma_semaphore, #tpu.memory_space<semaphore_mem>>
      %dma_start3A = arith.constant 0 : i32
      %dma_start3A_17 = tpu.memref_slice %arg3[%add3A, %dma_start3A] : memref<32x10240xf32, #tpu.memory_space<hbm>> -> memref<1x10240xf32, #tpu.memory_space<hbm>>
      %dma_start3A_18 = tpu.memref_squeeze %dma_start3A_17 : memref<1x10240xf32, #tpu.memory_space<hbm>> -> memref<10240xf32, #tpu.memory_space<hbm>>
      %dma_start3A_19 = arith.constant 0 : i32
      %dma_start3A_20 = tpu.memref_slice %arg3[%add3A, %dma_start3A_19] : memref<32x10240xf32, #tpu.memory_space<hbm>> -> memref<1x10240xf32, #tpu.memory_space<hbm>>
      %dma_start3A_21 = tpu.memref_squeeze %dma_start3A_20 : memref<1x10240xf32, #tpu.memory_space<hbm>> -> memref<10240xf32, #tpu.memory_space<hbm>>
      tpu.enqueue_dma source(%arg5 : memref<10240xf32, #tpu.memory_space<vmem>>) target(%dma_start3A_21 : memref<10240xf32, #tpu.memory_space<hbm>>) target_semaphore(%run_scoped3A : memref<!tpu.dma_semaphore, #tpu.memory_space<semaphore_mem>>)
      %dma_wait3A = arith.constant 0 : i32
      %dma_wait3A_22 = tpu.memref_slice %arg3[%add3A, %dma_wait3A] : memref<32x10240xf32, #tpu.memory_space<hbm>> -> memref<1x10240xf32, #tpu.memory_space<hbm>>
      %dma_wait3A_23 = tpu.memref_squeeze %dma_wait3A_22 : memref<1x10240xf32, #tpu.memory_space<hbm>> -> memref<10240xf32, #tpu.memory_space<hbm>>
      %dma_wait3A_24 = arith.constant 0 : i32
      %dma_wait3A_25 = tpu.memref_slice %arg3[%add3A, %dma_wait3A_24] : memref<32x10240xf32, #tpu.memory_space<hbm>> -> memref<1x10240xf32, #tpu.memory_space<hbm>>
      %dma_wait3A_26 = tpu.memref_squeeze %dma_wait3A_25 : memref<1x10240xf32, #tpu.memory_space<hbm>> -> memref<10240xf32, #tpu.memory_space<hbm>>
      tpu.wait_dma2 semaphore(%run_scoped3A : memref<!tpu.dma_semaphore, #tpu.memory_space<semaphore_mem>>) src(%arg5 : memref<10240xf32, #tpu.memory_space<vmem>>) dst(%dma_wait3A_26 : memref<10240xf32, #tpu.memory_space<hbm>>)
      tpu.yield
    }) : () -> ()
    return
  }
}

#map = affine_map<(d0, d1) -> (0, 0, 0)>
#map1 = affine_map<(d0, d1) -> (0, 0)>
module attributes {stable_mosaic.version = 14 : i64} {
  func.func @_sc_edges(%arg0: i32, %arg1: i32, %arg2: memref<32x160x64xi32, #tpu.memory_space<hbm>>, %arg3: memref<32x160x64xi32, #tpu.memory_space<hbm>>, %arg4: memref<10000x128xf32, #tpu.memory_space<hbm>>, %arg5: memref<640x128xf32, #tpu.memory_space<hbm>>, %arg6: memref<2x10240x128xf32, #tpu.memory_space<hbm>>, %arg7: memref<40x64xi32, #tpu.memory_space<vmem>>, %arg8: memref<40x64xi32, #tpu.memory_space<vmem>>, %arg9: memref<64x128xf32, #tpu.memory_space<vmem>>, %arg10: memref<64x128xf32, #tpu.memory_space<vmem>>, %arg11: memref<64x128xf32, #tpu.memory_space<vmem>>, %arg12: memref<64x128xf32, #tpu.memory_space<vmem>>, %arg13: memref<10240x128xf32, #tpu.memory_space<vmem_shared>>, %arg14: memref<!tpu.dma_semaphore, #tpu.memory_space<semaphore_mem>>, %arg15: memref<!tpu.dma_semaphore, #tpu.memory_space<semaphore_mem>>, %arg16: memref<!tpu.dma_semaphore, #tpu.memory_space<semaphore_mem>>, %arg17: memref<!tpu.dma_semaphore, #tpu.memory_space<semaphore_mem>>, %arg18: memref<!tpu.dma_semaphore, #tpu.memory_space<semaphore_mem>>, %arg19: memref<!tpu.dma_semaphore, #tpu.memory_space<semaphore_mem>>, %arg20: memref<!tpu.dma_semaphore, #tpu.memory_space<semaphore_mem>>, %arg21: memref<!tpu.dma_semaphore, #tpu.memory_space<semaphore_mem>>) attributes {dimension_semantics = [#tpu.dimension_semantics<core_parallel>, #tpu.dimension_semantics<subcore_parallel>], iteration_bounds = array<i64: 2, 16>, scalar_prefetch = 0 : i64, scratch_operands = 15 : i64, tpu.core_type = #tpu.core_type<sc_vector_subcore>, window_params = [{transform_indices = #map}, {transform_indices = #map}, {transform_indices = #map1}, {transform_indices = #map1}, {transform_indices = #map}]} {
    %mul3A = arith.constant 2 : i32
    %mul3A_0 = arith.muli %arg1, %mul3A : i32
    %add3A = arith.addi %mul3A_0, %arg0 : i32
    %mul3A_1 = arith.constant 640 : i32
    %mul3A_2 = arith.muli %arg1, %mul3A_1 : i32
    "tpu.region"() ({
      %run_scoped3A = tpu.sem_alloc : memref<!tpu.dma_semaphore, #tpu.memory_space<semaphore_mem>>
      %dma_start3A_477 = arith.constant 0 : i32
      %dma_start3A_478 = tpu.memref_slice %arg13[%mul3A_2, %dma_start3A_477] : memref<10240x128xf32, #tpu.memory_space<vmem_shared>> -> memref<640x128xf32, #tpu.memory_space<vmem_shared>>
      tpu.enqueue_dma source(%arg5 : memref<640x128xf32, #tpu.memory_space<hbm>>) target(%dma_start3A_478 : memref<640x128xf32, #tpu.memory_space<vmem_shared>>) target_semaphore(%run_scoped3A : memref<!tpu.dma_semaphore, #tpu.memory_space<semaphore_mem>>)
      %dma_wait3A_479 = arith.constant 0 : i32
      %dma_wait3A_480 = tpu.memref_slice %arg13[%mul3A_2, %dma_wait3A_479] : memref<10240x128xf32, #tpu.memory_space<vmem_shared>> -> memref<640x128xf32, #tpu.memory_space<vmem_shared>>
      tpu.wait_dma2 semaphore(%run_scoped3A : memref<!tpu.dma_semaphore, #tpu.memory_space<semaphore_mem>>) src(%arg5 : memref<640x128xf32, #tpu.memory_space<hbm>>) dst(%dma_wait3A_480 : memref<640x128xf32, #tpu.memory_space<vmem_shared>>)
      tpu.yield
    }) : () -> ()
    %barrier3A = arith.constant 0 : index
    tpu.barrier barrier_id(%barrier3A)
    "tpu.region"() ({
      %run_scoped3A = tpu.sem_alloc : memref<!tpu.dma_semaphore, #tpu.memory_space<semaphore_mem>>
      %dma_start3A_477 = arith.constant 0 : i32
      %dma_start3A_478 = arith.constant 0 : i32
      %dma_start3A_479 = tpu.memref_slice %arg2[%add3A, %dma_start3A_477, %dma_start3A_478] : memref<32x160x64xi32, #tpu.memory_space<hbm>> -> memref<1x40x64xi32, #tpu.memory_space<hbm>>
      %dma_start3A_480 = tpu.memref_squeeze %dma_start3A_479 : memref<1x40x64xi32, #tpu.memory_space<hbm>> -> memref<40x64xi32, #tpu.memory_space<hbm>>
      %dma_start3A_481 = arith.constant 0 : i32
      %dma_start3A_482 = arith.constant 0 : i32
      %dma_start3A_483 = tpu.memref_slice %arg2[%add3A, %dma_start3A_481, %dma_start3A_482] : memref<32x160x64xi32, #tpu.memory_space<hbm>> -> memref<1x40x64xi32, #tpu.memory_space<hbm>>
      %dma_start3A_484 = tpu.memref_squeeze %dma_start3A_483 : memref<1x40x64xi32, #tpu.memory_space<hbm>> -> memref<40x64xi32, #tpu.memory_space<hbm>>
      tpu.enqueue_dma source(%dma_start3A_484 : memref<40x64xi32, #tpu.memory_space<hbm>>) target(%arg7 : memref<40x64xi32, #tpu.memory_space<vmem>>) target_semaphore(%run_scoped3A : memref<!tpu.dma_semaphore, #tpu.memory_space<semaphore_mem>>)
      %dma_wait3A_485 = arith.constant 0 : i32
      %dma_wait3A_486 = arith.constant 0 : i32
      %dma_wait3A_487 = tpu.memref_slice %arg2[%add3A, %dma_wait3A_485, %dma_wait3A_486] : memref<32x160x64xi32, #tpu.memory_space<hbm>> -> memref<1x40x64xi32, #tpu.memory_space<hbm>>
      %dma_wait3A_488 = tpu.memref_squeeze %dma_wait3A_487 : memref<1x40x64xi32, #tpu.memory_space<hbm>> -> memref<40x64xi32, #tpu.memory_space<hbm>>
      %dma_wait3A_489 = arith.constant 0 : i32
      %dma_wait3A_490 = arith.constant 0 : i32
      %dma_wait3A_491 = tpu.memref_slice %arg2[%add3A, %dma_wait3A_489, %dma_wait3A_490] : memref<32x160x64xi32, #tpu.memory_space<hbm>> -> memref<1x40x64xi32, #tpu.memory_space<hbm>>
      %dma_wait3A_492 = tpu.memref_squeeze %dma_wait3A_491 : memref<1x40x64xi32, #tpu.memory_space<hbm>> -> memref<40x64xi32, #tpu.memory_space<hbm>>
      tpu.wait_dma2 semaphore(%run_scoped3A : memref<!tpu.dma_semaphore, #tpu.memory_space<semaphore_mem>>) src(%dma_wait3A_492 : memref<40x64xi32, #tpu.memory_space<hbm>>) dst(%arg7 : memref<40x64xi32, #tpu.memory_space<vmem>>)
      tpu.yield
    }) : () -> ()
    "tpu.region"() ({
      %run_scoped3A = tpu.sem_alloc : memref<!tpu.dma_semaphore, #tpu.memory_space<semaphore_mem>>
      %dma_start3A_477 = arith.constant 0 : i32
      %dma_start3A_478 = arith.constant 0 : i32
      %dma_start3A_479 = tpu.memref_slice %arg3[%add3A, %dma_start3A_477, %dma_start3A_478] : memref<32x160x64xi32, #tpu.memory_space<hbm>> -> memref<1x40x64xi32, #tpu.memory_space<hbm>>
      %dma_start3A_480 = tpu.memref_squeeze %dma_start3A_479 : memref<1x40x64xi32, #tpu.memory_space<hbm>> -> memref<40x64xi32, #tpu.memory_space<hbm>>
      %dma_start3A_481 = arith.constant 0 : i32
      %dma_start3A_482 = arith.constant 0 : i32
      %dma_start3A_483 = tpu.memref_slice %arg3[%add3A, %dma_start3A_481, %dma_start3A_482] : memref<32x160x64xi32, #tpu.memory_space<hbm>> -> memref<1x40x64xi32, #tpu.memory_space<hbm>>
      %dma_start3A_484 = tpu.memref_squeeze %dma_start3A_483 : memref<1x40x64xi32, #tpu.memory_space<hbm>> -> memref<40x64xi32, #tpu.memory_space<hbm>>
      tpu.enqueue_dma source(%dma_start3A_484 : memref<40x64xi32, #tpu.memory_space<hbm>>) target(%arg8 : memref<40x64xi32, #tpu.memory_space<vmem>>) target_semaphore(%run_scoped3A : memref<!tpu.dma_semaphore, #tpu.memory_space<semaphore_mem>>)
      %dma_wait3A_485 = arith.constant 0 : i32
      %dma_wait3A_486 = arith.constant 0 : i32
      %dma_wait3A_487 = tpu.memref_slice %arg3[%add3A, %dma_wait3A_485, %dma_wait3A_486] : memref<32x160x64xi32, #tpu.memory_space<hbm>> -> memref<1x40x64xi32, #tpu.memory_space<hbm>>
      %dma_wait3A_488 = tpu.memref_squeeze %dma_wait3A_487 : memref<1x40x64xi32, #tpu.memory_space<hbm>> -> memref<40x64xi32, #tpu.memory_space<hbm>>
      %dma_wait3A_489 = arith.constant 0 : i32
      %dma_wait3A_490 = arith.constant 0 : i32
      %dma_wait3A_491 = tpu.memref_slice %arg3[%add3A, %dma_wait3A_489, %dma_wait3A_490] : memref<32x160x64xi32, #tpu.memory_space<hbm>> -> memref<1x40x64xi32, #tpu.memory_space<hbm>>
      %dma_wait3A_492 = tpu.memref_squeeze %dma_wait3A_491 : memref<1x40x64xi32, #tpu.memory_space<hbm>> -> memref<40x64xi32, #tpu.memory_space<hbm>>
      tpu.wait_dma2 semaphore(%run_scoped3A : memref<!tpu.dma_semaphore, #tpu.memory_space<semaphore_mem>>) src(%dma_wait3A_492 : memref<40x64xi32, #tpu.memory_space<hbm>>) dst(%arg8 : memref<40x64xi32, #tpu.memory_space<vmem>>)
      tpu.yield
    }) : () -> ()
    %dma_start3A = arith.constant 0 : i32
    %dma_start3A_3 = arith.constant 0 : i32
    %dma_start3A_4 = tpu.memref_slice %arg7[%dma_start3A, %dma_start3A_3] : memref<40x64xi32, #tpu.memory_space<vmem>> -> memref<1x64xi32, #tpu.memory_space<vmem>>
    %dma_start3A_5 = tpu.memref_squeeze %dma_start3A_4 : memref<1x64xi32, #tpu.memory_space<vmem>> -> memref<64xi32, #tpu.memory_space<vmem>>
    %dma_start3A_6 = arith.constant 0 : i32
    %dma_start3A_7 = arith.constant 0 : i32
    %dma_start3A_8 = tpu.memref_slice %arg4[%dma_start3A_6, %dma_start3A_7] : memref<10000x128xf32, #tpu.memory_space<hbm>> -> memref<10000x128xf32, #tpu.memory_space<hbm>>
    tpu.enqueue_indirect_dma source(%dma_start3A_8 : memref<10000x128xf32, #tpu.memory_space<hbm>>) target(%arg9 : memref<64x128xf32, #tpu.memory_space<vmem>>) offsets(%dma_start3A_5 : memref<64xi32, #tpu.memory_space<vmem>>) semaphore(%arg14 : memref<!tpu.dma_semaphore, #tpu.memory_space<semaphore_mem>>)
    %dma_start3A_9 = arith.constant 1 : i32
    %dma_start3A_10 = arith.constant 0 : i32
    %dma_start3A_11 = tpu.memref_slice %arg7[%dma_start3A_9, %dma_start3A_10] : memref<40x64xi32, #tpu.memory_space<vmem>> -> memref<1x64xi32, #tpu.memory_space<vmem>>
    %dma_start3A_12 = tpu.memref_squeeze %dma_start3A_11 : memref<1x64xi32, #tpu.memory_space<vmem>> -> memref<64xi32, #tpu.memory_space<vmem>>
    %dma_start3A_13 = arith.constant 0 : i32
    %dma_start3A_14 = arith.constant 0 : i32
    %dma_start3A_15 = tpu.memref_slice %arg4[%dma_start3A_13, %dma_start3A_14] : memref<10000x128xf32, #tpu.memory_space<hbm>> -> memref<10000x128xf32, #tpu.memory_space<hbm>>
    tpu.enqueue_indirect_dma source(%dma_start3A_15 : memref<10000x128xf32, #tpu.memory_space<hbm>>) target(%arg10 : memref<64x128xf32, #tpu.memory_space<vmem>>) offsets(%dma_start3A_12 : memref<64xi32, #tpu.memory_space<vmem>>) semaphore(%arg15 : memref<!tpu.dma_semaphore, #tpu.memory_space<semaphore_mem>>)
    %dma_start3A_16 = arith.constant 2 : i32
    %dma_start3A_17 = arith.constant 0 : i32
    %dma_start3A_18 = tpu.memref_slice %arg7[%dma_start3A_16, %dma_start3A_17] : memref<40x64xi32, #tpu.memory_space<vmem>> -> memref<1x64xi32, #tpu.memory_space<vmem>>
    %dma_start3A_19 = tpu.memref_squeeze %dma_start3A_18 : memref<1x64xi32, #tpu.memory_space<vmem>> -> memref<64xi32, #tpu.memory_space<vmem>>
    %dma_start3A_20 = arith.constant 0 : i32
    %dma_start3A_21 = arith.constant 0 : i32
    %dma_start3A_22 = tpu.memref_slice %arg4[%dma_start3A_20, %dma_start3A_21] : memref<10000x128xf32, #tpu.memory_space<hbm>> -> memref<10000x128xf32, #tpu.memory_space<hbm>>
    tpu.enqueue_indirect_dma source(%dma_start3A_22 : memref<10000x128xf32, #tpu.memory_space<hbm>>) target(%arg11 : memref<64x128xf32, #tpu.memory_space<vmem>>) offsets(%dma_start3A_19 : memref<64xi32, #tpu.memory_space<vmem>>) semaphore(%arg16 : memref<!tpu.dma_semaphore, #tpu.memory_space<semaphore_mem>>)
    %dma_start3A_23 = arith.constant 3 : i32
    %dma_start3A_24 = arith.constant 0 : i32
    %dma_start3A_25 = tpu.memref_slice %arg7[%dma_start3A_23, %dma_start3A_24] : memref<40x64xi32, #tpu.memory_space<vmem>> -> memref<1x64xi32, #tpu.memory_space<vmem>>
    %dma_start3A_26 = tpu.memref_squeeze %dma_start3A_25 : memref<1x64xi32, #tpu.memory_space<vmem>> -> memref<64xi32, #tpu.memory_space<vmem>>
    %dma_start3A_27 = arith.constant 0 : i32
    %dma_start3A_28 = arith.constant 0 : i32
    %dma_start3A_29 = tpu.memref_slice %arg4[%dma_start3A_27, %dma_start3A_28] : memref<10000x128xf32, #tpu.memory_space<hbm>> -> memref<10000x128xf32, #tpu.memory_space<hbm>>
    tpu.enqueue_indirect_dma source(%dma_start3A_29 : memref<10000x128xf32, #tpu.memory_space<hbm>>) target(%arg12 : memref<64x128xf32, #tpu.memory_space<vmem>>) offsets(%dma_start3A_26 : memref<64xi32, #tpu.memory_space<vmem>>) semaphore(%arg17 : memref<!tpu.dma_semaphore, #tpu.memory_space<semaphore_mem>>)
    %scan3A = arith.constant 0 : i32
    %scan3A_30 = arith.constant 0 : i32
    %scan3A_31 = arith.constant 9 : i32
    %scan3A_32 = arith.addi %scan3A_30, %scan3A_31 : i32
    %scan3A_33 = arith.constant 1 : i32
    scf.for %scan3A_477 = %scan3A_30 to %scan3A_32 step %scan3A_33  : i32 {
      %mul3A_478 = arith.constant 4 : i32
      %mul3A_479 = arith.muli %scan3A_477, %mul3A_478 : i32
      %add3A_480 = arith.constant 0 : i32
      %add3A_481 = arith.addi %mul3A_479, %add3A_480 : i32
      %dma_wait3A_482 = arith.constant 0 : i32
      %dma_wait3A_483 = tpu.memref_slice %arg7[%add3A_481, %dma_wait3A_482] : memref<40x64xi32, #tpu.memory_space<vmem>> -> memref<1x64xi32, #tpu.memory_space<vmem>>
      %dma_wait3A_484 = tpu.memref_squeeze %dma_wait3A_483 : memref<1x64xi32, #tpu.memory_space<vmem>> -> memref<64xi32, #tpu.memory_space<vmem>>
      %dma_wait3A_485 = arith.constant 0 : i32
      %dma_wait3A_486 = arith.constant 0 : i32
      %dma_wait3A_487 = tpu.memref_slice %arg4[%dma_wait3A_485, %dma_wait3A_486] : memref<10000x128xf32, #tpu.memory_space<hbm>> -> memref<10000x128xf32, #tpu.memory_space<hbm>>
      tpu.wait_indirect_dma semaphore(%arg14 : memref<!tpu.dma_semaphore, #tpu.memory_space<semaphore_mem>>) src(%dma_wait3A_487 : memref<10000x128xf32, #tpu.memory_space<hbm>>) dst(%arg9 : memref<64x128xf32, #tpu.memory_space<vmem>>)
      %add3A_488 = arith.constant 0 : i32
      %add3A_489 = arith.addi %mul3A_479, %add3A_488 : i32
      %dma_start3A_490 = arith.constant 0 : i32
      %dma_start3A_491 = tpu.memref_slice %arg8[%add3A_489, %dma_start3A_490] : memref<40x64xi32, #tpu.memory_space<vmem>> -> memref<1x64xi32, #tpu.memory_space<vmem>>
      %dma_start3A_492 = tpu.memref_squeeze %dma_start3A_491 : memref<1x64xi32, #tpu.memory_space<vmem>> -> memref<64xi32, #tpu.memory_space<vmem>>
      %dma_start3A_493 = arith.constant 0 : i32
      %dma_start3A_494 = arith.constant 0 : i32
      %dma_start3A_495 = tpu.memref_slice %arg13[%dma_start3A_493, %dma_start3A_494] : memref<10240x128xf32, #tpu.memory_space<vmem_shared>> -> memref<10240x128xf32, #tpu.memory_space<vmem_shared>>
      tpu.enqueue_indirect_dma source(%arg9 : memref<64x128xf32, #tpu.memory_space<vmem>>) target(%dma_start3A_495 : memref<10240x128xf32, #tpu.memory_space<vmem_shared>>) offsets(%dma_start3A_492 : memref<64xi32, #tpu.memory_space<vmem>>) semaphore(%arg18 : memref<!tpu.dma_semaphore, #tpu.memory_space<semaphore_mem>>) {add = true}
      %add3A_496 = arith.constant 1 : i32
      %add3A_497 = arith.addi %mul3A_479, %add3A_496 : i32
      %dma_wait3A_498 = arith.constant 0 : i32
      %dma_wait3A_499 = tpu.memref_slice %arg7[%add3A_497, %dma_wait3A_498] : memref<40x64xi32, #tpu.memory_space<vmem>> -> memref<1x64xi32, #tpu.memory_space<vmem>>
      %dma_wait3A_500 = tpu.memref_squeeze %dma_wait3A_499 : memref<1x64xi32, #tpu.memory_space<vmem>> -> memref<64xi32, #tpu.memory_space<vmem>>
      %dma_wait3A_501 = arith.constant 0 : i32
      %dma_wait3A_502 = arith.constant 0 : i32
      %dma_wait3A_503 = tpu.memref_slice %arg4[%dma_wait3A_501, %dma_wait3A_502] : memref<10000x128xf32, #tpu.memory_space<hbm>> -> memref<10000x128xf32, #tpu.memory_space<hbm>>
      tpu.wait_indirect_dma semaphore(%arg15 : memref<!tpu.dma_semaphore, #tpu.memory_space<semaphore_mem>>) src(%dma_wait3A_503 : memref<10000x128xf32, #tpu.memory_space<hbm>>) dst(%arg10 : memref<64x128xf32, #tpu.memory_space<vmem>>)
      %add3A_504 = arith.constant 1 : i32
      %add3A_505 = arith.addi %mul3A_479, %add3A_504 : i32
      %dma_start3A_506 = arith.constant 0 : i32
      %dma_start3A_507 = tpu.memref_slice %arg8[%add3A_505, %dma_start3A_506] : memref<40x64xi32, #tpu.memory_space<vmem>> -> memref<1x64xi32, #tpu.memory_space<vmem>>
      %dma_start3A_508 = tpu.memref_squeeze %dma_start3A_507 : memref<1x64xi32, #tpu.memory_space<vmem>> -> memref<64xi32, #tpu.memory_space<vmem>>
      %dma_start3A_509 = arith.constant 0 : i32
      %dma_start3A_510 = arith.constant 0 : i32
      %dma_start3A_511 = tpu.memref_slice %arg13[%dma_start3A_509, %dma_start3A_510] : memref<10240x128xf32, #tpu.memory_space<vmem_shared>> -> memref<10240x128xf32, #tpu.memory_space<vmem_shared>>
      tpu.enqueue_indirect_dma source(%arg10 : memref<64x128xf32, #tpu.memory_space<vmem>>) target(%dma_start3A_511 : memref<10240x128xf32, #tpu.memory_space<vmem_shared>>) offsets(%dma_start3A_508 : memref<64xi32, #tpu.memory_space<vmem>>) semaphore(%arg19 : memref<!tpu.dma_semaphore, #tpu.memory_space<semaphore_mem>>) {add = true}
      %add3A_512 = arith.constant 2 : i32
      %add3A_513 = arith.addi %mul3A_479, %add3A_512 : i32
      %dma_wait3A_514 = arith.constant 0 : i32
      %dma_wait3A_515 = tpu.memref_slice %arg7[%add3A_513, %dma_wait3A_514] : memref<40x64xi32, #tpu.memory_space<vmem>> -> memref<1x64xi32, #tpu.memory_space<vmem>>
      %dma_wait3A_516 = tpu.memref_squeeze %dma_wait3A_515 : memref<1x64xi32, #tpu.memory_space<vmem>> -> memref<64xi32, #tpu.memory_space<vmem>>
      %dma_wait3A_517 = arith.constant 0 : i32
      %dma_wait3A_518 = arith.constant 0 : i32
      %dma_wait3A_519 = tpu.memref_slice %arg4[%dma_wait3A_517, %dma_wait3A_518] : memref<10000x128xf32, #tpu.memory_space<hbm>> -> memref<10000x128xf32, #tpu.memory_space<hbm>>
      tpu.wait_indirect_dma semaphore(%arg16 : memref<!tpu.dma_semaphore, #tpu.memory_space<semaphore_mem>>) src(%dma_wait3A_519 : memref<10000x128xf32, #tpu.memory_space<hbm>>) dst(%arg11 : memref<64x128xf32, #tpu.memory_space<vmem>>)
      %add3A_520 = arith.constant 2 : i32
      %add3A_521 = arith.addi %mul3A_479, %add3A_520 : i32
      %dma_start3A_522 = arith.constant 0 : i32
      %dma_start3A_523 = tpu.memref_slice %arg8[%add3A_521, %dma_start3A_522] : memref<40x64xi32, #tpu.memory_space<vmem>> -> memref<1x64xi32, #tpu.memory_space<vmem>>
      %dma_start3A_524 = tpu.memref_squeeze %dma_start3A_523 : memref<1x64xi32, #tpu.memory_space<vmem>> -> memref<64xi32, #tpu.memory_space<vmem>>
      %dma_start3A_525 = arith.constant 0 : i32
      %dma_start3A_526 = arith.constant 0 : i32
      %dma_start3A_527 = tpu.memref_slice %arg13[%dma_start3A_525, %dma_start3A_526] : memref<10240x128xf32, #tpu.memory_space<vmem_shared>> -> memref<10240x128xf32, #tpu.memory_space<vmem_shared>>
      tpu.enqueue_indirect_dma source(%arg11 : memref<64x128xf32, #tpu.memory_space<vmem>>) target(%dma_start3A_527 : memref<10240x128xf32, #tpu.memory_space<vmem_shared>>) offsets(%dma_start3A_524 : memref<64xi32, #tpu.memory_space<vmem>>) semaphore(%arg20 : memref<!tpu.dma_semaphore, #tpu.memory_space<semaphore_mem>>) {add = true}
      %add3A_528 = arith.constant 3 : i32
      %add3A_529 = arith.addi %mul3A_479, %add3A_528 : i32
      %dma_wait3A_530 = arith.constant 0 : i32
      %dma_wait3A_531 = tpu.memref_slice %arg7[%add3A_529, %dma_wait3A_530] : memref<40x64xi32, #tpu.memory_space<vmem>> -> memref<1x64xi32, #tpu.memory_space<vmem>>
      %dma_wait3A_532 = tpu.memref_squeeze %dma_wait3A_531 : memref<1x64xi32, #tpu.memory_space<vmem>> -> memref<64xi32, #tpu.memory_space<vmem>>
      %dma_wait3A_533 = arith.constant 0 : i32
      %dma_wait3A_534 = arith.constant 0 : i32
      %dma_wait3A_535 = tpu.memref_slice %arg4[%dma_wait3A_533, %dma_wait3A_534] : memref<10000x128xf32, #tpu.memory_space<hbm>> -> memref<10000x128xf32, #tpu.memory_space<hbm>>
      tpu.wait_indirect_dma semaphore(%arg17 : memref<!tpu.dma_semaphore, #tpu.memory_space<semaphore_mem>>) src(%dma_wait3A_535 : memref<10000x128xf32, #tpu.memory_space<hbm>>) dst(%arg12 : memref<64x128xf32, #tpu.memory_space<vmem>>)
      %add3A_536 = arith.constant 3 : i32
      %add3A_537 = arith.addi %mul3A_479, %add3A_536 : i32
      %dma_start3A_538 = arith.constant 0 : i32
      %dma_start3A_539 = tpu.memref_slice %arg8[%add3A_537, %dma_start3A_538] : memref<40x64xi32, #tpu.memory_space<vmem>> -> memref<1x64xi32, #tpu.memory_space<vmem>>
      %dma_start3A_540 = tpu.memref_squeeze %dma_start3A_539 : memref<1x64xi32, #tpu.memory_space<vmem>> -> memref<64xi32, #tpu.memory_space<vmem>>
      %dma_start3A_541 = arith.constant 0 : i32
      %dma_start3A_542 = arith.constant 0 : i32
      %dma_start3A_543 = tpu.memref_slice %arg13[%dma_start3A_541, %dma_start3A_542] : memref<10240x128xf32, #tpu.memory_space<vmem_shared>> -> memref<10240x128xf32, #tpu.memory_space<vmem_shared>>
      tpu.enqueue_indirect_dma source(%arg12 : memref<64x128xf32, #tpu.memory_space<vmem>>) target(%dma_start3A_543 : memref<10240x128xf32, #tpu.memory_space<vmem_shared>>) offsets(%dma_start3A_540 : memref<64xi32, #tpu.memory_space<vmem>>) semaphore(%arg21 : memref<!tpu.dma_semaphore, #tpu.memory_space<semaphore_mem>>) {add = true}
      %add3A_544 = arith.constant 4 : i32
      %add3A_545 = arith.addi %mul3A_479, %add3A_544 : i32
      %add3A_546 = arith.constant 0 : i32
      %add3A_547 = arith.addi %mul3A_479, %add3A_546 : i32
      %dma_wait3A_548 = arith.constant 0 : i32
      %dma_wait3A_549 = tpu.memref_slice %arg7[%add3A_547, %dma_wait3A_548] : memref<40x64xi32, #tpu.memory_space<vmem>> -> memref<1x64xi32, #tpu.memory_space<vmem>>
      %dma_wait3A_550 = tpu.memref_squeeze %dma_wait3A_549 : memref<1x64xi32, #tpu.memory_space<vmem>> -> memref<64xi32, #tpu.memory_space<vmem>>
      %dma_wait3A_551 = arith.constant 0 : i32
      %dma_wait3A_552 = arith.constant 0 : i32
      %dma_wait3A_553 = tpu.memref_slice %arg4[%dma_wait3A_551, %dma_wait3A_552] : memref<10000x128xf32, #tpu.memory_space<hbm>> -> memref<10000x128xf32, #tpu.memory_space<hbm>>
      tpu.wait_indirect_dma semaphore(%arg18 : memref<!tpu.dma_semaphore, #tpu.memory_space<semaphore_mem>>) src(%dma_wait3A_553 : memref<10000x128xf32, #tpu.memory_space<hbm>>) dst(%arg9 : memref<64x128xf32, #tpu.memory_space<vmem>>)
      %add3A_554 = arith.constant 0 : i32
      %add3A_555 = arith.addi %add3A_545, %add3A_554 : i32
      %dma_start3A_556 = arith.constant 0 : i32
      %dma_start3A_557 = tpu.memref_slice %arg7[%add3A_555, %dma_start3A_556] : memref<40x64xi32, #tpu.memory_space<vmem>> -> memref<1x64xi32, #tpu.memory_space<vmem>>
      %dma_start3A_558 = tpu.memref_squeeze %dma_start3A_557 : memref<1x64xi32, #tpu.memory_space<vmem>> -> memref<64xi32, #tpu.memory_space<vmem>>
      %dma_start3A_559 = arith.constant 0 : i32
      %dma_start3A_560 = arith.constant 0 : i32
      %dma_start3A_561 = tpu.memref_slice %arg4[%dma_start3A_559, %dma_start3A_560] : memref<10000x128xf32, #tpu.memory_space<hbm>> -> memref<10000x128xf32, #tpu.memory_space<hbm>>
      tpu.enqueue_indirect_dma source(%dma_start3A_561 : memref<10000x128xf32, #tpu.memory_space<hbm>>) target(%arg9 : memref<64x128xf32, #tpu.memory_space<vmem>>) offsets(%dma_start3A_558 : memref<64xi32, #tpu.memory_space<vmem>>) semaphore(%arg14 : memref<!tpu.dma_semaphore, #tpu.memory_space<semaphore_mem>>)
      %add3A_562 = arith.constant 1 : i32
      %add3A_563 = arith.addi %mul3A_479, %add3A_562 : i32
      %dma_wait3A_564 = arith.constant 0 : i32
      %dma_wait3A_565 = tpu.memref_slice %arg7[%add3A_563, %dma_wait3A_564] : memref<40x64xi32, #tpu.memory_space<vmem>> -> memref<1x64xi32, #tpu.memory_space<vmem>>
      %dma_wait3A_566 = tpu.memref_squeeze %dma_wait3A_565 : memref<1x64xi32, #tpu.memory_space<vmem>> -> memref<64xi32, #tpu.memory_space<vmem>>
      %dma_wait3A_567 = arith.constant 0 : i32
      %dma_wait3A_568 = arith.constant 0 : i32
      %dma_wait3A_569 = tpu.memref_slice %arg4[%dma_wait3A_567, %dma_wait3A_568] : memref<10000x128xf32, #tpu.memory_space<hbm>> -> memref<10000x128xf32, #tpu.memory_space<hbm>>
      tpu.wait_indirect_dma semaphore(%arg19 : memref<!tpu.dma_semaphore, #tpu.memory_space<semaphore_mem>>) src(%dma_wait3A_569 : memref<10000x128xf32, #tpu.memory_space<hbm>>) dst(%arg10 : memref<64x128xf32, #tpu.memory_space<vmem>>)
      %add3A_570 = arith.constant 1 : i32
      %add3A_571 = arith.addi %add3A_545, %add3A_570 : i32
      %dma_start3A_572 = arith.constant 0 : i32
      %dma_start3A_573 = tpu.memref_slice %arg7[%add3A_571, %dma_start3A_572] : memref<40x64xi32, #tpu.memory_space<vmem>> -> memref<1x64xi32, #tpu.memory_space<vmem>>
      %dma_start3A_574 = tpu.memref_squeeze %dma_start3A_573 : memref<1x64xi32, #tpu.memory_space<vmem>> -> memref<64xi32, #tpu.memory_space<vmem>>
      %dma_start3A_575 = arith.constant 0 : i32
      %dma_start3A_576 = arith.constant 0 : i32
      %dma_start3A_577 = tpu.memref_slice %arg4[%dma_start3A_575, %dma_start3A_576] : memref<10000x128xf32, #tpu.memory_space<hbm>> -> memref<10000x128xf32, #tpu.memory_space<hbm>>
      tpu.enqueue_indirect_dma source(%dma_start3A_577 : memref<10000x128xf32, #tpu.memory_space<hbm>>) target(%arg10 : memref<64x128xf32, #tpu.memory_space<vmem>>) offsets(%dma_start3A_574 : memref<64xi32, #tpu.memory_space<vmem>>) semaphore(%arg15 : memref<!tpu.dma_semaphore, #tpu.memory_space<semaphore_mem>>)
      %add3A_578 = arith.constant 2 : i32
      %add3A_579 = arith.addi %mul3A_479, %add3A_578 : i32
      %dma_wait3A_580 = arith.constant 0 : i32
      %dma_wait3A_581 = tpu.memref_slice %arg7[%add3A_579, %dma_wait3A_580] : memref<40x64xi32, #tpu.memory_space<vmem>> -> memref<1x64xi32, #tpu.memory_space<vmem>>
      %dma_wait3A_582 = tpu.memref_squeeze %dma_wait3A_581 : memref<1x64xi32, #tpu.memory_space<vmem>> -> memref<64xi32, #tpu.memory_space<vmem>>
      %dma_wait3A_583 = arith.constant 0 : i32
      %dma_wait3A_584 = arith.constant 0 : i32
      %dma_wait3A_585 = tpu.memref_slice %arg4[%dma_wait3A_583, %dma_wait3A_584] : memref<10000x128xf32, #tpu.memory_space<hbm>> -> memref<10000x128xf32, #tpu.memory_space<hbm>>
      tpu.wait_indirect_dma semaphore(%arg20 : memref<!tpu.dma_semaphore, #tpu.memory_space<semaphore_mem>>) src(%dma_wait3A_585 : memref<10000x128xf32, #tpu.memory_space<hbm>>) dst(%arg11 : memref<64x128xf32, #tpu.memory_space<vmem>>)
      %add3A_586 = arith.constant 2 : i32
      %add3A_587 = arith.addi %add3A_545, %add3A_586 : i32
      %dma_start3A_588 = arith.constant 0 : i32
      %dma_start3A_589 = tpu.memref_slice %arg7[%add3A_587, %dma_start3A_588] : memref<40x64xi32, #tpu.memory_space<vmem>> -> memref<1x64xi32, #tpu.memory_space<vmem>>
      %dma_start3A_590 = tpu.memref_squeeze %dma_start3A_589 : memref<1x64xi32, #tpu.memory_space<vmem>> -> memref<64xi32, #tpu.memory_space<vmem>>
      %dma_start3A_591 = arith.constant 0 : i32
      %dma_start3A_592 = arith.constant 0 : i32
      %dma_start3A_593 = tpu.memref_slice %arg4[%dma_start3A_591, %dma_start3A_592] : memref<10000x128xf32, #tpu.memory_space<hbm>> -> memref<10000x128xf32, #tpu.memory_space<hbm>>
      tpu.enqueue_indirect_dma source(%dma_start3A_593 : memref<10000x128xf32, #tpu.memory_space<hbm>>) target(%arg11 : memref<64x128xf32, #tpu.memory_space<vmem>>) offsets(%dma_start3A_590 : memref<64xi32, #tpu.memory_space<vmem>>) semaphore(%arg16 : memref<!tpu.dma_semaphore, #tpu.memory_space<semaphore_mem>>)
      %add3A_594 = arith.constant 3 : i32
      %add3A_595 = arith.addi %mul3A_479, %add3A_594 : i32
      %dma_wait3A_596 = arith.constant 0 : i32
      %dma_wait3A_597 = tpu.memref_slice %arg7[%add3A_595, %dma_wait3A_596] : memref<40x64xi32, #tpu.memory_space<vmem>> -> memref<1x64xi32, #tpu.memory_space<vmem>>
      %dma_wait3A_598 = tpu.memref_squeeze %dma_wait3A_597 : memref<1x64xi32, #tpu.memory_space<vmem>> -> memref<64xi32, #tpu.memory_space<vmem>>
      %dma_wait3A_599 = arith.constant 0 : i32
      %dma_wait3A_600 = arith.constant 0 : i32
      %dma_wait3A_601 = tpu.memref_slice %arg4[%dma_wait3A_599, %dma_wait3A_600] : memref<10000x128xf32, #tpu.memory_space<hbm>> -> memref<10000x128xf32, #tpu.memory_space<hbm>>
      tpu.wait_indirect_dma semaphore(%arg21 : memref<!tpu.dma_semaphore, #tpu.memory_space<semaphore_mem>>) src(%dma_wait3A_601 : memref<10000x128xf32, #tpu.memory_space<hbm>>) dst(%arg12 : memref<64x128xf32, #tpu.memory_space<vmem>>)
      %add3A_602 = arith.constant 3 : i32
      %add3A_603 = arith.addi %add3A_545, %add3A_602 : i32
      %dma_start3A_604 = arith.constant 0 : i32
      %dma_start3A_605 = tpu.memref_slice %arg7[%add3A_603, %dma_start3A_604] : memref<40x64xi32, #tpu.memory_space<vmem>> -> memref<1x64xi32, #tpu.memory_space<vmem>>
      %dma_start3A_606 = tpu.memref_squeeze %dma_start3A_605 : memref<1x64xi32, #tpu.memory_space<vmem>> -> memref<64xi32, #tpu.memory_space<vmem>>
      %dma_start3A_607 = arith.constant 0 : i32
      %dma_start3A_608 = arith.constant 0 : i32
      %dma_start3A_609 = tpu.memref_slice %arg4[%dma_start3A_607, %dma_start3A_608] : memref<10000x128xf32, #tpu.memory_space<hbm>> -> memref<10000x128xf32, #tpu.memory_space<hbm>>
      tpu.enqueue_indirect_dma source(%dma_start3A_609 : memref<10000x128xf32, #tpu.memory_space<hbm>>) target(%arg12 : memref<64x128xf32, #tpu.memory_space<vmem>>) offsets(%dma_start3A_606 : memref<64xi32, #tpu.memory_space<vmem>>) semaphore(%arg17 : memref<!tpu.dma_semaphore, #tpu.memory_space<semaphore_mem>>)
    }
    %scan3A_34 = arith.constant 9 : i32
    %dma_wait3A = arith.constant 36 : i32
    %dma_wait3A_35 = arith.constant 0 : i32
    %dma_wait3A_36 = tpu.memref_slice %arg7[%dma_wait3A, %dma_wait3A_35] : memref<40x64xi32, #tpu.memory_space<vmem>> -> memref<1x64xi32, #tpu.memory_space<vmem>>
    %dma_wait3A_37 = tpu.memref_squeeze %dma_wait3A_36 : memref<1x64xi32, #tpu.memory_space<vmem>> -> memref<64xi32, #tpu.memory_space<vmem>>
    %dma_wait3A_38 = arith.constant 0 : i32
    %dma_wait3A_39 = arith.constant 0 : i32
    %dma_wait3A_40 = tpu.memref_slice %arg4[%dma_wait3A_38, %dma_wait3A_39] : memref<10000x128xf32, #tpu.memory_space<hbm>> -> memref<10000x128xf32, #tpu.memory_space<hbm>>
    tpu.wait_indirect_dma semaphore(%arg14 : memref<!tpu.dma_semaphore, #tpu.memory_space<semaphore_mem>>) src(%dma_wait3A_40 : memref<10000x128xf32, #tpu.memory_space<hbm>>) dst(%arg9 : memref<64x128xf32, #tpu.memory_space<vmem>>)
    %dma_start3A_41 = arith.constant 36 : i32
    %dma_start3A_42 = arith.constant 0 : i32
    %dma_start3A_43 = tpu.memref_slice %arg8[%dma_start3A_41, %dma_start3A_42] : memref<40x64xi32, #tpu.memory_space<vmem>> -> memref<1x64xi32, #tpu.memory_space<vmem>>
    %dma_start3A_44 = tpu.memref_squeeze %dma_start3A_43 : memref<1x64xi32, #tpu.memory_space<vmem>> -> memref<64xi32, #tpu.memory_space<vmem>>
    %dma_start3A_45 = arith.constant 0 : i32
    %dma_start3A_46 = arith.constant 0 : i32
    %dma_start3A_47 = tpu.memref_slice %arg13[%dma_start3A_45, %dma_start3A_46] : memref<10240x128xf32, #tpu.memory_space<vmem_shared>> -> memref<10240x128xf32, #tpu.memory_space<vmem_shared>>
    tpu.enqueue_indirect_dma source(%arg9 : memref<64x128xf32, #tpu.memory_space<vmem>>) target(%dma_start3A_47 : memref<10240x128xf32, #tpu.memory_space<vmem_shared>>) offsets(%dma_start3A_44 : memref<64xi32, #tpu.memory_space<vmem>>) semaphore(%arg18 : memref<!tpu.dma_semaphore, #tpu.memory_space<semaphore_mem>>) {add = true}
    %dma_wait3A_48 = arith.constant 37 : i32
    %dma_wait3A_49 = arith.constant 0 : i32
    %dma_wait3A_50 = tpu.memref_slice %arg7[%dma_wait3A_48, %dma_wait3A_49] : memref<40x64xi32, #tpu.memory_space<vmem>> -> memref<1x64xi32, #tpu.memory_space<vmem>>
    %dma_wait3A_51 = tpu.memref_squeeze %dma_wait3A_50 : memref<1x64xi32, #tpu.memory_space<vmem>> -> memref<64xi32, #tpu.memory_space<vmem>>
    %dma_wait3A_52 = arith.constant 0 : i32
    %dma_wait3A_53 = arith.constant 0 : i32
    %dma_wait3A_54 = tpu.memref_slice %arg4[%dma_wait3A_52, %dma_wait3A_53] : memref<10000x128xf32, #tpu.memory_space<hbm>> -> memref<10000x128xf32, #tpu.memory_space<hbm>>
    tpu.wait_indirect_dma semaphore(%arg15 : memref<!tpu.dma_semaphore, #tpu.memory_space<semaphore_mem>>) src(%dma_wait3A_54 : memref<10000x128xf32, #tpu.memory_space<hbm>>) dst(%arg10 : memref<64x128xf32, #tpu.memory_space<vmem>>)
    %dma_start3A_55 = arith.constant 37 : i32
    %dma_start3A_56 = arith.constant 0 : i32
    %dma_start3A_57 = tpu.memref_slice %arg8[%dma_start3A_55, %dma_start3A_56] : memref<40x64xi32, #tpu.memory_space<vmem>> -> memref<1x64xi32, #tpu.memory_space<vmem>>
    %dma_start3A_58 = tpu.memref_squeeze %dma_start3A_57 : memref<1x64xi32, #tpu.memory_space<vmem>> -> memref<64xi32, #tpu.memory_space<vmem>>
    %dma_start3A_59 = arith.constant 0 : i32
    %dma_start3A_60 = arith.constant 0 : i32
    %dma_start3A_61 = tpu.memref_slice %arg13[%dma_start3A_59, %dma_start3A_60] : memref<10240x128xf32, #tpu.memory_space<vmem_shared>> -> memref<10240x128xf32, #tpu.memory_space<vmem_shared>>
    tpu.enqueue_indirect_dma source(%arg10 : memref<64x128xf32, #tpu.memory_space<vmem>>) target(%dma_start3A_61 : memref<10240x128xf32, #tpu.memory_space<vmem_shared>>) offsets(%dma_start3A_58 : memref<64xi32, #tpu.memory_space<vmem>>) semaphore(%arg19 : memref<!tpu.dma_semaphore, #tpu.memory_space<semaphore_mem>>) {add = true}
    %dma_wait3A_62 = arith.constant 38 : i32
    %dma_wait3A_63 = arith.constant 0 : i32
    %dma_wait3A_64 = tpu.memref_slice %arg7[%dma_wait3A_62, %dma_wait3A_63] : memref<40x64xi32, #tpu.memory_space<vmem>> -> memref<1x64xi32, #tpu.memory_space<vmem>>
    %dma_wait3A_65 = tpu.memref_squeeze %dma_wait3A_64 : memref<1x64xi32, #tpu.memory_space<vmem>> -> memref<64xi32, #tpu.memory_space<vmem>>
    %dma_wait3A_66 = arith.constant 0 : i32
    %dma_wait3A_67 = arith.constant 0 : i32
    %dma_wait3A_68 = tpu.memref_slice %arg4[%dma_wait3A_66, %dma_wait3A_67] : memref<10000x128xf32, #tpu.memory_space<hbm>> -> memref<10000x128xf32, #tpu.memory_space<hbm>>
    tpu.wait_indirect_dma semaphore(%arg16 : memref<!tpu.dma_semaphore, #tpu.memory_space<semaphore_mem>>) src(%dma_wait3A_68 : memref<10000x128xf32, #tpu.memory_space<hbm>>) dst(%arg11 : memref<64x128xf32, #tpu.memory_space<vmem>>)
    %dma_start3A_69 = arith.constant 38 : i32
    %dma_start3A_70 = arith.constant 0 : i32
    %dma_start3A_71 = tpu.memref_slice %arg8[%dma_start3A_69, %dma_start3A_70] : memref<40x64xi32, #tpu.memory_space<vmem>> -> memref<1x64xi32, #tpu.memory_space<vmem>>
    %dma_start3A_72 = tpu.memref_squeeze %dma_start3A_71 : memref<1x64xi32, #tpu.memory_space<vmem>> -> memref<64xi32, #tpu.memory_space<vmem>>
    %dma_start3A_73 = arith.constant 0 : i32
    %dma_start3A_74 = arith.constant 0 : i32
    %dma_start3A_75 = tpu.memref_slice %arg13[%dma_start3A_73, %dma_start3A_74] : memref<10240x128xf32, #tpu.memory_space<vmem_shared>> -> memref<10240x128xf32, #tpu.memory_space<vmem_shared>>
    tpu.enqueue_indirect_dma source(%arg11 : memref<64x128xf32, #tpu.memory_space<vmem>>) target(%dma_start3A_75 : memref<10240x128xf32, #tpu.memory_space<vmem_shared>>) offsets(%dma_start3A_72 : memref<64xi32, #tpu.memory_space<vmem>>) semaphore(%arg20 : memref<!tpu.dma_semaphore, #tpu.memory_space<semaphore_mem>>) {add = true}
    %dma_wait3A_76 = arith.constant 39 : i32
    %dma_wait3A_77 = arith.constant 0 : i32
    %dma_wait3A_78 = tpu.memref_slice %arg7[%dma_wait3A_76, %dma_wait3A_77] : memref<40x64xi32, #tpu.memory_space<vmem>> -> memref<1x64xi32, #tpu.memory_space<vmem>>
    %dma_wait3A_79 = tpu.memref_squeeze %dma_wait3A_78 : memref<1x64xi32, #tpu.memory_space<vmem>> -> memref<64xi32, #tpu.memory_space<vmem>>
    %dma_wait3A_80 = arith.constant 0 : i32
    %dma_wait3A_81 = arith.constant 0 : i32
    %dma_wait3A_82 = tpu.memref_slice %arg4[%dma_wait3A_80, %dma_wait3A_81] : memref<10000x128xf32, #tpu.memory_space<hbm>> -> memref<10000x128xf32, #tpu.memory_space<hbm>>
    tpu.wait_indirect_dma semaphore(%arg17 : memref<!tpu.dma_semaphore, #tpu.memory_space<semaphore_mem>>) src(%dma_wait3A_82 : memref<10000x128xf32, #tpu.memory_space<hbm>>) dst(%arg12 : memref<64x128xf32, #tpu.memory_space<vmem>>)
    %dma_start3A_83 = arith.constant 39 : i32
    %dma_start3A_84 = arith.constant 0 : i32
    %dma_start3A_85 = tpu.memref_slice %arg8[%dma_start3A_83, %dma_start3A_84] : memref<40x64xi32, #tpu.memory_space<vmem>> -> memref<1x64xi32, #tpu.memory_space<vmem>>
    %dma_start3A_86 = tpu.memref_squeeze %dma_start3A_85 : memref<1x64xi32, #tpu.memory_space<vmem>> -> memref<64xi32, #tpu.memory_space<vmem>>
    %dma_start3A_87 = arith.constant 0 : i32
    %dma_start3A_88 = arith.constant 0 : i32
    %dma_start3A_89 = tpu.memref_slice %arg13[%dma_start3A_87, %dma_start3A_88] : memref<10240x128xf32, #tpu.memory_space<vmem_shared>> -> memref<10240x128xf32, #tpu.memory_space<vmem_shared>>
    tpu.enqueue_indirect_dma source(%arg12 : memref<64x128xf32, #tpu.memory_space<vmem>>) target(%dma_start3A_89 : memref<10240x128xf32, #tpu.memory_space<vmem_shared>>) offsets(%dma_start3A_86 : memref<64xi32, #tpu.memory_space<vmem>>) semaphore(%arg21 : memref<!tpu.dma_semaphore, #tpu.memory_space<semaphore_mem>>) {add = true}
    %dma_wait3A_90 = arith.constant 36 : i32
    %dma_wait3A_91 = arith.constant 0 : i32
    %dma_wait3A_92 = tpu.memref_slice %arg7[%dma_wait3A_90, %dma_wait3A_91] : memref<40x64xi32, #tpu.memory_space<vmem>> -> memref<1x64xi32, #tpu.memory_space<vmem>>
    %dma_wait3A_93 = tpu.memref_squeeze %dma_wait3A_92 : memref<1x64xi32, #tpu.memory_space<vmem>> -> memref<64xi32, #tpu.memory_space<vmem>>
    %dma_wait3A_94 = arith.constant 0 : i32
    %dma_wait3A_95 = arith.constant 0 : i32
    %dma_wait3A_96 = tpu.memref_slice %arg4[%dma_wait3A_94, %dma_wait3A_95] : memref<10000x128xf32, #tpu.memory_space<hbm>> -> memref<10000x128xf32, #tpu.memory_space<hbm>>
    tpu.wait_indirect_dma semaphore(%arg18 : memref<!tpu.dma_semaphore, #tpu.memory_space<semaphore_mem>>) src(%dma_wait3A_96 : memref<10000x128xf32, #tpu.memory_space<hbm>>) dst(%arg9 : memref<64x128xf32, #tpu.memory_space<vmem>>)
    %dma_wait3A_97 = arith.constant 37 : i32
    %dma_wait3A_98 = arith.constant 0 : i32
    %dma_wait3A_99 = tpu.memref_slice %arg7[%dma_wait3A_97, %dma_wait3A_98] : memref<40x64xi32, #tpu.memory_space<vmem>> -> memref<1x64xi32, #tpu.memory_space<vmem>>
    %dma_wait3A_100 = tpu.memref_squeeze %dma_wait3A_99 : memref<1x64xi32, #tpu.memory_space<vmem>> -> memref<64xi32, #tpu.memory_space<vmem>>
    %dma_wait3A_101 = arith.constant 0 : i32
    %dma_wait3A_102 = arith.constant 0 : i32
    %dma_wait3A_103 = tpu.memref_slice %arg4[%dma_wait3A_101, %dma_wait3A_102] : memref<10000x128xf32, #tpu.memory_space<hbm>> -> memref<10000x128xf32, #tpu.memory_space<hbm>>
    tpu.wait_indirect_dma semaphore(%arg19 : memref<!tpu.dma_semaphore, #tpu.memory_space<semaphore_mem>>) src(%dma_wait3A_103 : memref<10000x128xf32, #tpu.memory_space<hbm>>) dst(%arg10 : memref<64x128xf32, #tpu.memory_space<vmem>>)
    %dma_wait3A_104 = arith.constant 38 : i32
    %dma_wait3A_105 = arith.constant 0 : i32
    %dma_wait3A_106 = tpu.memref_slice %arg7[%dma_wait3A_104, %dma_wait3A_105] : memref<40x64xi32, #tpu.memory_space<vmem>> -> memref<1x64xi32, #tpu.memory_space<vmem>>
    %dma_wait3A_107 = tpu.memref_squeeze %dma_wait3A_106 : memref<1x64xi32, #tpu.memory_space<vmem>> -> memref<64xi32, #tpu.memory_space<vmem>>
    %dma_wait3A_108 = arith.constant 0 : i32
    %dma_wait3A_109 = arith.constant 0 : i32
    %dma_wait3A_110 = tpu.memref_slice %arg4[%dma_wait3A_108, %dma_wait3A_109] : memref<10000x128xf32, #tpu.memory_space<hbm>> -> memref<10000x128xf32, #tpu.memory_space<hbm>>
    tpu.wait_indirect_dma semaphore(%arg20 : memref<!tpu.dma_semaphore, #tpu.memory_space<semaphore_mem>>) src(%dma_wait3A_110 : memref<10000x128xf32, #tpu.memory_space<hbm>>) dst(%arg11 : memref<64x128xf32, #tpu.memory_space<vmem>>)
    %dma_wait3A_111 = arith.constant 39 : i32
    %dma_wait3A_112 = arith.constant 0 : i32
    %dma_wait3A_113 = tpu.memref_slice %arg7[%dma_wait3A_111, %dma_wait3A_112] : memref<40x64xi32, #tpu.memory_space<vmem>> -> memref<1x64xi32, #tpu.memory_space<vmem>>
    %dma_wait3A_114 = tpu.memref_squeeze %dma_wait3A_113 : memref<1x64xi32, #tpu.memory_space<vmem>> -> memref<64xi32, #tpu.memory_space<vmem>>
    %dma_wait3A_115 = arith.constant 0 : i32
    %dma_wait3A_116 = arith.constant 0 : i32
    %dma_wait3A_117 = tpu.memref_slice %arg4[%dma_wait3A_115, %dma_wait3A_116] : memref<10000x128xf32, #tpu.memory_space<hbm>> -> memref<10000x128xf32, #tpu.memory_space<hbm>>
    tpu.wait_indirect_dma semaphore(%arg21 : memref<!tpu.dma_semaphore, #tpu.memory_space<semaphore_mem>>) src(%dma_wait3A_117 : memref<10000x128xf32, #tpu.memory_space<hbm>>) dst(%arg12 : memref<64x128xf32, #tpu.memory_space<vmem>>)
    "tpu.region"() ({
      %run_scoped3A = tpu.sem_alloc : memref<!tpu.dma_semaphore, #tpu.memory_space<semaphore_mem>>
      %dma_start3A_477 = arith.constant 40 : i32
      %dma_start3A_478 = arith.constant 0 : i32
      %dma_start3A_479 = tpu.memref_slice %arg2[%add3A, %dma_start3A_477, %dma_start3A_478] : memref<32x160x64xi32, #tpu.memory_space<hbm>> -> memref<1x40x64xi32, #tpu.memory_space<hbm>>
      %dma_start3A_480 = tpu.memref_squeeze %dma_start3A_479 : memref<1x40x64xi32, #tpu.memory_space<hbm>> -> memref<40x64xi32, #tpu.memory_space<hbm>>
      %dma_start3A_481 = arith.constant 40 : i32
      %dma_start3A_482 = arith.constant 0 : i32
      %dma_start3A_483 = tpu.memref_slice %arg2[%add3A, %dma_start3A_481, %dma_start3A_482] : memref<32x160x64xi32, #tpu.memory_space<hbm>> -> memref<1x40x64xi32, #tpu.memory_space<hbm>>
      %dma_start3A_484 = tpu.memref_squeeze %dma_start3A_483 : memref<1x40x64xi32, #tpu.memory_space<hbm>> -> memref<40x64xi32, #tpu.memory_space<hbm>>
      tpu.enqueue_dma source(%dma_start3A_484 : memref<40x64xi32, #tpu.memory_space<hbm>>) target(%arg7 : memref<40x64xi32, #tpu.memory_space<vmem>>) target_semaphore(%run_scoped3A : memref<!tpu.dma_semaphore, #tpu.memory_space<semaphore_mem>>)
      %dma_wait3A_485 = arith.constant 40 : i32
      %dma_wait3A_486 = arith.constant 0 : i32
      %dma_wait3A_487 = tpu.memref_slice %arg2[%add3A, %dma_wait3A_485, %dma_wait3A_486] : memref<32x160x64xi32, #tpu.memory_space<hbm>> -> memref<1x40x64xi32, #tpu.memory_space<hbm>>
      %dma_wait3A_488 = tpu.memref_squeeze %dma_wait3A_487 : memref<1x40x64xi32, #tpu.memory_space<hbm>> -> memref<40x64xi32, #tpu.memory_space<hbm>>
      %dma_wait3A_489 = arith.constant 40 : i32
      %dma_wait3A_490 = arith.constant 0 : i32
      %dma_wait3A_491 = tpu.memref_slice %arg2[%add3A, %dma_wait3A_489, %dma_wait3A_490] : memref<32x160x64xi32, #tpu.memory_space<hbm>> -> memref<1x40x64xi32, #tpu.memory_space<hbm>>
      %dma_wait3A_492 = tpu.memref_squeeze %dma_wait3A_491 : memref<1x40x64xi32, #tpu.memory_space<hbm>> -> memref<40x64xi32, #tpu.memory_space<hbm>>
      tpu.wait_dma2 semaphore(%run_scoped3A : memref<!tpu.dma_semaphore, #tpu.memory_space<semaphore_mem>>) src(%dma_wait3A_492 : memref<40x64xi32, #tpu.memory_space<hbm>>) dst(%arg7 : memref<40x64xi32, #tpu.memory_space<vmem>>)
      tpu.yield
    }) : () -> ()
    "tpu.region"() ({
      %run_scoped3A = tpu.sem_alloc : memref<!tpu.dma_semaphore, #tpu.memory_space<semaphore_mem>>
      %dma_start3A_477 = arith.constant 40 : i32
      %dma_start3A_478 = arith.constant 0 : i32
      %dma_start3A_479 = tpu.memref_slice %arg3[%add3A, %dma_start3A_477, %dma_start3A_478] : memref<32x160x64xi32, #tpu.memory_space<hbm>> -> memref<1x40x64xi32, #tpu.memory_space<hbm>>
      %dma_start3A_480 = tpu.memref_squeeze %dma_start3A_479 : memref<1x40x64xi32, #tpu.memory_space<hbm>> -> memref<40x64xi32, #tpu.memory_space<hbm>>
      %dma_start3A_481 = arith.constant 40 : i32
      %dma_start3A_482 = arith.constant 0 : i32
      %dma_start3A_483 = tpu.memref_slice %arg3[%add3A, %dma_start3A_481, %dma_start3A_482] : memref<32x160x64xi32, #tpu.memory_space<hbm>> -> memref<1x40x64xi32, #tpu.memory_space<hbm>>
      %dma_start3A_484 = tpu.memref_squeeze %dma_start3A_483 : memref<1x40x64xi32, #tpu.memory_space<hbm>> -> memref<40x64xi32, #tpu.memory_space<hbm>>
      tpu.enqueue_dma source(%dma_start3A_484 : memref<40x64xi32, #tpu.memory_space<hbm>>) target(%arg8 : memref<40x64xi32, #tpu.memory_space<vmem>>) target_semaphore(%run_scoped3A : memref<!tpu.dma_semaphore, #tpu.memory_space<semaphore_mem>>)
      %dma_wait3A_485 = arith.constant 40 : i32
      %dma_wait3A_486 = arith.constant 0 : i32
      %dma_wait3A_487 = tpu.memref_slice %arg3[%add3A, %dma_wait3A_485, %dma_wait3A_486] : memref<32x160x64xi32, #tpu.memory_space<hbm>> -> memref<1x40x64xi32, #tpu.memory_space<hbm>>
      %dma_wait3A_488 = tpu.memref_squeeze %dma_wait3A_487 : memref<1x40x64xi32, #tpu.memory_space<hbm>> -> memref<40x64xi32, #tpu.memory_space<hbm>>
      %dma_wait3A_489 = arith.constant 40 : i32
      %dma_wait3A_490 = arith.constant 0 : i32
      %dma_wait3A_491 = tpu.memref_slice %arg3[%add3A, %dma_wait3A_489, %dma_wait3A_490] : memref<32x160x64xi32, #tpu.memory_space<hbm>> -> memref<1x40x64xi32, #tpu.memory_space<hbm>>
      %dma_wait3A_492 = tpu.memref_squeeze %dma_wait3A_491 : memref<1x40x64xi32, #tpu.memory_space<hbm>> -> memref<40x64xi32, #tpu.memory_space<hbm>>
      tpu.wait_dma2 semaphore(%run_scoped3A : memref<!tpu.dma_semaphore, #tpu.memory_space<semaphore_mem>>) src(%dma_wait3A_492 : memref<40x64xi32, #tpu.memory_space<hbm>>) dst(%arg8 : memref<40x64xi32, #tpu.memory_space<vmem>>)
      tpu.yield
    }) : () -> ()
    %dma_start3A_118 = arith.constant 0 : i32
    %dma_start3A_119 = arith.constant 0 : i32
    %dma_start3A_120 = tpu.memref_slice %arg7[%dma_start3A_118, %dma_start3A_119] : memref<40x64xi32, #tpu.memory_space<vmem>> -> memref<1x64xi32, #tpu.memory_space<vmem>>
    %dma_start3A_121 = tpu.memref_squeeze %dma_start3A_120 : memref<1x64xi32, #tpu.memory_space<vmem>> -> memref<64xi32, #tpu.memory_space<vmem>>
    %dma_start3A_122 = arith.constant 0 : i32
    %dma_start3A_123 = arith.constant 0 : i32
    %dma_start3A_124 = tpu.memref_slice %arg4[%dma_start3A_122, %dma_start3A_123] : memref<10000x128xf32, #tpu.memory_space<hbm>> -> memref<10000x128xf32, #tpu.memory_space<hbm>>
    tpu.enqueue_indirect_dma source(%dma_start3A_124 : memref<10000x128xf32, #tpu.memory_space<hbm>>) target(%arg9 : memref<64x128xf32, #tpu.memory_space<vmem>>) offsets(%dma_start3A_121 : memref<64xi32, #tpu.memory_space<vmem>>) semaphore(%arg14 : memref<!tpu.dma_semaphore, #tpu.memory_space<semaphore_mem>>)
    %dma_start3A_125 = arith.constant 1 : i32
    %dma_start3A_126 = arith.constant 0 : i32
    %dma_start3A_127 = tpu.memref_slice %arg7[%dma_start3A_125, %dma_start3A_126] : memref<40x64xi32, #tpu.memory_space<vmem>> -> memref<1x64xi32, #tpu.memory_space<vmem>>
    %dma_start3A_128 = tpu.memref_squeeze %dma_start3A_127 : memref<1x64xi32, #tpu.memory_space<vmem>> -> memref<64xi32, #tpu.memory_space<vmem>>
    %dma_start3A_129 = arith.constant 0 : i32
    %dma_start3A_130 = arith.constant 0 : i32
    %dma_start3A_131 = tpu.memref_slice %arg4[%dma_start3A_129, %dma_start3A_130] : memref<10000x128xf32, #tpu.memory_space<hbm>> -> memref<10000x128xf32, #tpu.memory_space<hbm>>
    tpu.enqueue_indirect_dma source(%dma_start3A_131 : memref<10000x128xf32, #tpu.memory_space<hbm>>) target(%arg10 : memref<64x128xf32, #tpu.memory_space<vmem>>) offsets(%dma_start3A_128 : memref<64xi32, #tpu.memory_space<vmem>>) semaphore(%arg15 : memref<!tpu.dma_semaphore, #tpu.memory_space<semaphore_mem>>)
    %dma_start3A_132 = arith.constant 2 : i32
    %dma_start3A_133 = arith.constant 0 : i32
    %dma_start3A_134 = tpu.memref_slice %arg7[%dma_start3A_132, %dma_start3A_133] : memref<40x64xi32, #tpu.memory_space<vmem>> -> memref<1x64xi32, #tpu.memory_space<vmem>>
    %dma_start3A_135 = tpu.memref_squeeze %dma_start3A_134 : memref<1x64xi32, #tpu.memory_space<vmem>> -> memref<64xi32, #tpu.memory_space<vmem>>
    %dma_start3A_136 = arith.constant 0 : i32
    %dma_start3A_137 = arith.constant 0 : i32
    %dma_start3A_138 = tpu.memref_slice %arg4[%dma_start3A_136, %dma_start3A_137] : memref<10000x128xf32, #tpu.memory_space<hbm>> -> memref<10000x128xf32, #tpu.memory_space<hbm>>
    tpu.enqueue_indirect_dma source(%dma_start3A_138 : memref<10000x128xf32, #tpu.memory_space<hbm>>) target(%arg11 : memref<64x128xf32, #tpu.memory_space<vmem>>) offsets(%dma_start3A_135 : memref<64xi32, #tpu.memory_space<vmem>>) semaphore(%arg16 : memref<!tpu.dma_semaphore, #tpu.memory_space<semaphore_mem>>)
    %dma_start3A_139 = arith.constant 3 : i32
    %dma_start3A_140 = arith.constant 0 : i32
    %dma_start3A_141 = tpu.memref_slice %arg7[%dma_start3A_139, %dma_start3A_140] : memref<40x64xi32, #tpu.memory_space<vmem>> -> memref<1x64xi32, #tpu.memory_space<vmem>>
    %dma_start3A_142 = tpu.memref_squeeze %dma_start3A_141 : memref<1x64xi32, #tpu.memory_space<vmem>> -> memref<64xi32, #tpu.memory_space<vmem>>
    %dma_start3A_143 = arith.constant 0 : i32
    %dma_start3A_144 = arith.constant 0 : i32
    %dma_start3A_145 = tpu.memref_slice %arg4[%dma_start3A_143, %dma_start3A_144] : memref<10000x128xf32, #tpu.memory_space<hbm>> -> memref<10000x128xf32, #tpu.memory_space<hbm>>
    tpu.enqueue_indirect_dma source(%dma_start3A_145 : memref<10000x128xf32, #tpu.memory_space<hbm>>) target(%arg12 : memref<64x128xf32, #tpu.memory_space<vmem>>) offsets(%dma_start3A_142 : memref<64xi32, #tpu.memory_space<vmem>>) semaphore(%arg17 : memref<!tpu.dma_semaphore, #tpu.memory_space<semaphore_mem>>)
    %scan3A_146 = arith.constant 0 : i32
    %scan3A_147 = arith.constant 0 : i32
    %scan3A_148 = arith.constant 9 : i32
    %scan3A_149 = arith.addi %scan3A_147, %scan3A_148 : i32
    %scan3A_150 = arith.constant 1 : i32
    scf.for %scan3A_477 = %scan3A_147 to %scan3A_149 step %scan3A_150  : i32 {
      %mul3A_478 = arith.constant 4 : i32
      %mul3A_479 = arith.muli %scan3A_477, %mul3A_478 : i32
      %add3A_480 = arith.constant 0 : i32
      %add3A_481 = arith.addi %mul3A_479, %add3A_480 : i32
      %dma_wait3A_482 = arith.constant 0 : i32
      %dma_wait3A_483 = tpu.memref_slice %arg7[%add3A_481, %dma_wait3A_482] : memref<40x64xi32, #tpu.memory_space<vmem>> -> memref<1x64xi32, #tpu.memory_space<vmem>>
      %dma_wait3A_484 = tpu.memref_squeeze %dma_wait3A_483 : memref<1x64xi32, #tpu.memory_space<vmem>> -> memref<64xi32, #tpu.memory_space<vmem>>
      %dma_wait3A_485 = arith.constant 0 : i32
      %dma_wait3A_486 = arith.constant 0 : i32
      %dma_wait3A_487 = tpu.memref_slice %arg4[%dma_wait3A_485, %dma_wait3A_486] : memref<10000x128xf32, #tpu.memory_space<hbm>> -> memref<10000x128xf32, #tpu.memory_space<hbm>>
      tpu.wait_indirect_dma semaphore(%arg14 : memref<!tpu.dma_semaphore, #tpu.memory_space<semaphore_mem>>) src(%dma_wait3A_487 : memref<10000x128xf32, #tpu.memory_space<hbm>>) dst(%arg9 : memref<64x128xf32, #tpu.memory_space<vmem>>)
      %add3A_488 = arith.constant 0 : i32
      %add3A_489 = arith.addi %mul3A_479, %add3A_488 : i32
      %dma_start3A_490 = arith.constant 0 : i32
      %dma_start3A_491 = tpu.memref_slice %arg8[%add3A_489, %dma_start3A_490] : memref<40x64xi32, #tpu.memory_space<vmem>> -> memref<1x64xi32, #tpu.memory_space<vmem>>
      %dma_start3A_492 = tpu.memref_squeeze %dma_start3A_491 : memref<1x64xi32, #tpu.memory_space<vmem>> -> memref<64xi32, #tpu.memory_space<vmem>>
      %dma_start3A_493 = arith.constant 0 : i32
      %dma_start3A_494 = arith.constant 0 : i32
      %dma_start3A_495 = tpu.memref_slice %arg13[%dma_start3A_493, %dma_start3A_494] : memref<10240x128xf32, #tpu.memory_space<vmem_shared>> -> memref<10240x128xf32, #tpu.memory_space<vmem_shared>>
      tpu.enqueue_indirect_dma source(%arg9 : memref<64x128xf32, #tpu.memory_space<vmem>>) target(%dma_start3A_495 : memref<10240x128xf32, #tpu.memory_space<vmem_shared>>) offsets(%dma_start3A_492 : memref<64xi32, #tpu.memory_space<vmem>>) semaphore(%arg18 : memref<!tpu.dma_semaphore, #tpu.memory_space<semaphore_mem>>) {add = true}
      %add3A_496 = arith.constant 1 : i32
      %add3A_497 = arith.addi %mul3A_479, %add3A_496 : i32
      %dma_wait3A_498 = arith.constant 0 : i32
      %dma_wait3A_499 = tpu.memref_slice %arg7[%add3A_497, %dma_wait3A_498] : memref<40x64xi32, #tpu.memory_space<vmem>> -> memref<1x64xi32, #tpu.memory_space<vmem>>
      %dma_wait3A_500 = tpu.memref_squeeze %dma_wait3A_499 : memref<1x64xi32, #tpu.memory_space<vmem>> -> memref<64xi32, #tpu.memory_space<vmem>>
      %dma_wait3A_501 = arith.constant 0 : i32
      %dma_wait3A_502 = arith.constant 0 : i32
      %dma_wait3A_503 = tpu.memref_slice %arg4[%dma_wait3A_501, %dma_wait3A_502] : memref<10000x128xf32, #tpu.memory_space<hbm>> -> memref<10000x128xf32, #tpu.memory_space<hbm>>
      tpu.wait_indirect_dma semaphore(%arg15 : memref<!tpu.dma_semaphore, #tpu.memory_space<semaphore_mem>>) src(%dma_wait3A_503 : memref<10000x128xf32, #tpu.memory_space<hbm>>) dst(%arg10 : memref<64x128xf32, #tpu.memory_space<vmem>>)
      %add3A_504 = arith.constant 1 : i32
      %add3A_505 = arith.addi %mul3A_479, %add3A_504 : i32
      %dma_start3A_506 = arith.constant 0 : i32
      %dma_start3A_507 = tpu.memref_slice %arg8[%add3A_505, %dma_start3A_506] : memref<40x64xi32, #tpu.memory_space<vmem>> -> memref<1x64xi32, #tpu.memory_space<vmem>>
      %dma_start3A_508 = tpu.memref_squeeze %dma_start3A_507 : memref<1x64xi32, #tpu.memory_space<vmem>> -> memref<64xi32, #tpu.memory_space<vmem>>
      %dma_start3A_509 = arith.constant 0 : i32
      %dma_start3A_510 = arith.constant 0 : i32
      %dma_start3A_511 = tpu.memref_slice %arg13[%dma_start3A_509, %dma_start3A_510] : memref<10240x128xf32, #tpu.memory_space<vmem_shared>> -> memref<10240x128xf32, #tpu.memory_space<vmem_shared>>
      tpu.enqueue_indirect_dma source(%arg10 : memref<64x128xf32, #tpu.memory_space<vmem>>) target(%dma_start3A_511 : memref<10240x128xf32, #tpu.memory_space<vmem_shared>>) offsets(%dma_start3A_508 : memref<64xi32, #tpu.memory_space<vmem>>) semaphore(%arg19 : memref<!tpu.dma_semaphore, #tpu.memory_space<semaphore_mem>>) {add = true}
      %add3A_512 = arith.constant 2 : i32
      %add3A_513 = arith.addi %mul3A_479, %add3A_512 : i32
      %dma_wait3A_514 = arith.constant 0 : i32
      %dma_wait3A_515 = tpu.memref_slice %arg7[%add3A_513, %dma_wait3A_514] : memref<40x64xi32, #tpu.memory_space<vmem>> -> memref<1x64xi32, #tpu.memory_space<vmem>>
      %dma_wait3A_516 = tpu.memref_squeeze %dma_wait3A_515 : memref<1x64xi32, #tpu.memory_space<vmem>> -> memref<64xi32, #tpu.memory_space<vmem>>
      %dma_wait3A_517 = arith.constant 0 : i32
      %dma_wait3A_518 = arith.constant 0 : i32
      %dma_wait3A_519 = tpu.memref_slice %arg4[%dma_wait3A_517, %dma_wait3A_518] : memref<10000x128xf32, #tpu.memory_space<hbm>> -> memref<10000x128xf32, #tpu.memory_space<hbm>>
      tpu.wait_indirect_dma semaphore(%arg16 : memref<!tpu.dma_semaphore, #tpu.memory_space<semaphore_mem>>) src(%dma_wait3A_519 : memref<10000x128xf32, #tpu.memory_space<hbm>>) dst(%arg11 : memref<64x128xf32, #tpu.memory_space<vmem>>)
      %add3A_520 = arith.constant 2 : i32
      %add3A_521 = arith.addi %mul3A_479, %add3A_520 : i32
      %dma_start3A_522 = arith.constant 0 : i32
      %dma_start3A_523 = tpu.memref_slice %arg8[%add3A_521, %dma_start3A_522] : memref<40x64xi32, #tpu.memory_space<vmem>> -> memref<1x64xi32, #tpu.memory_space<vmem>>
      %dma_start3A_524 = tpu.memref_squeeze %dma_start3A_523 : memref<1x64xi32, #tpu.memory_space<vmem>> -> memref<64xi32, #tpu.memory_space<vmem>>
      %dma_start3A_525 = arith.constant 0 : i32
      %dma_start3A_526 = arith.constant 0 : i32
      %dma_start3A_527 = tpu.memref_slice %arg13[%dma_start3A_525, %dma_start3A_526] : memref<10240x128xf32, #tpu.memory_space<vmem_shared>> -> memref<10240x128xf32, #tpu.memory_space<vmem_shared>>
      tpu.enqueue_indirect_dma source(%arg11 : memref<64x128xf32, #tpu.memory_space<vmem>>) target(%dma_start3A_527 : memref<10240x128xf32, #tpu.memory_space<vmem_shared>>) offsets(%dma_start3A_524 : memref<64xi32, #tpu.memory_space<vmem>>) semaphore(%arg20 : memref<!tpu.dma_semaphore, #tpu.memory_space<semaphore_mem>>) {add = true}
      %add3A_528 = arith.constant 3 : i32
      %add3A_529 = arith.addi %mul3A_479, %add3A_528 : i32
      %dma_wait3A_530 = arith.constant 0 : i32
      %dma_wait3A_531 = tpu.memref_slice %arg7[%add3A_529, %dma_wait3A_530] : memref<40x64xi32, #tpu.memory_space<vmem>> -> memref<1x64xi32, #tpu.memory_space<vmem>>
      %dma_wait3A_532 = tpu.memref_squeeze %dma_wait3A_531 : memref<1x64xi32, #tpu.memory_space<vmem>> -> memref<64xi32, #tpu.memory_space<vmem>>
      %dma_wait3A_533 = arith.constant 0 : i32
      %dma_wait3A_534 = arith.constant 0 : i32
      %dma_wait3A_535 = tpu.memref_slice %arg4[%dma_wait3A_533, %dma_wait3A_534] : memref<10000x128xf32, #tpu.memory_space<hbm>> -> memref<10000x128xf32, #tpu.memory_space<hbm>>
      tpu.wait_indirect_dma semaphore(%arg17 : memref<!tpu.dma_semaphore, #tpu.memory_space<semaphore_mem>>) src(%dma_wait3A_535 : memref<10000x128xf32, #tpu.memory_space<hbm>>) dst(%arg12 : memref<64x128xf32, #tpu.memory_space<vmem>>)
      %add3A_536 = arith.constant 3 : i32
      %add3A_537 = arith.addi %mul3A_479, %add3A_536 : i32
      %dma_start3A_538 = arith.constant 0 : i32
      %dma_start3A_539 = tpu.memref_slice %arg8[%add3A_537, %dma_start3A_538] : memref<40x64xi32, #tpu.memory_space<vmem>> -> memref<1x64xi32, #tpu.memory_space<vmem>>
      %dma_start3A_540 = tpu.memref_squeeze %dma_start3A_539 : memref<1x64xi32, #tpu.memory_space<vmem>> -> memref<64xi32, #tpu.memory_space<vmem>>
      %dma_start3A_541 = arith.constant 0 : i32
      %dma_start3A_542 = arith.constant 0 : i32
      %dma_start3A_543 = tpu.memref_slice %arg13[%dma_start3A_541, %dma_start3A_542] : memref<10240x128xf32, #tpu.memory_space<vmem_shared>> -> memref<10240x128xf32, #tpu.memory_space<vmem_shared>>
      tpu.enqueue_indirect_dma source(%arg12 : memref<64x128xf32, #tpu.memory_space<vmem>>) target(%dma_start3A_543 : memref<10240x128xf32, #tpu.memory_space<vmem_shared>>) offsets(%dma_start3A_540 : memref<64xi32, #tpu.memory_space<vmem>>) semaphore(%arg21 : memref<!tpu.dma_semaphore, #tpu.memory_space<semaphore_mem>>) {add = true}
      %add3A_544 = arith.constant 4 : i32
      %add3A_545 = arith.addi %mul3A_479, %add3A_544 : i32
      %add3A_546 = arith.constant 0 : i32
      %add3A_547 = arith.addi %mul3A_479, %add3A_546 : i32
      %dma_wait3A_548 = arith.constant 0 : i32
      %dma_wait3A_549 = tpu.memref_slice %arg7[%add3A_547, %dma_wait3A_548] : memref<40x64xi32, #tpu.memory_space<vmem>> -> memref<1x64xi32, #tpu.memory_space<vmem>>
      %dma_wait3A_550 = tpu.memref_squeeze %dma_wait3A_549 : memref<1x64xi32, #tpu.memory_space<vmem>> -> memref<64xi32, #tpu.memory_space<vmem>>
      %dma_wait3A_551 = arith.constant 0 : i32
      %dma_wait3A_552 = arith.constant 0 : i32
      %dma_wait3A_553 = tpu.memref_slice %arg4[%dma_wait3A_551, %dma_wait3A_552] : memref<10000x128xf32, #tpu.memory_space<hbm>> -> memref<10000x128xf32, #tpu.memory_space<hbm>>
      tpu.wait_indirect_dma semaphore(%arg18 : memref<!tpu.dma_semaphore, #tpu.memory_space<semaphore_mem>>) src(%dma_wait3A_553 : memref<10000x128xf32, #tpu.memory_space<hbm>>) dst(%arg9 : memref<64x128xf32, #tpu.memory_space<vmem>>)
      %add3A_554 = arith.constant 0 : i32
      %add3A_555 = arith.addi %add3A_545, %add3A_554 : i32
      %dma_start3A_556 = arith.constant 0 : i32
      %dma_start3A_557 = tpu.memref_slice %arg7[%add3A_555, %dma_start3A_556] : memref<40x64xi32, #tpu.memory_space<vmem>> -> memref<1x64xi32, #tpu.memory_space<vmem>>
      %dma_start3A_558 = tpu.memref_squeeze %dma_start3A_557 : memref<1x64xi32, #tpu.memory_space<vmem>> -> memref<64xi32, #tpu.memory_space<vmem>>
      %dma_start3A_559 = arith.constant 0 : i32
      %dma_start3A_560 = arith.constant 0 : i32
      %dma_start3A_561 = tpu.memref_slice %arg4[%dma_start3A_559, %dma_start3A_560] : memref<10000x128xf32, #tpu.memory_space<hbm>> -> memref<10000x128xf32, #tpu.memory_space<hbm>>
      tpu.enqueue_indirect_dma source(%dma_start3A_561 : memref<10000x128xf32, #tpu.memory_space<hbm>>) target(%arg9 : memref<64x128xf32, #tpu.memory_space<vmem>>) offsets(%dma_start3A_558 : memref<64xi32, #tpu.memory_space<vmem>>) semaphore(%arg14 : memref<!tpu.dma_semaphore, #tpu.memory_space<semaphore_mem>>)
      %add3A_562 = arith.constant 1 : i32
      %add3A_563 = arith.addi %mul3A_479, %add3A_562 : i32
      %dma_wait3A_564 = arith.constant 0 : i32
      %dma_wait3A_565 = tpu.memref_slice %arg7[%add3A_563, %dma_wait3A_564] : memref<40x64xi32, #tpu.memory_space<vmem>> -> memref<1x64xi32, #tpu.memory_space<vmem>>
      %dma_wait3A_566 = tpu.memref_squeeze %dma_wait3A_565 : memref<1x64xi32, #tpu.memory_space<vmem>> -> memref<64xi32, #tpu.memory_space<vmem>>
      %dma_wait3A_567 = arith.constant 0 : i32
      %dma_wait3A_568 = arith.constant 0 : i32
      %dma_wait3A_569 = tpu.memref_slice %arg4[%dma_wait3A_567, %dma_wait3A_568] : memref<10000x128xf32, #tpu.memory_space<hbm>> -> memref<10000x128xf32, #tpu.memory_space<hbm>>
      tpu.wait_indirect_dma semaphore(%arg19 : memref<!tpu.dma_semaphore, #tpu.memory_space<semaphore_mem>>) src(%dma_wait3A_569 : memref<10000x128xf32, #tpu.memory_space<hbm>>) dst(%arg10 : memref<64x128xf32, #tpu.memory_space<vmem>>)
      %add3A_570 = arith.constant 1 : i32
      %add3A_571 = arith.addi %add3A_545, %add3A_570 : i32
      %dma_start3A_572 = arith.constant 0 : i32
      %dma_start3A_573 = tpu.memref_slice %arg7[%add3A_571, %dma_start3A_572] : memref<40x64xi32, #tpu.memory_space<vmem>> -> memref<1x64xi32, #tpu.memory_space<vmem>>
      %dma_start3A_574 = tpu.memref_squeeze %dma_start3A_573 : memref<1x64xi32, #tpu.memory_space<vmem>> -> memref<64xi32, #tpu.memory_space<vmem>>
      %dma_start3A_575 = arith.constant 0 : i32
      %dma_start3A_576 = arith.constant 0 : i32
      %dma_start3A_577 = tpu.memref_slice %arg4[%dma_start3A_575, %dma_start3A_576] : memref<10000x128xf32, #tpu.memory_space<hbm>> -> memref<10000x128xf32, #tpu.memory_space<hbm>>
      tpu.enqueue_indirect_dma source(%dma_start3A_577 : memref<10000x128xf32, #tpu.memory_space<hbm>>) target(%arg10 : memref<64x128xf32, #tpu.memory_space<vmem>>) offsets(%dma_start3A_574 : memref<64xi32, #tpu.memory_space<vmem>>) semaphore(%arg15 : memref<!tpu.dma_semaphore, #tpu.memory_space<semaphore_mem>>)
      %add3A_578 = arith.constant 2 : i32
      %add3A_579 = arith.addi %mul3A_479, %add3A_578 : i32
      %dma_wait3A_580 = arith.constant 0 : i32
      %dma_wait3A_581 = tpu.memref_slice %arg7[%add3A_579, %dma_wait3A_580] : memref<40x64xi32, #tpu.memory_space<vmem>> -> memref<1x64xi32, #tpu.memory_space<vmem>>
      %dma_wait3A_582 = tpu.memref_squeeze %dma_wait3A_581 : memref<1x64xi32, #tpu.memory_space<vmem>> -> memref<64xi32, #tpu.memory_space<vmem>>
      %dma_wait3A_583 = arith.constant 0 : i32
      %dma_wait3A_584 = arith.constant 0 : i32
      %dma_wait3A_585 = tpu.memref_slice %arg4[%dma_wait3A_583, %dma_wait3A_584] : memref<10000x128xf32, #tpu.memory_space<hbm>> -> memref<10000x128xf32, #tpu.memory_space<hbm>>
      tpu.wait_indirect_dma semaphore(%arg20 : memref<!tpu.dma_semaphore, #tpu.memory_space<semaphore_mem>>) src(%dma_wait3A_585 : memref<10000x128xf32, #tpu.memory_space<hbm>>) dst(%arg11 : memref<64x128xf32, #tpu.memory_space<vmem>>)
      %add3A_586 = arith.constant 2 : i32
      %add3A_587 = arith.addi %add3A_545, %add3A_586 : i32
      %dma_start3A_588 = arith.constant 0 : i32
      %dma_start3A_589 = tpu.memref_slice %arg7[%add3A_587, %dma_start3A_588] : memref<40x64xi32, #tpu.memory_space<vmem>> -> memref<1x64xi32, #tpu.memory_space<vmem>>
      %dma_start3A_590 = tpu.memref_squeeze %dma_start3A_589 : memref<1x64xi32, #tpu.memory_space<vmem>> -> memref<64xi32, #tpu.memory_space<vmem>>
      %dma_start3A_591 = arith.constant 0 : i32
      %dma_start3A_592 = arith.constant 0 : i32
      %dma_start3A_593 = tpu.memref_slice %arg4[%dma_start3A_591, %dma_start3A_592] : memref<10000x128xf32, #tpu.memory_space<hbm>> -> memref<10000x128xf32, #tpu.memory_space<hbm>>
      tpu.enqueue_indirect_dma source(%dma_start3A_593 : memref<10000x128xf32, #tpu.memory_space<hbm>>) target(%arg11 : memref<64x128xf32, #tpu.memory_space<vmem>>) offsets(%dma_start3A_590 : memref<64xi32, #tpu.memory_space<vmem>>) semaphore(%arg16 : memref<!tpu.dma_semaphore, #tpu.memory_space<semaphore_mem>>)
      %add3A_594 = arith.constant 3 : i32
      %add3A_595 = arith.addi %mul3A_479, %add3A_594 : i32
      %dma_wait3A_596 = arith.constant 0 : i32
      %dma_wait3A_597 = tpu.memref_slice %arg7[%add3A_595, %dma_wait3A_596] : memref<40x64xi32, #tpu.memory_space<vmem>> -> memref<1x64xi32, #tpu.memory_space<vmem>>
      %dma_wait3A_598 = tpu.memref_squeeze %dma_wait3A_597 : memref<1x64xi32, #tpu.memory_space<vmem>> -> memref<64xi32, #tpu.memory_space<vmem>>
      %dma_wait3A_599 = arith.constant 0 : i32
      %dma_wait3A_600 = arith.constant 0 : i32
      %dma_wait3A_601 = tpu.memref_slice %arg4[%dma_wait3A_599, %dma_wait3A_600] : memref<10000x128xf32, #tpu.memory_space<hbm>> -> memref<10000x128xf32, #tpu.memory_space<hbm>>
      tpu.wait_indirect_dma semaphore(%arg21 : memref<!tpu.dma_semaphore, #tpu.memory_space<semaphore_mem>>) src(%dma_wait3A_601 : memref<10000x128xf32, #tpu.memory_space<hbm>>) dst(%arg12 : memref<64x128xf32, #tpu.memory_space<vmem>>)
      %add3A_602 = arith.constant 3 : i32
      %add3A_603 = arith.addi %add3A_545, %add3A_602 : i32
      %dma_start3A_604 = arith.constant 0 : i32
      %dma_start3A_605 = tpu.memref_slice %arg7[%add3A_603, %dma_start3A_604] : memref<40x64xi32, #tpu.memory_space<vmem>> -> memref<1x64xi32, #tpu.memory_space<vmem>>
      %dma_start3A_606 = tpu.memref_squeeze %dma_start3A_605 : memref<1x64xi32, #tpu.memory_space<vmem>> -> memref<64xi32, #tpu.memory_space<vmem>>
      %dma_start3A_607 = arith.constant 0 : i32
      %dma_start3A_608 = arith.constant 0 : i32
      %dma_start3A_609 = tpu.memref_slice %arg4[%dma_start3A_607, %dma_start3A_608] : memref<10000x128xf32, #tpu.memory_space<hbm>> -> memref<10000x128xf32, #tpu.memory_space<hbm>>
      tpu.enqueue_indirect_dma source(%dma_start3A_609 : memref<10000x128xf32, #tpu.memory_space<hbm>>) target(%arg12 : memref<64x128xf32, #tpu.memory_space<vmem>>) offsets(%dma_start3A_606 : memref<64xi32, #tpu.memory_space<vmem>>) semaphore(%arg17 : memref<!tpu.dma_semaphore, #tpu.memory_space<semaphore_mem>>)
    }
    %scan3A_151 = arith.constant 9 : i32
    %dma_wait3A_152 = arith.constant 36 : i32
    %dma_wait3A_153 = arith.constant 0 : i32
    %dma_wait3A_154 = tpu.memref_slice %arg7[%dma_wait3A_152, %dma_wait3A_153] : memref<40x64xi32, #tpu.memory_space<vmem>> -> memref<1x64xi32, #tpu.memory_space<vmem>>
    %dma_wait3A_155 = tpu.memref_squeeze %dma_wait3A_154 : memref<1x64xi32, #tpu.memory_space<vmem>> -> memref<64xi32, #tpu.memory_space<vmem>>
    %dma_wait3A_156 = arith.constant 0 : i32
    %dma_wait3A_157 = arith.constant 0 : i32
    %dma_wait3A_158 = tpu.memref_slice %arg4[%dma_wait3A_156, %dma_wait3A_157] : memref<10000x128xf32, #tpu.memory_space<hbm>> -> memref<10000x128xf32, #tpu.memory_space<hbm>>
    tpu.wait_indirect_dma semaphore(%arg14 : memref<!tpu.dma_semaphore, #tpu.memory_space<semaphore_mem>>) src(%dma_wait3A_158 : memref<10000x128xf32, #tpu.memory_space<hbm>>) dst(%arg9 : memref<64x128xf32, #tpu.memory_space<vmem>>)
    %dma_start3A_159 = arith.constant 36 : i32
    %dma_start3A_160 = arith.constant 0 : i32
    %dma_start3A_161 = tpu.memref_slice %arg8[%dma_start3A_159, %dma_start3A_160] : memref<40x64xi32, #tpu.memory_space<vmem>> -> memref<1x64xi32, #tpu.memory_space<vmem>>
    %dma_start3A_162 = tpu.memref_squeeze %dma_start3A_161 : memref<1x64xi32, #tpu.memory_space<vmem>> -> memref<64xi32, #tpu.memory_space<vmem>>
    %dma_start3A_163 = arith.constant 0 : i32
    %dma_start3A_164 = arith.constant 0 : i32
    %dma_start3A_165 = tpu.memref_slice %arg13[%dma_start3A_163, %dma_start3A_164] : memref<10240x128xf32, #tpu.memory_space<vmem_shared>> -> memref<10240x128xf32, #tpu.memory_space<vmem_shared>>
    tpu.enqueue_indirect_dma source(%arg9 : memref<64x128xf32, #tpu.memory_space<vmem>>) target(%dma_start3A_165 : memref<10240x128xf32, #tpu.memory_space<vmem_shared>>) offsets(%dma_start3A_162 : memref<64xi32, #tpu.memory_space<vmem>>) semaphore(%arg18 : memref<!tpu.dma_semaphore, #tpu.memory_space<semaphore_mem>>) {add = true}
    %dma_wait3A_166 = arith.constant 37 : i32
    %dma_wait3A_167 = arith.constant 0 : i32
    %dma_wait3A_168 = tpu.memref_slice %arg7[%dma_wait3A_166, %dma_wait3A_167] : memref<40x64xi32, #tpu.memory_space<vmem>> -> memref<1x64xi32, #tpu.memory_space<vmem>>
    %dma_wait3A_169 = tpu.memref_squeeze %dma_wait3A_168 : memref<1x64xi32, #tpu.memory_space<vmem>> -> memref<64xi32, #tpu.memory_space<vmem>>
    %dma_wait3A_170 = arith.constant 0 : i32
    %dma_wait3A_171 = arith.constant 0 : i32
    %dma_wait3A_172 = tpu.memref_slice %arg4[%dma_wait3A_170, %dma_wait3A_171] : memref<10000x128xf32, #tpu.memory_space<hbm>> -> memref<10000x128xf32, #tpu.memory_space<hbm>>
    tpu.wait_indirect_dma semaphore(%arg15 : memref<!tpu.dma_semaphore, #tpu.memory_space<semaphore_mem>>) src(%dma_wait3A_172 : memref<10000x128xf32, #tpu.memory_space<hbm>>) dst(%arg10 : memref<64x128xf32, #tpu.memory_space<vmem>>)
    %dma_start3A_173 = arith.constant 37 : i32
    %dma_start3A_174 = arith.constant 0 : i32
    %dma_start3A_175 = tpu.memref_slice %arg8[%dma_start3A_173, %dma_start3A_174] : memref<40x64xi32, #tpu.memory_space<vmem>> -> memref<1x64xi32, #tpu.memory_space<vmem>>
    %dma_start3A_176 = tpu.memref_squeeze %dma_start3A_175 : memref<1x64xi32, #tpu.memory_space<vmem>> -> memref<64xi32, #tpu.memory_space<vmem>>
    %dma_start3A_177 = arith.constant 0 : i32
    %dma_start3A_178 = arith.constant 0 : i32
    %dma_start3A_179 = tpu.memref_slice %arg13[%dma_start3A_177, %dma_start3A_178] : memref<10240x128xf32, #tpu.memory_space<vmem_shared>> -> memref<10240x128xf32, #tpu.memory_space<vmem_shared>>
    tpu.enqueue_indirect_dma source(%arg10 : memref<64x128xf32, #tpu.memory_space<vmem>>) target(%dma_start3A_179 : memref<10240x128xf32, #tpu.memory_space<vmem_shared>>) offsets(%dma_start3A_176 : memref<64xi32, #tpu.memory_space<vmem>>) semaphore(%arg19 : memref<!tpu.dma_semaphore, #tpu.memory_space<semaphore_mem>>) {add = true}
    %dma_wait3A_180 = arith.constant 38 : i32
    %dma_wait3A_181 = arith.constant 0 : i32
    %dma_wait3A_182 = tpu.memref_slice %arg7[%dma_wait3A_180, %dma_wait3A_181] : memref<40x64xi32, #tpu.memory_space<vmem>> -> memref<1x64xi32, #tpu.memory_space<vmem>>
    %dma_wait3A_183 = tpu.memref_squeeze %dma_wait3A_182 : memref<1x64xi32, #tpu.memory_space<vmem>> -> memref<64xi32, #tpu.memory_space<vmem>>
    %dma_wait3A_184 = arith.constant 0 : i32
    %dma_wait3A_185 = arith.constant 0 : i32
    %dma_wait3A_186 = tpu.memref_slice %arg4[%dma_wait3A_184, %dma_wait3A_185] : memref<10000x128xf32, #tpu.memory_space<hbm>> -> memref<10000x128xf32, #tpu.memory_space<hbm>>
    tpu.wait_indirect_dma semaphore(%arg16 : memref<!tpu.dma_semaphore, #tpu.memory_space<semaphore_mem>>) src(%dma_wait3A_186 : memref<10000x128xf32, #tpu.memory_space<hbm>>) dst(%arg11 : memref<64x128xf32, #tpu.memory_space<vmem>>)
    %dma_start3A_187 = arith.constant 38 : i32
    %dma_start3A_188 = arith.constant 0 : i32
    %dma_start3A_189 = tpu.memref_slice %arg8[%dma_start3A_187, %dma_start3A_188] : memref<40x64xi32, #tpu.memory_space<vmem>> -> memref<1x64xi32, #tpu.memory_space<vmem>>
    %dma_start3A_190 = tpu.memref_squeeze %dma_start3A_189 : memref<1x64xi32, #tpu.memory_space<vmem>> -> memref<64xi32, #tpu.memory_space<vmem>>
    %dma_start3A_191 = arith.constant 0 : i32
    %dma_start3A_192 = arith.constant 0 : i32
    %dma_start3A_193 = tpu.memref_slice %arg13[%dma_start3A_191, %dma_start3A_192] : memref<10240x128xf32, #tpu.memory_space<vmem_shared>> -> memref<10240x128xf32, #tpu.memory_space<vmem_shared>>
    tpu.enqueue_indirect_dma source(%arg11 : memref<64x128xf32, #tpu.memory_space<vmem>>) target(%dma_start3A_193 : memref<10240x128xf32, #tpu.memory_space<vmem_shared>>) offsets(%dma_start3A_190 : memref<64xi32, #tpu.memory_space<vmem>>) semaphore(%arg20 : memref<!tpu.dma_semaphore, #tpu.memory_space<semaphore_mem>>) {add = true}
    %dma_wait3A_194 = arith.constant 39 : i32
    %dma_wait3A_195 = arith.constant 0 : i32
    %dma_wait3A_196 = tpu.memref_slice %arg7[%dma_wait3A_194, %dma_wait3A_195] : memref<40x64xi32, #tpu.memory_space<vmem>> -> memref<1x64xi32, #tpu.memory_space<vmem>>
    %dma_wait3A_197 = tpu.memref_squeeze %dma_wait3A_196 : memref<1x64xi32, #tpu.memory_space<vmem>> -> memref<64xi32, #tpu.memory_space<vmem>>
    %dma_wait3A_198 = arith.constant 0 : i32
    %dma_wait3A_199 = arith.constant 0 : i32
    %dma_wait3A_200 = tpu.memref_slice %arg4[%dma_wait3A_198, %dma_wait3A_199] : memref<10000x128xf32, #tpu.memory_space<hbm>> -> memref<10000x128xf32, #tpu.memory_space<hbm>>
    tpu.wait_indirect_dma semaphore(%arg17 : memref<!tpu.dma_semaphore, #tpu.memory_space<semaphore_mem>>) src(%dma_wait3A_200 : memref<10000x128xf32, #tpu.memory_space<hbm>>) dst(%arg12 : memref<64x128xf32, #tpu.memory_space<vmem>>)
    %dma_start3A_201 = arith.constant 39 : i32
    %dma_start3A_202 = arith.constant 0 : i32
    %dma_start3A_203 = tpu.memref_slice %arg8[%dma_start3A_201, %dma_start3A_202] : memref<40x64xi32, #tpu.memory_space<vmem>> -> memref<1x64xi32, #tpu.memory_space<vmem>>
    %dma_start3A_204 = tpu.memref_squeeze %dma_start3A_203 : memref<1x64xi32, #tpu.memory_space<vmem>> -> memref<64xi32, #tpu.memory_space<vmem>>
    %dma_start3A_205 = arith.constant 0 : i32
    %dma_start3A_206 = arith.constant 0 : i32
    %dma_start3A_207 = tpu.memref_slice %arg13[%dma_start3A_205, %dma_start3A_206] : memref<10240x128xf32, #tpu.memory_space<vmem_shared>> -> memref<10240x128xf32, #tpu.memory_space<vmem_shared>>
    tpu.enqueue_indirect_dma source(%arg12 : memref<64x128xf32, #tpu.memory_space<vmem>>) target(%dma_start3A_207 : memref<10240x128xf32, #tpu.memory_space<vmem_shared>>) offsets(%dma_start3A_204 : memref<64xi32, #tpu.memory_space<vmem>>) semaphore(%arg21 : memref<!tpu.dma_semaphore, #tpu.memory_space<semaphore_mem>>) {add = true}
    %dma_wait3A_208 = arith.constant 36 : i32
    %dma_wait3A_209 = arith.constant 0 : i32
    %dma_wait3A_210 = tpu.memref_slice %arg7[%dma_wait3A_208, %dma_wait3A_209] : memref<40x64xi32, #tpu.memory_space<vmem>> -> memref<1x64xi32, #tpu.memory_space<vmem>>
    %dma_wait3A_211 = tpu.memref_squeeze %dma_wait3A_210 : memref<1x64xi32, #tpu.memory_space<vmem>> -> memref<64xi32, #tpu.memory_space<vmem>>
    %dma_wait3A_212 = arith.constant 0 : i32
    %dma_wait3A_213 = arith.constant 0 : i32
    %dma_wait3A_214 = tpu.memref_slice %arg4[%dma_wait3A_212, %dma_wait3A_213] : memref<10000x128xf32, #tpu.memory_space<hbm>> -> memref<10000x128xf32, #tpu.memory_space<hbm>>
    tpu.wait_indirect_dma semaphore(%arg18 : memref<!tpu.dma_semaphore, #tpu.memory_space<semaphore_mem>>) src(%dma_wait3A_214 : memref<10000x128xf32, #tpu.memory_space<hbm>>) dst(%arg9 : memref<64x128xf32, #tpu.memory_space<vmem>>)
    %dma_wait3A_215 = arith.constant 37 : i32
    %dma_wait3A_216 = arith.constant 0 : i32
    %dma_wait3A_217 = tpu.memref_slice %arg7[%dma_wait3A_215, %dma_wait3A_216] : memref<40x64xi32, #tpu.memory_space<vmem>> -> memref<1x64xi32, #tpu.memory_space<vmem>>
    %dma_wait3A_218 = tpu.memref_squeeze %dma_wait3A_217 : memref<1x64xi32, #tpu.memory_space<vmem>> -> memref<64xi32, #tpu.memory_space<vmem>>
    %dma_wait3A_219 = arith.constant 0 : i32
    %dma_wait3A_220 = arith.constant 0 : i32
    %dma_wait3A_221 = tpu.memref_slice %arg4[%dma_wait3A_219, %dma_wait3A_220] : memref<10000x128xf32, #tpu.memory_space<hbm>> -> memref<10000x128xf32, #tpu.memory_space<hbm>>
    tpu.wait_indirect_dma semaphore(%arg19 : memref<!tpu.dma_semaphore, #tpu.memory_space<semaphore_mem>>) src(%dma_wait3A_221 : memref<10000x128xf32, #tpu.memory_space<hbm>>) dst(%arg10 : memref<64x128xf32, #tpu.memory_space<vmem>>)
    %dma_wait3A_222 = arith.constant 38 : i32
    %dma_wait3A_223 = arith.constant 0 : i32
    %dma_wait3A_224 = tpu.memref_slice %arg7[%dma_wait3A_222, %dma_wait3A_223] : memref<40x64xi32, #tpu.memory_space<vmem>> -> memref<1x64xi32, #tpu.memory_space<vmem>>
    %dma_wait3A_225 = tpu.memref_squeeze %dma_wait3A_224 : memref<1x64xi32, #tpu.memory_space<vmem>> -> memref<64xi32, #tpu.memory_space<vmem>>
    %dma_wait3A_226 = arith.constant 0 : i32
    %dma_wait3A_227 = arith.constant 0 : i32
    %dma_wait3A_228 = tpu.memref_slice %arg4[%dma_wait3A_226, %dma_wait3A_227] : memref<10000x128xf32, #tpu.memory_space<hbm>> -> memref<10000x128xf32, #tpu.memory_space<hbm>>
    tpu.wait_indirect_dma semaphore(%arg20 : memref<!tpu.dma_semaphore, #tpu.memory_space<semaphore_mem>>) src(%dma_wait3A_228 : memref<10000x128xf32, #tpu.memory_space<hbm>>) dst(%arg11 : memref<64x128xf32, #tpu.memory_space<vmem>>)
    %dma_wait3A_229 = arith.constant 39 : i32
    %dma_wait3A_230 = arith.constant 0 : i32
    %dma_wait3A_231 = tpu.memref_slice %arg7[%dma_wait3A_229, %dma_wait3A_230] : memref<40x64xi32, #tpu.memory_space<vmem>> -> memref<1x64xi32, #tpu.memory_space<vmem>>
    %dma_wait3A_232 = tpu.memref_squeeze %dma_wait3A_231 : memref<1x64xi32, #tpu.memory_space<vmem>> -> memref<64xi32, #tpu.memory_space<vmem>>
    %dma_wait3A_233 = arith.constant 0 : i32
    %dma_wait3A_234 = arith.constant 0 : i32
    %dma_wait3A_235 = tpu.memref_slice %arg4[%dma_wait3A_233, %dma_wait3A_234] : memref<10000x128xf32, #tpu.memory_space<hbm>> -> memref<10000x128xf32, #tpu.memory_space<hbm>>
    tpu.wait_indirect_dma semaphore(%arg21 : memref<!tpu.dma_semaphore, #tpu.memory_space<semaphore_mem>>) src(%dma_wait3A_235 : memref<10000x128xf32, #tpu.memory_space<hbm>>) dst(%arg12 : memref<64x128xf32, #tpu.memory_space<vmem>>)
    "tpu.region"() ({
      %run_scoped3A = tpu.sem_alloc : memref<!tpu.dma_semaphore, #tpu.memory_space<semaphore_mem>>
      %dma_start3A_477 = arith.constant 80 : i32
      %dma_start3A_478 = arith.constant 0 : i32
      %dma_start3A_479 = tpu.memref_slice %arg2[%add3A, %dma_start3A_477, %dma_start3A_478] : memref<32x160x64xi32, #tpu.memory_space<hbm>> -> memref<1x40x64xi32, #tpu.memory_space<hbm>>
      %dma_start3A_480 = tpu.memref_squeeze %dma_start3A_479 : memref<1x40x64xi32, #tpu.memory_space<hbm>> -> memref<40x64xi32, #tpu.memory_space<hbm>>
      %dma_start3A_481 = arith.constant 80 : i32
      %dma_start3A_482 = arith.constant 0 : i32
      %dma_start3A_483 = tpu.memref_slice %arg2[%add3A, %dma_start3A_481, %dma_start3A_482] : memref<32x160x64xi32, #tpu.memory_space<hbm>> -> memref<1x40x64xi32, #tpu.memory_space<hbm>>
      %dma_start3A_484 = tpu.memref_squeeze %dma_start3A_483 : memref<1x40x64xi32, #tpu.memory_space<hbm>> -> memref<40x64xi32, #tpu.memory_space<hbm>>
      tpu.enqueue_dma source(%dma_start3A_484 : memref<40x64xi32, #tpu.memory_space<hbm>>) target(%arg7 : memref<40x64xi32, #tpu.memory_space<vmem>>) target_semaphore(%run_scoped3A : memref<!tpu.dma_semaphore, #tpu.memory_space<semaphore_mem>>)
      %dma_wait3A_485 = arith.constant 80 : i32
      %dma_wait3A_486 = arith.constant 0 : i32
      %dma_wait3A_487 = tpu.memref_slice %arg2[%add3A, %dma_wait3A_485, %dma_wait3A_486] : memref<32x160x64xi32, #tpu.memory_space<hbm>> -> memref<1x40x64xi32, #tpu.memory_space<hbm>>
      %dma_wait3A_488 = tpu.memref_squeeze %dma_wait3A_487 : memref<1x40x64xi32, #tpu.memory_space<hbm>> -> memref<40x64xi32, #tpu.memory_space<hbm>>
      %dma_wait3A_489 = arith.constant 80 : i32
      %dma_wait3A_490 = arith.constant 0 : i32
      %dma_wait3A_491 = tpu.memref_slice %arg2[%add3A, %dma_wait3A_489, %dma_wait3A_490] : memref<32x160x64xi32, #tpu.memory_space<hbm>> -> memref<1x40x64xi32, #tpu.memory_space<hbm>>
      %dma_wait3A_492 = tpu.memref_squeeze %dma_wait3A_491 : memref<1x40x64xi32, #tpu.memory_space<hbm>> -> memref<40x64xi32, #tpu.memory_space<hbm>>
      tpu.wait_dma2 semaphore(%run_scoped3A : memref<!tpu.dma_semaphore, #tpu.memory_space<semaphore_mem>>) src(%dma_wait3A_492 : memref<40x64xi32, #tpu.memory_space<hbm>>) dst(%arg7 : memref<40x64xi32, #tpu.memory_space<vmem>>)
      tpu.yield
    }) : () -> ()
    "tpu.region"() ({
      %run_scoped3A = tpu.sem_alloc : memref<!tpu.dma_semaphore, #tpu.memory_space<semaphore_mem>>
      %dma_start3A_477 = arith.constant 80 : i32
      %dma_start3A_478 = arith.constant 0 : i32
      %dma_start3A_479 = tpu.memref_slice %arg3[%add3A, %dma_start3A_477, %dma_start3A_478] : memref<32x160x64xi32, #tpu.memory_space<hbm>> -> memref<1x40x64xi32, #tpu.memory_space<hbm>>
      %dma_start3A_480 = tpu.memref_squeeze %dma_start3A_479 : memref<1x40x64xi32, #tpu.memory_space<hbm>> -> memref<40x64xi32, #tpu.memory_space<hbm>>
      %dma_start3A_481 = arith.constant 80 : i32
      %dma_start3A_482 = arith.constant 0 : i32
      %dma_start3A_483 = tpu.memref_slice %arg3[%add3A, %dma_start3A_481, %dma_start3A_482] : memref<32x160x64xi32, #tpu.memory_space<hbm>> -> memref<1x40x64xi32, #tpu.memory_space<hbm>>
      %dma_start3A_484 = tpu.memref_squeeze %dma_start3A_483 : memref<1x40x64xi32, #tpu.memory_space<hbm>> -> memref<40x64xi32, #tpu.memory_space<hbm>>
      tpu.enqueue_dma source(%dma_start3A_484 : memref<40x64xi32, #tpu.memory_space<hbm>>) target(%arg8 : memref<40x64xi32, #tpu.memory_space<vmem>>) target_semaphore(%run_scoped3A : memref<!tpu.dma_semaphore, #tpu.memory_space<semaphore_mem>>)
      %dma_wait3A_485 = arith.constant 80 : i32
      %dma_wait3A_486 = arith.constant 0 : i32
      %dma_wait3A_487 = tpu.memref_slice %arg3[%add3A, %dma_wait3A_485, %dma_wait3A_486] : memref<32x160x64xi32, #tpu.memory_space<hbm>> -> memref<1x40x64xi32, #tpu.memory_space<hbm>>
      %dma_wait3A_488 = tpu.memref_squeeze %dma_wait3A_487 : memref<1x40x64xi32, #tpu.memory_space<hbm>> -> memref<40x64xi32, #tpu.memory_space<hbm>>
      %dma_wait3A_489 = arith.constant 80 : i32
      %dma_wait3A_490 = arith.constant 0 : i32
      %dma_wait3A_491 = tpu.memref_slice %arg3[%add3A, %dma_wait3A_489, %dma_wait3A_490] : memref<32x160x64xi32, #tpu.memory_space<hbm>> -> memref<1x40x64xi32, #tpu.memory_space<hbm>>
      %dma_wait3A_492 = tpu.memref_squeeze %dma_wait3A_491 : memref<1x40x64xi32, #tpu.memory_space<hbm>> -> memref<40x64xi32, #tpu.memory_space<hbm>>
      tpu.wait_dma2 semaphore(%run_scoped3A : memref<!tpu.dma_semaphore, #tpu.memory_space<semaphore_mem>>) src(%dma_wait3A_492 : memref<40x64xi32, #tpu.memory_space<hbm>>) dst(%arg8 : memref<40x64xi32, #tpu.memory_space<vmem>>)
      tpu.yield
    }) : () -> ()
    %dma_start3A_236 = arith.constant 0 : i32
    %dma_start3A_237 = arith.constant 0 : i32
    %dma_start3A_238 = tpu.memref_slice %arg7[%dma_start3A_236, %dma_start3A_237] : memref<40x64xi32, #tpu.memory_space<vmem>> -> memref<1x64xi32, #tpu.memory_space<vmem>>
    %dma_start3A_239 = tpu.memref_squeeze %dma_start3A_238 : memref<1x64xi32, #tpu.memory_space<vmem>> -> memref<64xi32, #tpu.memory_space<vmem>>
    %dma_start3A_240 = arith.constant 0 : i32
    %dma_start3A_241 = arith.constant 0 : i32
    %dma_start3A_242 = tpu.memref_slice %arg4[%dma_start3A_240, %dma_start3A_241] : memref<10000x128xf32, #tpu.memory_space<hbm>> -> memref<10000x128xf32, #tpu.memory_space<hbm>>
    tpu.enqueue_indirect_dma source(%dma_start3A_242 : memref<10000x128xf32, #tpu.memory_space<hbm>>) target(%arg9 : memref<64x128xf32, #tpu.memory_space<vmem>>) offsets(%dma_start3A_239 : memref<64xi32, #tpu.memory_space<vmem>>) semaphore(%arg14 : memref<!tpu.dma_semaphore, #tpu.memory_space<semaphore_mem>>)
    %dma_start3A_243 = arith.constant 1 : i32
    %dma_start3A_244 = arith.constant 0 : i32
    %dma_start3A_245 = tpu.memref_slice %arg7[%dma_start3A_243, %dma_start3A_244] : memref<40x64xi32, #tpu.memory_space<vmem>> -> memref<1x64xi32, #tpu.memory_space<vmem>>
    %dma_start3A_246 = tpu.memref_squeeze %dma_start3A_245 : memref<1x64xi32, #tpu.memory_space<vmem>> -> memref<64xi32, #tpu.memory_space<vmem>>
    %dma_start3A_247 = arith.constant 0 : i32
    %dma_start3A_248 = arith.constant 0 : i32
    %dma_start3A_249 = tpu.memref_slice %arg4[%dma_start3A_247, %dma_start3A_248] : memref<10000x128xf32, #tpu.memory_space<hbm>> -> memref<10000x128xf32, #tpu.memory_space<hbm>>
    tpu.enqueue_indirect_dma source(%dma_start3A_249 : memref<10000x128xf32, #tpu.memory_space<hbm>>) target(%arg10 : memref<64x128xf32, #tpu.memory_space<vmem>>) offsets(%dma_start3A_246 : memref<64xi32, #tpu.memory_space<vmem>>) semaphore(%arg15 : memref<!tpu.dma_semaphore, #tpu.memory_space<semaphore_mem>>)
    %dma_start3A_250 = arith.constant 2 : i32
    %dma_start3A_251 = arith.constant 0 : i32
    %dma_start3A_252 = tpu.memref_slice %arg7[%dma_start3A_250, %dma_start3A_251] : memref<40x64xi32, #tpu.memory_space<vmem>> -> memref<1x64xi32, #tpu.memory_space<vmem>>
    %dma_start3A_253 = tpu.memref_squeeze %dma_start3A_252 : memref<1x64xi32, #tpu.memory_space<vmem>> -> memref<64xi32, #tpu.memory_space<vmem>>
    %dma_start3A_254 = arith.constant 0 : i32
    %dma_start3A_255 = arith.constant 0 : i32
    %dma_start3A_256 = tpu.memref_slice %arg4[%dma_start3A_254, %dma_start3A_255] : memref<10000x128xf32, #tpu.memory_space<hbm>> -> memref<10000x128xf32, #tpu.memory_space<hbm>>
    tpu.enqueue_indirect_dma source(%dma_start3A_256 : memref<10000x128xf32, #tpu.memory_space<hbm>>) target(%arg11 : memref<64x128xf32, #tpu.memory_space<vmem>>) offsets(%dma_start3A_253 : memref<64xi32, #tpu.memory_space<vmem>>) semaphore(%arg16 : memref<!tpu.dma_semaphore, #tpu.memory_space<semaphore_mem>>)
    %dma_start3A_257 = arith.constant 3 : i32
    %dma_start3A_258 = arith.constant 0 : i32
    %dma_start3A_259 = tpu.memref_slice %arg7[%dma_start3A_257, %dma_start3A_258] : memref<40x64xi32, #tpu.memory_space<vmem>> -> memref<1x64xi32, #tpu.memory_space<vmem>>
    %dma_start3A_260 = tpu.memref_squeeze %dma_start3A_259 : memref<1x64xi32, #tpu.memory_space<vmem>> -> memref<64xi32, #tpu.memory_space<vmem>>
    %dma_start3A_261 = arith.constant 0 : i32
    %dma_start3A_262 = arith.constant 0 : i32
    %dma_start3A_263 = tpu.memref_slice %arg4[%dma_start3A_261, %dma_start3A_262] : memref<10000x128xf32, #tpu.memory_space<hbm>> -> memref<10000x128xf32, #tpu.memory_space<hbm>>
    tpu.enqueue_indirect_dma source(%dma_start3A_263 : memref<10000x128xf32, #tpu.memory_space<hbm>>) target(%arg12 : memref<64x128xf32, #tpu.memory_space<vmem>>) offsets(%dma_start3A_260 : memref<64xi32, #tpu.memory_space<vmem>>) semaphore(%arg17 : memref<!tpu.dma_semaphore, #tpu.memory_space<semaphore_mem>>)
    %scan3A_264 = arith.constant 0 : i32
    %scan3A_265 = arith.constant 0 : i32
    %scan3A_266 = arith.constant 9 : i32
    %scan3A_267 = arith.addi %scan3A_265, %scan3A_266 : i32
    %scan3A_268 = arith.constant 1 : i32
    scf.for %scan3A_477 = %scan3A_265 to %scan3A_267 step %scan3A_268  : i32 {
      %mul3A_478 = arith.constant 4 : i32
      %mul3A_479 = arith.muli %scan3A_477, %mul3A_478 : i32
      %add3A_480 = arith.constant 0 : i32
      %add3A_481 = arith.addi %mul3A_479, %add3A_480 : i32
      %dma_wait3A_482 = arith.constant 0 : i32
      %dma_wait3A_483 = tpu.memref_slice %arg7[%add3A_481, %dma_wait3A_482] : memref<40x64xi32, #tpu.memory_space<vmem>> -> memref<1x64xi32, #tpu.memory_space<vmem>>
      %dma_wait3A_484 = tpu.memref_squeeze %dma_wait3A_483 : memref<1x64xi32, #tpu.memory_space<vmem>> -> memref<64xi32, #tpu.memory_space<vmem>>
      %dma_wait3A_485 = arith.constant 0 : i32
      %dma_wait3A_486 = arith.constant 0 : i32
      %dma_wait3A_487 = tpu.memref_slice %arg4[%dma_wait3A_485, %dma_wait3A_486] : memref<10000x128xf32, #tpu.memory_space<hbm>> -> memref<10000x128xf32, #tpu.memory_space<hbm>>
      tpu.wait_indirect_dma semaphore(%arg14 : memref<!tpu.dma_semaphore, #tpu.memory_space<semaphore_mem>>) src(%dma_wait3A_487 : memref<10000x128xf32, #tpu.memory_space<hbm>>) dst(%arg9 : memref<64x128xf32, #tpu.memory_space<vmem>>)
      %add3A_488 = arith.constant 0 : i32
      %add3A_489 = arith.addi %mul3A_479, %add3A_488 : i32
      %dma_start3A_490 = arith.constant 0 : i32
      %dma_start3A_491 = tpu.memref_slice %arg8[%add3A_489, %dma_start3A_490] : memref<40x64xi32, #tpu.memory_space<vmem>> -> memref<1x64xi32, #tpu.memory_space<vmem>>
      %dma_start3A_492 = tpu.memref_squeeze %dma_start3A_491 : memref<1x64xi32, #tpu.memory_space<vmem>> -> memref<64xi32, #tpu.memory_space<vmem>>
      %dma_start3A_493 = arith.constant 0 : i32
      %dma_start3A_494 = arith.constant 0 : i32
      %dma_start3A_495 = tpu.memref_slice %arg13[%dma_start3A_493, %dma_start3A_494] : memref<10240x128xf32, #tpu.memory_space<vmem_shared>> -> memref<10240x128xf32, #tpu.memory_space<vmem_shared>>
      tpu.enqueue_indirect_dma source(%arg9 : memref<64x128xf32, #tpu.memory_space<vmem>>) target(%dma_start3A_495 : memref<10240x128xf32, #tpu.memory_space<vmem_shared>>) offsets(%dma_start3A_492 : memref<64xi32, #tpu.memory_space<vmem>>) semaphore(%arg18 : memref<!tpu.dma_semaphore, #tpu.memory_space<semaphore_mem>>) {add = true}
      %add3A_496 = arith.constant 1 : i32
      %add3A_497 = arith.addi %mul3A_479, %add3A_496 : i32
      %dma_wait3A_498 = arith.constant 0 : i32
      %dma_wait3A_499 = tpu.memref_slice %arg7[%add3A_497, %dma_wait3A_498] : memref<40x64xi32, #tpu.memory_space<vmem>> -> memref<1x64xi32, #tpu.memory_space<vmem>>
      %dma_wait3A_500 = tpu.memref_squeeze %dma_wait3A_499 : memref<1x64xi32, #tpu.memory_space<vmem>> -> memref<64xi32, #tpu.memory_space<vmem>>
      %dma_wait3A_501 = arith.constant 0 : i32
      %dma_wait3A_502 = arith.constant 0 : i32
      %dma_wait3A_503 = tpu.memref_slice %arg4[%dma_wait3A_501, %dma_wait3A_502] : memref<10000x128xf32, #tpu.memory_space<hbm>> -> memref<10000x128xf32, #tpu.memory_space<hbm>>
      tpu.wait_indirect_dma semaphore(%arg15 : memref<!tpu.dma_semaphore, #tpu.memory_space<semaphore_mem>>) src(%dma_wait3A_503 : memref<10000x128xf32, #tpu.memory_space<hbm>>) dst(%arg10 : memref<64x128xf32, #tpu.memory_space<vmem>>)
      %add3A_504 = arith.constant 1 : i32
      %add3A_505 = arith.addi %mul3A_479, %add3A_504 : i32
      %dma_start3A_506 = arith.constant 0 : i32
      %dma_start3A_507 = tpu.memref_slice %arg8[%add3A_505, %dma_start3A_506] : memref<40x64xi32, #tpu.memory_space<vmem>> -> memref<1x64xi32, #tpu.memory_space<vmem>>
      %dma_start3A_508 = tpu.memref_squeeze %dma_start3A_507 : memref<1x64xi32, #tpu.memory_space<vmem>> -> memref<64xi32, #tpu.memory_space<vmem>>
      %dma_start3A_509 = arith.constant 0 : i32
      %dma_start3A_510 = arith.constant 0 : i32
      %dma_start3A_511 = tpu.memref_slice %arg13[%dma_start3A_509, %dma_start3A_510] : memref<10240x128xf32, #tpu.memory_space<vmem_shared>> -> memref<10240x128xf32, #tpu.memory_space<vmem_shared>>
      tpu.enqueue_indirect_dma source(%arg10 : memref<64x128xf32, #tpu.memory_space<vmem>>) target(%dma_start3A_511 : memref<10240x128xf32, #tpu.memory_space<vmem_shared>>) offsets(%dma_start3A_508 : memref<64xi32, #tpu.memory_space<vmem>>) semaphore(%arg19 : memref<!tpu.dma_semaphore, #tpu.memory_space<semaphore_mem>>) {add = true}
      %add3A_512 = arith.constant 2 : i32
      %add3A_513 = arith.addi %mul3A_479, %add3A_512 : i32
      %dma_wait3A_514 = arith.constant 0 : i32
      %dma_wait3A_515 = tpu.memref_slice %arg7[%add3A_513, %dma_wait3A_514] : memref<40x64xi32, #tpu.memory_space<vmem>> -> memref<1x64xi32, #tpu.memory_space<vmem>>
      %dma_wait3A_516 = tpu.memref_squeeze %dma_wait3A_515 : memref<1x64xi32, #tpu.memory_space<vmem>> -> memref<64xi32, #tpu.memory_space<vmem>>
      %dma_wait3A_517 = arith.constant 0 : i32
      %dma_wait3A_518 = arith.constant 0 : i32
      %dma_wait3A_519 = tpu.memref_slice %arg4[%dma_wait3A_517, %dma_wait3A_518] : memref<10000x128xf32, #tpu.memory_space<hbm>> -> memref<10000x128xf32, #tpu.memory_space<hbm>>
      tpu.wait_indirect_dma semaphore(%arg16 : memref<!tpu.dma_semaphore, #tpu.memory_space<semaphore_mem>>) src(%dma_wait3A_519 : memref<10000x128xf32, #tpu.memory_space<hbm>>) dst(%arg11 : memref<64x128xf32, #tpu.memory_space<vmem>>)
      %add3A_520 = arith.constant 2 : i32
      %add3A_521 = arith.addi %mul3A_479, %add3A_520 : i32
      %dma_start3A_522 = arith.constant 0 : i32
      %dma_start3A_523 = tpu.memref_slice %arg8[%add3A_521, %dma_start3A_522] : memref<40x64xi32, #tpu.memory_space<vmem>> -> memref<1x64xi32, #tpu.memory_space<vmem>>
      %dma_start3A_524 = tpu.memref_squeeze %dma_start3A_523 : memref<1x64xi32, #tpu.memory_space<vmem>> -> memref<64xi32, #tpu.memory_space<vmem>>
      %dma_start3A_525 = arith.constant 0 : i32
      %dma_start3A_526 = arith.constant 0 : i32
      %dma_start3A_527 = tpu.memref_slice %arg13[%dma_start3A_525, %dma_start3A_526] : memref<10240x128xf32, #tpu.memory_space<vmem_shared>> -> memref<10240x128xf32, #tpu.memory_space<vmem_shared>>
      tpu.enqueue_indirect_dma source(%arg11 : memref<64x128xf32, #tpu.memory_space<vmem>>) target(%dma_start3A_527 : memref<10240x128xf32, #tpu.memory_space<vmem_shared>>) offsets(%dma_start3A_524 : memref<64xi32, #tpu.memory_space<vmem>>) semaphore(%arg20 : memref<!tpu.dma_semaphore, #tpu.memory_space<semaphore_mem>>) {add = true}
      %add3A_528 = arith.constant 3 : i32
      %add3A_529 = arith.addi %mul3A_479, %add3A_528 : i32
      %dma_wait3A_530 = arith.constant 0 : i32
      %dma_wait3A_531 = tpu.memref_slice %arg7[%add3A_529, %dma_wait3A_530] : memref<40x64xi32, #tpu.memory_space<vmem>> -> memref<1x64xi32, #tpu.memory_space<vmem>>
      %dma_wait3A_532 = tpu.memref_squeeze %dma_wait3A_531 : memref<1x64xi32, #tpu.memory_space<vmem>> -> memref<64xi32, #tpu.memory_space<vmem>>
      %dma_wait3A_533 = arith.constant 0 : i32
      %dma_wait3A_534 = arith.constant 0 : i32
      %dma_wait3A_535 = tpu.memref_slice %arg4[%dma_wait3A_533, %dma_wait3A_534] : memref<10000x128xf32, #tpu.memory_space<hbm>> -> memref<10000x128xf32, #tpu.memory_space<hbm>>
      tpu.wait_indirect_dma semaphore(%arg17 : memref<!tpu.dma_semaphore, #tpu.memory_space<semaphore_mem>>) src(%dma_wait3A_535 : memref<10000x128xf32, #tpu.memory_space<hbm>>) dst(%arg12 : memref<64x128xf32, #tpu.memory_space<vmem>>)
      %add3A_536 = arith.constant 3 : i32
      %add3A_537 = arith.addi %mul3A_479, %add3A_536 : i32
      %dma_start3A_538 = arith.constant 0 : i32
      %dma_start3A_539 = tpu.memref_slice %arg8[%add3A_537, %dma_start3A_538] : memref<40x64xi32, #tpu.memory_space<vmem>> -> memref<1x64xi32, #tpu.memory_space<vmem>>
      %dma_start3A_540 = tpu.memref_squeeze %dma_start3A_539 : memref<1x64xi32, #tpu.memory_space<vmem>> -> memref<64xi32, #tpu.memory_space<vmem>>
      %dma_start3A_541 = arith.constant 0 : i32
      %dma_start3A_542 = arith.constant 0 : i32
      %dma_start3A_543 = tpu.memref_slice %arg13[%dma_start3A_541, %dma_start3A_542] : memref<10240x128xf32, #tpu.memory_space<vmem_shared>> -> memref<10240x128xf32, #tpu.memory_space<vmem_shared>>
      tpu.enqueue_indirect_dma source(%arg12 : memref<64x128xf32, #tpu.memory_space<vmem>>) target(%dma_start3A_543 : memref<10240x128xf32, #tpu.memory_space<vmem_shared>>) offsets(%dma_start3A_540 : memref<64xi32, #tpu.memory_space<vmem>>) semaphore(%arg21 : memref<!tpu.dma_semaphore, #tpu.memory_space<semaphore_mem>>) {add = true}
      %add3A_544 = arith.constant 4 : i32
      %add3A_545 = arith.addi %mul3A_479, %add3A_544 : i32
      %add3A_546 = arith.constant 0 : i32
      %add3A_547 = arith.addi %mul3A_479, %add3A_546 : i32
      %dma_wait3A_548 = arith.constant 0 : i32
      %dma_wait3A_549 = tpu.memref_slice %arg7[%add3A_547, %dma_wait3A_548] : memref<40x64xi32, #tpu.memory_space<vmem>> -> memref<1x64xi32, #tpu.memory_space<vmem>>
      %dma_wait3A_550 = tpu.memref_squeeze %dma_wait3A_549 : memref<1x64xi32, #tpu.memory_space<vmem>> -> memref<64xi32, #tpu.memory_space<vmem>>
      %dma_wait3A_551 = arith.constant 0 : i32
      %dma_wait3A_552 = arith.constant 0 : i32
      %dma_wait3A_553 = tpu.memref_slice %arg4[%dma_wait3A_551, %dma_wait3A_552] : memref<10000x128xf32, #tpu.memory_space<hbm>> -> memref<10000x128xf32, #tpu.memory_space<hbm>>
      tpu.wait_indirect_dma semaphore(%arg18 : memref<!tpu.dma_semaphore, #tpu.memory_space<semaphore_mem>>) src(%dma_wait3A_553 : memref<10000x128xf32, #tpu.memory_space<hbm>>) dst(%arg9 : memref<64x128xf32, #tpu.memory_space<vmem>>)
      %add3A_554 = arith.constant 0 : i32
      %add3A_555 = arith.addi %add3A_545, %add3A_554 : i32
      %dma_start3A_556 = arith.constant 0 : i32
      %dma_start3A_557 = tpu.memref_slice %arg7[%add3A_555, %dma_start3A_556] : memref<40x64xi32, #tpu.memory_space<vmem>> -> memref<1x64xi32, #tpu.memory_space<vmem>>
      %dma_start3A_558 = tpu.memref_squeeze %dma_start3A_557 : memref<1x64xi32, #tpu.memory_space<vmem>> -> memref<64xi32, #tpu.memory_space<vmem>>
      %dma_start3A_559 = arith.constant 0 : i32
      %dma_start3A_560 = arith.constant 0 : i32
      %dma_start3A_561 = tpu.memref_slice %arg4[%dma_start3A_559, %dma_start3A_560] : memref<10000x128xf32, #tpu.memory_space<hbm>> -> memref<10000x128xf32, #tpu.memory_space<hbm>>
      tpu.enqueue_indirect_dma source(%dma_start3A_561 : memref<10000x128xf32, #tpu.memory_space<hbm>>) target(%arg9 : memref<64x128xf32, #tpu.memory_space<vmem>>) offsets(%dma_start3A_558 : memref<64xi32, #tpu.memory_space<vmem>>) semaphore(%arg14 : memref<!tpu.dma_semaphore, #tpu.memory_space<semaphore_mem>>)
      %add3A_562 = arith.constant 1 : i32
      %add3A_563 = arith.addi %mul3A_479, %add3A_562 : i32
      %dma_wait3A_564 = arith.constant 0 : i32
      %dma_wait3A_565 = tpu.memref_slice %arg7[%add3A_563, %dma_wait3A_564] : memref<40x64xi32, #tpu.memory_space<vmem>> -> memref<1x64xi32, #tpu.memory_space<vmem>>
      %dma_wait3A_566 = tpu.memref_squeeze %dma_wait3A_565 : memref<1x64xi32, #tpu.memory_space<vmem>> -> memref<64xi32, #tpu.memory_space<vmem>>
      %dma_wait3A_567 = arith.constant 0 : i32
      %dma_wait3A_568 = arith.constant 0 : i32
      %dma_wait3A_569 = tpu.memref_slice %arg4[%dma_wait3A_567, %dma_wait3A_568] : memref<10000x128xf32, #tpu.memory_space<hbm>> -> memref<10000x128xf32, #tpu.memory_space<hbm>>
      tpu.wait_indirect_dma semaphore(%arg19 : memref<!tpu.dma_semaphore, #tpu.memory_space<semaphore_mem>>) src(%dma_wait3A_569 : memref<10000x128xf32, #tpu.memory_space<hbm>>) dst(%arg10 : memref<64x128xf32, #tpu.memory_space<vmem>>)
      %add3A_570 = arith.constant 1 : i32
      %add3A_571 = arith.addi %add3A_545, %add3A_570 : i32
      %dma_start3A_572 = arith.constant 0 : i32
      %dma_start3A_573 = tpu.memref_slice %arg7[%add3A_571, %dma_start3A_572] : memref<40x64xi32, #tpu.memory_space<vmem>> -> memref<1x64xi32, #tpu.memory_space<vmem>>
      %dma_start3A_574 = tpu.memref_squeeze %dma_start3A_573 : memref<1x64xi32, #tpu.memory_space<vmem>> -> memref<64xi32, #tpu.memory_space<vmem>>
      %dma_start3A_575 = arith.constant 0 : i32
      %dma_start3A_576 = arith.constant 0 : i32
      %dma_start3A_577 = tpu.memref_slice %arg4[%dma_start3A_575, %dma_start3A_576] : memref<10000x128xf32, #tpu.memory_space<hbm>> -> memref<10000x128xf32, #tpu.memory_space<hbm>>
      tpu.enqueue_indirect_dma source(%dma_start3A_577 : memref<10000x128xf32, #tpu.memory_space<hbm>>) target(%arg10 : memref<64x128xf32, #tpu.memory_space<vmem>>) offsets(%dma_start3A_574 : memref<64xi32, #tpu.memory_space<vmem>>) semaphore(%arg15 : memref<!tpu.dma_semaphore, #tpu.memory_space<semaphore_mem>>)
      %add3A_578 = arith.constant 2 : i32
      %add3A_579 = arith.addi %mul3A_479, %add3A_578 : i32
      %dma_wait3A_580 = arith.constant 0 : i32
      %dma_wait3A_581 = tpu.memref_slice %arg7[%add3A_579, %dma_wait3A_580] : memref<40x64xi32, #tpu.memory_space<vmem>> -> memref<1x64xi32, #tpu.memory_space<vmem>>
      %dma_wait3A_582 = tpu.memref_squeeze %dma_wait3A_581 : memref<1x64xi32, #tpu.memory_space<vmem>> -> memref<64xi32, #tpu.memory_space<vmem>>
      %dma_wait3A_583 = arith.constant 0 : i32
      %dma_wait3A_584 = arith.constant 0 : i32
      %dma_wait3A_585 = tpu.memref_slice %arg4[%dma_wait3A_583, %dma_wait3A_584] : memref<10000x128xf32, #tpu.memory_space<hbm>> -> memref<10000x128xf32, #tpu.memory_space<hbm>>
      tpu.wait_indirect_dma semaphore(%arg20 : memref<!tpu.dma_semaphore, #tpu.memory_space<semaphore_mem>>) src(%dma_wait3A_585 : memref<10000x128xf32, #tpu.memory_space<hbm>>) dst(%arg11 : memref<64x128xf32, #tpu.memory_space<vmem>>)
      %add3A_586 = arith.constant 2 : i32
      %add3A_587 = arith.addi %add3A_545, %add3A_586 : i32
      %dma_start3A_588 = arith.constant 0 : i32
      %dma_start3A_589 = tpu.memref_slice %arg7[%add3A_587, %dma_start3A_588] : memref<40x64xi32, #tpu.memory_space<vmem>> -> memref<1x64xi32, #tpu.memory_space<vmem>>
      %dma_start3A_590 = tpu.memref_squeeze %dma_start3A_589 : memref<1x64xi32, #tpu.memory_space<vmem>> -> memref<64xi32, #tpu.memory_space<vmem>>
      %dma_start3A_591 = arith.constant 0 : i32
      %dma_start3A_592 = arith.constant 0 : i32
      %dma_start3A_593 = tpu.memref_slice %arg4[%dma_start3A_591, %dma_start3A_592] : memref<10000x128xf32, #tpu.memory_space<hbm>> -> memref<10000x128xf32, #tpu.memory_space<hbm>>
      tpu.enqueue_indirect_dma source(%dma_start3A_593 : memref<10000x128xf32, #tpu.memory_space<hbm>>) target(%arg11 : memref<64x128xf32, #tpu.memory_space<vmem>>) offsets(%dma_start3A_590 : memref<64xi32, #tpu.memory_space<vmem>>) semaphore(%arg16 : memref<!tpu.dma_semaphore, #tpu.memory_space<semaphore_mem>>)
      %add3A_594 = arith.constant 3 : i32
      %add3A_595 = arith.addi %mul3A_479, %add3A_594 : i32
      %dma_wait3A_596 = arith.constant 0 : i32
      %dma_wait3A_597 = tpu.memref_slice %arg7[%add3A_595, %dma_wait3A_596] : memref<40x64xi32, #tpu.memory_space<vmem>> -> memref<1x64xi32, #tpu.memory_space<vmem>>
      %dma_wait3A_598 = tpu.memref_squeeze %dma_wait3A_597 : memref<1x64xi32, #tpu.memory_space<vmem>> -> memref<64xi32, #tpu.memory_space<vmem>>
      %dma_wait3A_599 = arith.constant 0 : i32
      %dma_wait3A_600 = arith.constant 0 : i32
      %dma_wait3A_601 = tpu.memref_slice %arg4[%dma_wait3A_599, %dma_wait3A_600] : memref<10000x128xf32, #tpu.memory_space<hbm>> -> memref<10000x128xf32, #tpu.memory_space<hbm>>
      tpu.wait_indirect_dma semaphore(%arg21 : memref<!tpu.dma_semaphore, #tpu.memory_space<semaphore_mem>>) src(%dma_wait3A_601 : memref<10000x128xf32, #tpu.memory_space<hbm>>) dst(%arg12 : memref<64x128xf32, #tpu.memory_space<vmem>>)
      %add3A_602 = arith.constant 3 : i32
      %add3A_603 = arith.addi %add3A_545, %add3A_602 : i32
      %dma_start3A_604 = arith.constant 0 : i32
      %dma_start3A_605 = tpu.memref_slice %arg7[%add3A_603, %dma_start3A_604] : memref<40x64xi32, #tpu.memory_space<vmem>> -> memref<1x64xi32, #tpu.memory_space<vmem>>
      %dma_start3A_606 = tpu.memref_squeeze %dma_start3A_605 : memref<1x64xi32, #tpu.memory_space<vmem>> -> memref<64xi32, #tpu.memory_space<vmem>>
      %dma_start3A_607 = arith.constant 0 : i32
      %dma_start3A_608 = arith.constant 0 : i32
      %dma_start3A_609 = tpu.memref_slice %arg4[%dma_start3A_607, %dma_start3A_608] : memref<10000x128xf32, #tpu.memory_space<hbm>> -> memref<10000x128xf32, #tpu.memory_space<hbm>>
      tpu.enqueue_indirect_dma source(%dma_start3A_609 : memref<10000x128xf32, #tpu.memory_space<hbm>>) target(%arg12 : memref<64x128xf32, #tpu.memory_space<vmem>>) offsets(%dma_start3A_606 : memref<64xi32, #tpu.memory_space<vmem>>) semaphore(%arg17 : memref<!tpu.dma_semaphore, #tpu.memory_space<semaphore_mem>>)
    }
    %scan3A_269 = arith.constant 9 : i32
    %dma_wait3A_270 = arith.constant 36 : i32
    %dma_wait3A_271 = arith.constant 0 : i32
    %dma_wait3A_272 = tpu.memref_slice %arg7[%dma_wait3A_270, %dma_wait3A_271] : memref<40x64xi32, #tpu.memory_space<vmem>> -> memref<1x64xi32, #tpu.memory_space<vmem>>
    %dma_wait3A_273 = tpu.memref_squeeze %dma_wait3A_272 : memref<1x64xi32, #tpu.memory_space<vmem>> -> memref<64xi32, #tpu.memory_space<vmem>>
    %dma_wait3A_274 = arith.constant 0 : i32
    %dma_wait3A_275 = arith.constant 0 : i32
    %dma_wait3A_276 = tpu.memref_slice %arg4[%dma_wait3A_274, %dma_wait3A_275] : memref<10000x128xf32, #tpu.memory_space<hbm>> -> memref<10000x128xf32, #tpu.memory_space<hbm>>
    tpu.wait_indirect_dma semaphore(%arg14 : memref<!tpu.dma_semaphore, #tpu.memory_space<semaphore_mem>>) src(%dma_wait3A_276 : memref<10000x128xf32, #tpu.memory_space<hbm>>) dst(%arg9 : memref<64x128xf32, #tpu.memory_space<vmem>>)
    %dma_start3A_277 = arith.constant 36 : i32
    %dma_start3A_278 = arith.constant 0 : i32
    %dma_start3A_279 = tpu.memref_slice %arg8[%dma_start3A_277, %dma_start3A_278] : memref<40x64xi32, #tpu.memory_space<vmem>> -> memref<1x64xi32, #tpu.memory_space<vmem>>
    %dma_start3A_280 = tpu.memref_squeeze %dma_start3A_279 : memref<1x64xi32, #tpu.memory_space<vmem>> -> memref<64xi32, #tpu.memory_space<vmem>>
    %dma_start3A_281 = arith.constant 0 : i32
    %dma_start3A_282 = arith.constant 0 : i32
    %dma_start3A_283 = tpu.memref_slice %arg13[%dma_start3A_281, %dma_start3A_282] : memref<10240x128xf32, #tpu.memory_space<vmem_shared>> -> memref<10240x128xf32, #tpu.memory_space<vmem_shared>>
    tpu.enqueue_indirect_dma source(%arg9 : memref<64x128xf32, #tpu.memory_space<vmem>>) target(%dma_start3A_283 : memref<10240x128xf32, #tpu.memory_space<vmem_shared>>) offsets(%dma_start3A_280 : memref<64xi32, #tpu.memory_space<vmem>>) semaphore(%arg18 : memref<!tpu.dma_semaphore, #tpu.memory_space<semaphore_mem>>) {add = true}
    %dma_wait3A_284 = arith.constant 37 : i32
    %dma_wait3A_285 = arith.constant 0 : i32
    %dma_wait3A_286 = tpu.memref_slice %arg7[%dma_wait3A_284, %dma_wait3A_285] : memref<40x64xi32, #tpu.memory_space<vmem>> -> memref<1x64xi32, #tpu.memory_space<vmem>>
    %dma_wait3A_287 = tpu.memref_squeeze %dma_wait3A_286 : memref<1x64xi32, #tpu.memory_space<vmem>> -> memref<64xi32, #tpu.memory_space<vmem>>
    %dma_wait3A_288 = arith.constant 0 : i32
    %dma_wait3A_289 = arith.constant 0 : i32
    %dma_wait3A_290 = tpu.memref_slice %arg4[%dma_wait3A_288, %dma_wait3A_289] : memref<10000x128xf32, #tpu.memory_space<hbm>> -> memref<10000x128xf32, #tpu.memory_space<hbm>>
    tpu.wait_indirect_dma semaphore(%arg15 : memref<!tpu.dma_semaphore, #tpu.memory_space<semaphore_mem>>) src(%dma_wait3A_290 : memref<10000x128xf32, #tpu.memory_space<hbm>>) dst(%arg10 : memref<64x128xf32, #tpu.memory_space<vmem>>)
    %dma_start3A_291 = arith.constant 37 : i32
    %dma_start3A_292 = arith.constant 0 : i32
    %dma_start3A_293 = tpu.memref_slice %arg8[%dma_start3A_291, %dma_start3A_292] : memref<40x64xi32, #tpu.memory_space<vmem>> -> memref<1x64xi32, #tpu.memory_space<vmem>>
    %dma_start3A_294 = tpu.memref_squeeze %dma_start3A_293 : memref<1x64xi32, #tpu.memory_space<vmem>> -> memref<64xi32, #tpu.memory_space<vmem>>
    %dma_start3A_295 = arith.constant 0 : i32
    %dma_start3A_296 = arith.constant 0 : i32
    %dma_start3A_297 = tpu.memref_slice %arg13[%dma_start3A_295, %dma_start3A_296] : memref<10240x128xf32, #tpu.memory_space<vmem_shared>> -> memref<10240x128xf32, #tpu.memory_space<vmem_shared>>
    tpu.enqueue_indirect_dma source(%arg10 : memref<64x128xf32, #tpu.memory_space<vmem>>) target(%dma_start3A_297 : memref<10240x128xf32, #tpu.memory_space<vmem_shared>>) offsets(%dma_start3A_294 : memref<64xi32, #tpu.memory_space<vmem>>) semaphore(%arg19 : memref<!tpu.dma_semaphore, #tpu.memory_space<semaphore_mem>>) {add = true}
    %dma_wait3A_298 = arith.constant 38 : i32
    %dma_wait3A_299 = arith.constant 0 : i32
    %dma_wait3A_300 = tpu.memref_slice %arg7[%dma_wait3A_298, %dma_wait3A_299] : memref<40x64xi32, #tpu.memory_space<vmem>> -> memref<1x64xi32, #tpu.memory_space<vmem>>
    %dma_wait3A_301 = tpu.memref_squeeze %dma_wait3A_300 : memref<1x64xi32, #tpu.memory_space<vmem>> -> memref<64xi32, #tpu.memory_space<vmem>>
    %dma_wait3A_302 = arith.constant 0 : i32
    %dma_wait3A_303 = arith.constant 0 : i32
    %dma_wait3A_304 = tpu.memref_slice %arg4[%dma_wait3A_302, %dma_wait3A_303] : memref<10000x128xf32, #tpu.memory_space<hbm>> -> memref<10000x128xf32, #tpu.memory_space<hbm>>
    tpu.wait_indirect_dma semaphore(%arg16 : memref<!tpu.dma_semaphore, #tpu.memory_space<semaphore_mem>>) src(%dma_wait3A_304 : memref<10000x128xf32, #tpu.memory_space<hbm>>) dst(%arg11 : memref<64x128xf32, #tpu.memory_space<vmem>>)
    %dma_start3A_305 = arith.constant 38 : i32
    %dma_start3A_306 = arith.constant 0 : i32
    %dma_start3A_307 = tpu.memref_slice %arg8[%dma_start3A_305, %dma_start3A_306] : memref<40x64xi32, #tpu.memory_space<vmem>> -> memref<1x64xi32, #tpu.memory_space<vmem>>
    %dma_start3A_308 = tpu.memref_squeeze %dma_start3A_307 : memref<1x64xi32, #tpu.memory_space<vmem>> -> memref<64xi32, #tpu.memory_space<vmem>>
    %dma_start3A_309 = arith.constant 0 : i32
    %dma_start3A_310 = arith.constant 0 : i32
    %dma_start3A_311 = tpu.memref_slice %arg13[%dma_start3A_309, %dma_start3A_310] : memref<10240x128xf32, #tpu.memory_space<vmem_shared>> -> memref<10240x128xf32, #tpu.memory_space<vmem_shared>>
    tpu.enqueue_indirect_dma source(%arg11 : memref<64x128xf32, #tpu.memory_space<vmem>>) target(%dma_start3A_311 : memref<10240x128xf32, #tpu.memory_space<vmem_shared>>) offsets(%dma_start3A_308 : memref<64xi32, #tpu.memory_space<vmem>>) semaphore(%arg20 : memref<!tpu.dma_semaphore, #tpu.memory_space<semaphore_mem>>) {add = true}
    %dma_wait3A_312 = arith.constant 39 : i32
    %dma_wait3A_313 = arith.constant 0 : i32
    %dma_wait3A_314 = tpu.memref_slice %arg7[%dma_wait3A_312, %dma_wait3A_313] : memref<40x64xi32, #tpu.memory_space<vmem>> -> memref<1x64xi32, #tpu.memory_space<vmem>>
    %dma_wait3A_315 = tpu.memref_squeeze %dma_wait3A_314 : memref<1x64xi32, #tpu.memory_space<vmem>> -> memref<64xi32, #tpu.memory_space<vmem>>
    %dma_wait3A_316 = arith.constant 0 : i32
    %dma_wait3A_317 = arith.constant 0 : i32
    %dma_wait3A_318 = tpu.memref_slice %arg4[%dma_wait3A_316, %dma_wait3A_317] : memref<10000x128xf32, #tpu.memory_space<hbm>> -> memref<10000x128xf32, #tpu.memory_space<hbm>>
    tpu.wait_indirect_dma semaphore(%arg17 : memref<!tpu.dma_semaphore, #tpu.memory_space<semaphore_mem>>) src(%dma_wait3A_318 : memref<10000x128xf32, #tpu.memory_space<hbm>>) dst(%arg12 : memref<64x128xf32, #tpu.memory_space<vmem>>)
    %dma_start3A_319 = arith.constant 39 : i32
    %dma_start3A_320 = arith.constant 0 : i32
    %dma_start3A_321 = tpu.memref_slice %arg8[%dma_start3A_319, %dma_start3A_320] : memref<40x64xi32, #tpu.memory_space<vmem>> -> memref<1x64xi32, #tpu.memory_space<vmem>>
    %dma_start3A_322 = tpu.memref_squeeze %dma_start3A_321 : memref<1x64xi32, #tpu.memory_space<vmem>> -> memref<64xi32, #tpu.memory_space<vmem>>
    %dma_start3A_323 = arith.constant 0 : i32
    %dma_start3A_324 = arith.constant 0 : i32
    %dma_start3A_325 = tpu.memref_slice %arg13[%dma_start3A_323, %dma_start3A_324] : memref<10240x128xf32, #tpu.memory_space<vmem_shared>> -> memref<10240x128xf32, #tpu.memory_space<vmem_shared>>
    tpu.enqueue_indirect_dma source(%arg12 : memref<64x128xf32, #tpu.memory_space<vmem>>) target(%dma_start3A_325 : memref<10240x128xf32, #tpu.memory_space<vmem_shared>>) offsets(%dma_start3A_322 : memref<64xi32, #tpu.memory_space<vmem>>) semaphore(%arg21 : memref<!tpu.dma_semaphore, #tpu.memory_space<semaphore_mem>>) {add = true}
    %dma_wait3A_326 = arith.constant 36 : i32
    %dma_wait3A_327 = arith.constant 0 : i32
    %dma_wait3A_328 = tpu.memref_slice %arg7[%dma_wait3A_326, %dma_wait3A_327] : memref<40x64xi32, #tpu.memory_space<vmem>> -> memref<1x64xi32, #tpu.memory_space<vmem>>
    %dma_wait3A_329 = tpu.memref_squeeze %dma_wait3A_328 : memref<1x64xi32, #tpu.memory_space<vmem>> -> memref<64xi32, #tpu.memory_space<vmem>>
    %dma_wait3A_330 = arith.constant 0 : i32
    %dma_wait3A_331 = arith.constant 0 : i32
    %dma_wait3A_332 = tpu.memref_slice %arg4[%dma_wait3A_330, %dma_wait3A_331] : memref<10000x128xf32, #tpu.memory_space<hbm>> -> memref<10000x128xf32, #tpu.memory_space<hbm>>
    tpu.wait_indirect_dma semaphore(%arg18 : memref<!tpu.dma_semaphore, #tpu.memory_space<semaphore_mem>>) src(%dma_wait3A_332 : memref<10000x128xf32, #tpu.memory_space<hbm>>) dst(%arg9 : memref<64x128xf32, #tpu.memory_space<vmem>>)
    %dma_wait3A_333 = arith.constant 37 : i32
    %dma_wait3A_334 = arith.constant 0 : i32
    %dma_wait3A_335 = tpu.memref_slice %arg7[%dma_wait3A_333, %dma_wait3A_334] : memref<40x64xi32, #tpu.memory_space<vmem>> -> memref<1x64xi32, #tpu.memory_space<vmem>>
    %dma_wait3A_336 = tpu.memref_squeeze %dma_wait3A_335 : memref<1x64xi32, #tpu.memory_space<vmem>> -> memref<64xi32, #tpu.memory_space<vmem>>
    %dma_wait3A_337 = arith.constant 0 : i32
    %dma_wait3A_338 = arith.constant 0 : i32
    %dma_wait3A_339 = tpu.memref_slice %arg4[%dma_wait3A_337, %dma_wait3A_338] : memref<10000x128xf32, #tpu.memory_space<hbm>> -> memref<10000x128xf32, #tpu.memory_space<hbm>>
    tpu.wait_indirect_dma semaphore(%arg19 : memref<!tpu.dma_semaphore, #tpu.memory_space<semaphore_mem>>) src(%dma_wait3A_339 : memref<10000x128xf32, #tpu.memory_space<hbm>>) dst(%arg10 : memref<64x128xf32, #tpu.memory_space<vmem>>)
    %dma_wait3A_340 = arith.constant 38 : i32
    %dma_wait3A_341 = arith.constant 0 : i32
    %dma_wait3A_342 = tpu.memref_slice %arg7[%dma_wait3A_340, %dma_wait3A_341] : memref<40x64xi32, #tpu.memory_space<vmem>> -> memref<1x64xi32, #tpu.memory_space<vmem>>
    %dma_wait3A_343 = tpu.memref_squeeze %dma_wait3A_342 : memref<1x64xi32, #tpu.memory_space<vmem>> -> memref<64xi32, #tpu.memory_space<vmem>>
    %dma_wait3A_344 = arith.constant 0 : i32
    %dma_wait3A_345 = arith.constant 0 : i32
    %dma_wait3A_346 = tpu.memref_slice %arg4[%dma_wait3A_344, %dma_wait3A_345] : memref<10000x128xf32, #tpu.memory_space<hbm>> -> memref<10000x128xf32, #tpu.memory_space<hbm>>
    tpu.wait_indirect_dma semaphore(%arg20 : memref<!tpu.dma_semaphore, #tpu.memory_space<semaphore_mem>>) src(%dma_wait3A_346 : memref<10000x128xf32, #tpu.memory_space<hbm>>) dst(%arg11 : memref<64x128xf32, #tpu.memory_space<vmem>>)
    %dma_wait3A_347 = arith.constant 39 : i32
    %dma_wait3A_348 = arith.constant 0 : i32
    %dma_wait3A_349 = tpu.memref_slice %arg7[%dma_wait3A_347, %dma_wait3A_348] : memref<40x64xi32, #tpu.memory_space<vmem>> -> memref<1x64xi32, #tpu.memory_space<vmem>>
    %dma_wait3A_350 = tpu.memref_squeeze %dma_wait3A_349 : memref<1x64xi32, #tpu.memory_space<vmem>> -> memref<64xi32, #tpu.memory_space<vmem>>
    %dma_wait3A_351 = arith.constant 0 : i32
    %dma_wait3A_352 = arith.constant 0 : i32
    %dma_wait3A_353 = tpu.memref_slice %arg4[%dma_wait3A_351, %dma_wait3A_352] : memref<10000x128xf32, #tpu.memory_space<hbm>> -> memref<10000x128xf32, #tpu.memory_space<hbm>>
    tpu.wait_indirect_dma semaphore(%arg21 : memref<!tpu.dma_semaphore, #tpu.memory_space<semaphore_mem>>) src(%dma_wait3A_353 : memref<10000x128xf32, #tpu.memory_space<hbm>>) dst(%arg12 : memref<64x128xf32, #tpu.memory_space<vmem>>)
    "tpu.region"() ({
      %run_scoped3A = tpu.sem_alloc : memref<!tpu.dma_semaphore, #tpu.memory_space<semaphore_mem>>
      %dma_start3A_477 = arith.constant 120 : i32
      %dma_start3A_478 = arith.constant 0 : i32
      %dma_start3A_479 = tpu.memref_slice %arg2[%add3A, %dma_start3A_477, %dma_start3A_478] : memref<32x160x64xi32, #tpu.memory_space<hbm>> -> memref<1x40x64xi32, #tpu.memory_space<hbm>>
      %dma_start3A_480 = tpu.memref_squeeze %dma_start3A_479 : memref<1x40x64xi32, #tpu.memory_space<hbm>> -> memref<40x64xi32, #tpu.memory_space<hbm>>
      %dma_start3A_481 = arith.constant 120 : i32
      %dma_start3A_482 = arith.constant 0 : i32
      %dma_start3A_483 = tpu.memref_slice %arg2[%add3A, %dma_start3A_481, %dma_start3A_482] : memref<32x160x64xi32, #tpu.memory_space<hbm>> -> memref<1x40x64xi32, #tpu.memory_space<hbm>>
      %dma_start3A_484 = tpu.memref_squeeze %dma_start3A_483 : memref<1x40x64xi32, #tpu.memory_space<hbm>> -> memref<40x64xi32, #tpu.memory_space<hbm>>
      tpu.enqueue_dma source(%dma_start3A_484 : memref<40x64xi32, #tpu.memory_space<hbm>>) target(%arg7 : memref<40x64xi32, #tpu.memory_space<vmem>>) target_semaphore(%run_scoped3A : memref<!tpu.dma_semaphore, #tpu.memory_space<semaphore_mem>>)
      %dma_wait3A_485 = arith.constant 120 : i32
      %dma_wait3A_486 = arith.constant 0 : i32
      %dma_wait3A_487 = tpu.memref_slice %arg2[%add3A, %dma_wait3A_485, %dma_wait3A_486] : memref<32x160x64xi32, #tpu.memory_space<hbm>> -> memref<1x40x64xi32, #tpu.memory_space<hbm>>
      %dma_wait3A_488 = tpu.memref_squeeze %dma_wait3A_487 : memref<1x40x64xi32, #tpu.memory_space<hbm>> -> memref<40x64xi32, #tpu.memory_space<hbm>>
      %dma_wait3A_489 = arith.constant 120 : i32
      %dma_wait3A_490 = arith.constant 0 : i32
      %dma_wait3A_491 = tpu.memref_slice %arg2[%add3A, %dma_wait3A_489, %dma_wait3A_490] : memref<32x160x64xi32, #tpu.memory_space<hbm>> -> memref<1x40x64xi32, #tpu.memory_space<hbm>>
      %dma_wait3A_492 = tpu.memref_squeeze %dma_wait3A_491 : memref<1x40x64xi32, #tpu.memory_space<hbm>> -> memref<40x64xi32, #tpu.memory_space<hbm>>
      tpu.wait_dma2 semaphore(%run_scoped3A : memref<!tpu.dma_semaphore, #tpu.memory_space<semaphore_mem>>) src(%dma_wait3A_492 : memref<40x64xi32, #tpu.memory_space<hbm>>) dst(%arg7 : memref<40x64xi32, #tpu.memory_space<vmem>>)
      tpu.yield
    }) : () -> ()
    "tpu.region"() ({
      %run_scoped3A = tpu.sem_alloc : memref<!tpu.dma_semaphore, #tpu.memory_space<semaphore_mem>>
      %dma_start3A_477 = arith.constant 120 : i32
      %dma_start3A_478 = arith.constant 0 : i32
      %dma_start3A_479 = tpu.memref_slice %arg3[%add3A, %dma_start3A_477, %dma_start3A_478] : memref<32x160x64xi32, #tpu.memory_space<hbm>> -> memref<1x40x64xi32, #tpu.memory_space<hbm>>
      %dma_start3A_480 = tpu.memref_squeeze %dma_start3A_479 : memref<1x40x64xi32, #tpu.memory_space<hbm>> -> memref<40x64xi32, #tpu.memory_space<hbm>>
      %dma_start3A_481 = arith.constant 120 : i32
      %dma_start3A_482 = arith.constant 0 : i32
      %dma_start3A_483 = tpu.memref_slice %arg3[%add3A, %dma_start3A_481, %dma_start3A_482] : memref<32x160x64xi32, #tpu.memory_space<hbm>> -> memref<1x40x64xi32, #tpu.memory_space<hbm>>
      %dma_start3A_484 = tpu.memref_squeeze %dma_start3A_483 : memref<1x40x64xi32, #tpu.memory_space<hbm>> -> memref<40x64xi32, #tpu.memory_space<hbm>>
      tpu.enqueue_dma source(%dma_start3A_484 : memref<40x64xi32, #tpu.memory_space<hbm>>) target(%arg8 : memref<40x64xi32, #tpu.memory_space<vmem>>) target_semaphore(%run_scoped3A : memref<!tpu.dma_semaphore, #tpu.memory_space<semaphore_mem>>)
      %dma_wait3A_485 = arith.constant 120 : i32
      %dma_wait3A_486 = arith.constant 0 : i32
      %dma_wait3A_487 = tpu.memref_slice %arg3[%add3A, %dma_wait3A_485, %dma_wait3A_486] : memref<32x160x64xi32, #tpu.memory_space<hbm>> -> memref<1x40x64xi32, #tpu.memory_space<hbm>>
      %dma_wait3A_488 = tpu.memref_squeeze %dma_wait3A_487 : memref<1x40x64xi32, #tpu.memory_space<hbm>> -> memref<40x64xi32, #tpu.memory_space<hbm>>
      %dma_wait3A_489 = arith.constant 120 : i32
      %dma_wait3A_490 = arith.constant 0 : i32
      %dma_wait3A_491 = tpu.memref_slice %arg3[%add3A, %dma_wait3A_489, %dma_wait3A_490] : memref<32x160x64xi32, #tpu.memory_space<hbm>> -> memref<1x40x64xi32, #tpu.memory_space<hbm>>
      %dma_wait3A_492 = tpu.memref_squeeze %dma_wait3A_491 : memref<1x40x64xi32, #tpu.memory_space<hbm>> -> memref<40x64xi32, #tpu.memory_space<hbm>>
      tpu.wait_dma2 semaphore(%run_scoped3A : memref<!tpu.dma_semaphore, #tpu.memory_space<semaphore_mem>>) src(%dma_wait3A_492 : memref<40x64xi32, #tpu.memory_space<hbm>>) dst(%arg8 : memref<40x64xi32, #tpu.memory_space<vmem>>)
      tpu.yield
    }) : () -> ()
    %dma_start3A_354 = arith.constant 0 : i32
    %dma_start3A_355 = arith.constant 0 : i32
    %dma_start3A_356 = tpu.memref_slice %arg7[%dma_start3A_354, %dma_start3A_355] : memref<40x64xi32, #tpu.memory_space<vmem>> -> memref<1x64xi32, #tpu.memory_space<vmem>>
    %dma_start3A_357 = tpu.memref_squeeze %dma_start3A_356 : memref<1x64xi32, #tpu.memory_space<vmem>> -> memref<64xi32, #tpu.memory_space<vmem>>
    %dma_start3A_358 = arith.constant 0 : i32
    %dma_start3A_359 = arith.constant 0 : i32
    %dma_start3A_360 = tpu.memref_slice %arg4[%dma_start3A_358, %dma_start3A_359] : memref<10000x128xf32, #tpu.memory_space<hbm>> -> memref<10000x128xf32, #tpu.memory_space<hbm>>
    tpu.enqueue_indirect_dma source(%dma_start3A_360 : memref<10000x128xf32, #tpu.memory_space<hbm>>) target(%arg9 : memref<64x128xf32, #tpu.memory_space<vmem>>) offsets(%dma_start3A_357 : memref<64xi32, #tpu.memory_space<vmem>>) semaphore(%arg14 : memref<!tpu.dma_semaphore, #tpu.memory_space<semaphore_mem>>)
    %dma_start3A_361 = arith.constant 1 : i32
    %dma_start3A_362 = arith.constant 0 : i32
    %dma_start3A_363 = tpu.memref_slice %arg7[%dma_start3A_361, %dma_start3A_362] : memref<40x64xi32, #tpu.memory_space<vmem>> -> memref<1x64xi32, #tpu.memory_space<vmem>>
    %dma_start3A_364 = tpu.memref_squeeze %dma_start3A_363 : memref<1x64xi32, #tpu.memory_space<vmem>> -> memref<64xi32, #tpu.memory_space<vmem>>
    %dma_start3A_365 = arith.constant 0 : i32
    %dma_start3A_366 = arith.constant 0 : i32
    %dma_start3A_367 = tpu.memref_slice %arg4[%dma_start3A_365, %dma_start3A_366] : memref<10000x128xf32, #tpu.memory_space<hbm>> -> memref<10000x128xf32, #tpu.memory_space<hbm>>
    tpu.enqueue_indirect_dma source(%dma_start3A_367 : memref<10000x128xf32, #tpu.memory_space<hbm>>) target(%arg10 : memref<64x128xf32, #tpu.memory_space<vmem>>) offsets(%dma_start3A_364 : memref<64xi32, #tpu.memory_space<vmem>>) semaphore(%arg15 : memref<!tpu.dma_semaphore, #tpu.memory_space<semaphore_mem>>)
    %dma_start3A_368 = arith.constant 2 : i32
    %dma_start3A_369 = arith.constant 0 : i32
    %dma_start3A_370 = tpu.memref_slice %arg7[%dma_start3A_368, %dma_start3A_369] : memref<40x64xi32, #tpu.memory_space<vmem>> -> memref<1x64xi32, #tpu.memory_space<vmem>>
    %dma_start3A_371 = tpu.memref_squeeze %dma_start3A_370 : memref<1x64xi32, #tpu.memory_space<vmem>> -> memref<64xi32, #tpu.memory_space<vmem>>
    %dma_start3A_372 = arith.constant 0 : i32
    %dma_start3A_373 = arith.constant 0 : i32
    %dma_start3A_374 = tpu.memref_slice %arg4[%dma_start3A_372, %dma_start3A_373] : memref<10000x128xf32, #tpu.memory_space<hbm>> -> memref<10000x128xf32, #tpu.memory_space<hbm>>
    tpu.enqueue_indirect_dma source(%dma_start3A_374 : memref<10000x128xf32, #tpu.memory_space<hbm>>) target(%arg11 : memref<64x128xf32, #tpu.memory_space<vmem>>) offsets(%dma_start3A_371 : memref<64xi32, #tpu.memory_space<vmem>>) semaphore(%arg16 : memref<!tpu.dma_semaphore, #tpu.memory_space<semaphore_mem>>)
    %dma_start3A_375 = arith.constant 3 : i32
    %dma_start3A_376 = arith.constant 0 : i32
    %dma_start3A_377 = tpu.memref_slice %arg7[%dma_start3A_375, %dma_start3A_376] : memref<40x64xi32, #tpu.memory_space<vmem>> -> memref<1x64xi32, #tpu.memory_space<vmem>>
    %dma_start3A_378 = tpu.memref_squeeze %dma_start3A_377 : memref<1x64xi32, #tpu.memory_space<vmem>> -> memref<64xi32, #tpu.memory_space<vmem>>
    %dma_start3A_379 = arith.constant 0 : i32
    %dma_start3A_380 = arith.constant 0 : i32
    %dma_start3A_381 = tpu.memref_slice %arg4[%dma_start3A_379, %dma_start3A_380] : memref<10000x128xf32, #tpu.memory_space<hbm>> -> memref<10000x128xf32, #tpu.memory_space<hbm>>
    tpu.enqueue_indirect_dma source(%dma_start3A_381 : memref<10000x128xf32, #tpu.memory_space<hbm>>) target(%arg12 : memref<64x128xf32, #tpu.memory_space<vmem>>) offsets(%dma_start3A_378 : memref<64xi32, #tpu.memory_space<vmem>>) semaphore(%arg17 : memref<!tpu.dma_semaphore, #tpu.memory_space<semaphore_mem>>)
    %scan3A_382 = arith.constant 0 : i32
    %scan3A_383 = arith.constant 0 : i32
    %scan3A_384 = arith.constant 9 : i32
    %scan3A_385 = arith.addi %scan3A_383, %scan3A_384 : i32
    %scan3A_386 = arith.constant 1 : i32
    scf.for %scan3A_477 = %scan3A_383 to %scan3A_385 step %scan3A_386  : i32 {
      %mul3A_478 = arith.constant 4 : i32
      %mul3A_479 = arith.muli %scan3A_477, %mul3A_478 : i32
      %add3A_480 = arith.constant 0 : i32
      %add3A_481 = arith.addi %mul3A_479, %add3A_480 : i32
      %dma_wait3A_482 = arith.constant 0 : i32
      %dma_wait3A_483 = tpu.memref_slice %arg7[%add3A_481, %dma_wait3A_482] : memref<40x64xi32, #tpu.memory_space<vmem>> -> memref<1x64xi32, #tpu.memory_space<vmem>>
      %dma_wait3A_484 = tpu.memref_squeeze %dma_wait3A_483 : memref<1x64xi32, #tpu.memory_space<vmem>> -> memref<64xi32, #tpu.memory_space<vmem>>
      %dma_wait3A_485 = arith.constant 0 : i32
      %dma_wait3A_486 = arith.constant 0 : i32
      %dma_wait3A_487 = tpu.memref_slice %arg4[%dma_wait3A_485, %dma_wait3A_486] : memref<10000x128xf32, #tpu.memory_space<hbm>> -> memref<10000x128xf32, #tpu.memory_space<hbm>>
      tpu.wait_indirect_dma semaphore(%arg14 : memref<!tpu.dma_semaphore, #tpu.memory_space<semaphore_mem>>) src(%dma_wait3A_487 : memref<10000x128xf32, #tpu.memory_space<hbm>>) dst(%arg9 : memref<64x128xf32, #tpu.memory_space<vmem>>)
      %add3A_488 = arith.constant 0 : i32
      %add3A_489 = arith.addi %mul3A_479, %add3A_488 : i32
      %dma_start3A_490 = arith.constant 0 : i32
      %dma_start3A_491 = tpu.memref_slice %arg8[%add3A_489, %dma_start3A_490] : memref<40x64xi32, #tpu.memory_space<vmem>> -> memref<1x64xi32, #tpu.memory_space<vmem>>
      %dma_start3A_492 = tpu.memref_squeeze %dma_start3A_491 : memref<1x64xi32, #tpu.memory_space<vmem>> -> memref<64xi32, #tpu.memory_space<vmem>>
      %dma_start3A_493 = arith.constant 0 : i32
      %dma_start3A_494 = arith.constant 0 : i32
      %dma_start3A_495 = tpu.memref_slice %arg13[%dma_start3A_493, %dma_start3A_494] : memref<10240x128xf32, #tpu.memory_space<vmem_shared>> -> memref<10240x128xf32, #tpu.memory_space<vmem_shared>>
      tpu.enqueue_indirect_dma source(%arg9 : memref<64x128xf32, #tpu.memory_space<vmem>>) target(%dma_start3A_495 : memref<10240x128xf32, #tpu.memory_space<vmem_shared>>) offsets(%dma_start3A_492 : memref<64xi32, #tpu.memory_space<vmem>>) semaphore(%arg18 : memref<!tpu.dma_semaphore, #tpu.memory_space<semaphore_mem>>) {add = true}
      %add3A_496 = arith.constant 1 : i32
      %add3A_497 = arith.addi %mul3A_479, %add3A_496 : i32
      %dma_wait3A_498 = arith.constant 0 : i32
      %dma_wait3A_499 = tpu.memref_slice %arg7[%add3A_497, %dma_wait3A_498] : memref<40x64xi32, #tpu.memory_space<vmem>> -> memref<1x64xi32, #tpu.memory_space<vmem>>
      %dma_wait3A_500 = tpu.memref_squeeze %dma_wait3A_499 : memref<1x64xi32, #tpu.memory_space<vmem>> -> memref<64xi32, #tpu.memory_space<vmem>>
      %dma_wait3A_501 = arith.constant 0 : i32
      %dma_wait3A_502 = arith.constant 0 : i32
      %dma_wait3A_503 = tpu.memref_slice %arg4[%dma_wait3A_501, %dma_wait3A_502] : memref<10000x128xf32, #tpu.memory_space<hbm>> -> memref<10000x128xf32, #tpu.memory_space<hbm>>
      tpu.wait_indirect_dma semaphore(%arg15 : memref<!tpu.dma_semaphore, #tpu.memory_space<semaphore_mem>>) src(%dma_wait3A_503 : memref<10000x128xf32, #tpu.memory_space<hbm>>) dst(%arg10 : memref<64x128xf32, #tpu.memory_space<vmem>>)
      %add3A_504 = arith.constant 1 : i32
      %add3A_505 = arith.addi %mul3A_479, %add3A_504 : i32
      %dma_start3A_506 = arith.constant 0 : i32
      %dma_start3A_507 = tpu.memref_slice %arg8[%add3A_505, %dma_start3A_506] : memref<40x64xi32, #tpu.memory_space<vmem>> -> memref<1x64xi32, #tpu.memory_space<vmem>>
      %dma_start3A_508 = tpu.memref_squeeze %dma_start3A_507 : memref<1x64xi32, #tpu.memory_space<vmem>> -> memref<64xi32, #tpu.memory_space<vmem>>
      %dma_start3A_509 = arith.constant 0 : i32
      %dma_start3A_510 = arith.constant 0 : i32
      %dma_start3A_511 = tpu.memref_slice %arg13[%dma_start3A_509, %dma_start3A_510] : memref<10240x128xf32, #tpu.memory_space<vmem_shared>> -> memref<10240x128xf32, #tpu.memory_space<vmem_shared>>
      tpu.enqueue_indirect_dma source(%arg10 : memref<64x128xf32, #tpu.memory_space<vmem>>) target(%dma_start3A_511 : memref<10240x128xf32, #tpu.memory_space<vmem_shared>>) offsets(%dma_start3A_508 : memref<64xi32, #tpu.memory_space<vmem>>) semaphore(%arg19 : memref<!tpu.dma_semaphore, #tpu.memory_space<semaphore_mem>>) {add = true}
      %add3A_512 = arith.constant 2 : i32
      %add3A_513 = arith.addi %mul3A_479, %add3A_512 : i32
      %dma_wait3A_514 = arith.constant 0 : i32
      %dma_wait3A_515 = tpu.memref_slice %arg7[%add3A_513, %dma_wait3A_514] : memref<40x64xi32, #tpu.memory_space<vmem>> -> memref<1x64xi32, #tpu.memory_space<vmem>>
      %dma_wait3A_516 = tpu.memref_squeeze %dma_wait3A_515 : memref<1x64xi32, #tpu.memory_space<vmem>> -> memref<64xi32, #tpu.memory_space<vmem>>
      %dma_wait3A_517 = arith.constant 0 : i32
      %dma_wait3A_518 = arith.constant 0 : i32
      %dma_wait3A_519 = tpu.memref_slice %arg4[%dma_wait3A_517, %dma_wait3A_518] : memref<10000x128xf32, #tpu.memory_space<hbm>> -> memref<10000x128xf32, #tpu.memory_space<hbm>>
      tpu.wait_indirect_dma semaphore(%arg16 : memref<!tpu.dma_semaphore, #tpu.memory_space<semaphore_mem>>) src(%dma_wait3A_519 : memref<10000x128xf32, #tpu.memory_space<hbm>>) dst(%arg11 : memref<64x128xf32, #tpu.memory_space<vmem>>)
      %add3A_520 = arith.constant 2 : i32
      %add3A_521 = arith.addi %mul3A_479, %add3A_520 : i32
      %dma_start3A_522 = arith.constant 0 : i32
      %dma_start3A_523 = tpu.memref_slice %arg8[%add3A_521, %dma_start3A_522] : memref<40x64xi32, #tpu.memory_space<vmem>> -> memref<1x64xi32, #tpu.memory_space<vmem>>
      %dma_start3A_524 = tpu.memref_squeeze %dma_start3A_523 : memref<1x64xi32, #tpu.memory_space<vmem>> -> memref<64xi32, #tpu.memory_space<vmem>>
      %dma_start3A_525 = arith.constant 0 : i32
      %dma_start3A_526 = arith.constant 0 : i32
      %dma_start3A_527 = tpu.memref_slice %arg13[%dma_start3A_525, %dma_start3A_526] : memref<10240x128xf32, #tpu.memory_space<vmem_shared>> -> memref<10240x128xf32, #tpu.memory_space<vmem_shared>>
      tpu.enqueue_indirect_dma source(%arg11 : memref<64x128xf32, #tpu.memory_space<vmem>>) target(%dma_start3A_527 : memref<10240x128xf32, #tpu.memory_space<vmem_shared>>) offsets(%dma_start3A_524 : memref<64xi32, #tpu.memory_space<vmem>>) semaphore(%arg20 : memref<!tpu.dma_semaphore, #tpu.memory_space<semaphore_mem>>) {add = true}
      %add3A_528 = arith.constant 3 : i32
      %add3A_529 = arith.addi %mul3A_479, %add3A_528 : i32
      %dma_wait3A_530 = arith.constant 0 : i32
      %dma_wait3A_531 = tpu.memref_slice %arg7[%add3A_529, %dma_wait3A_530] : memref<40x64xi32, #tpu.memory_space<vmem>> -> memref<1x64xi32, #tpu.memory_space<vmem>>
      %dma_wait3A_532 = tpu.memref_squeeze %dma_wait3A_531 : memref<1x64xi32, #tpu.memory_space<vmem>> -> memref<64xi32, #tpu.memory_space<vmem>>
      %dma_wait3A_533 = arith.constant 0 : i32
      %dma_wait3A_534 = arith.constant 0 : i32
      %dma_wait3A_535 = tpu.memref_slice %arg4[%dma_wait3A_533, %dma_wait3A_534] : memref<10000x128xf32, #tpu.memory_space<hbm>> -> memref<10000x128xf32, #tpu.memory_space<hbm>>
      tpu.wait_indirect_dma semaphore(%arg17 : memref<!tpu.dma_semaphore, #tpu.memory_space<semaphore_mem>>) src(%dma_wait3A_535 : memref<10000x128xf32, #tpu.memory_space<hbm>>) dst(%arg12 : memref<64x128xf32, #tpu.memory_space<vmem>>)
      %add3A_536 = arith.constant 3 : i32
      %add3A_537 = arith.addi %mul3A_479, %add3A_536 : i32
      %dma_start3A_538 = arith.constant 0 : i32
      %dma_start3A_539 = tpu.memref_slice %arg8[%add3A_537, %dma_start3A_538] : memref<40x64xi32, #tpu.memory_space<vmem>> -> memref<1x64xi32, #tpu.memory_space<vmem>>
      %dma_start3A_540 = tpu.memref_squeeze %dma_start3A_539 : memref<1x64xi32, #tpu.memory_space<vmem>> -> memref<64xi32, #tpu.memory_space<vmem>>
      %dma_start3A_541 = arith.constant 0 : i32
      %dma_start3A_542 = arith.constant 0 : i32
      %dma_start3A_543 = tpu.memref_slice %arg13[%dma_start3A_541, %dma_start3A_542] : memref<10240x128xf32, #tpu.memory_space<vmem_shared>> -> memref<10240x128xf32, #tpu.memory_space<vmem_shared>>
      tpu.enqueue_indirect_dma source(%arg12 : memref<64x128xf32, #tpu.memory_space<vmem>>) target(%dma_start3A_543 : memref<10240x128xf32, #tpu.memory_space<vmem_shared>>) offsets(%dma_start3A_540 : memref<64xi32, #tpu.memory_space<vmem>>) semaphore(%arg21 : memref<!tpu.dma_semaphore, #tpu.memory_space<semaphore_mem>>) {add = true}
      %add3A_544 = arith.constant 4 : i32
      %add3A_545 = arith.addi %mul3A_479, %add3A_544 : i32
      %add3A_546 = arith.constant 0 : i32
      %add3A_547 = arith.addi %mul3A_479, %add3A_546 : i32
      %dma_wait3A_548 = arith.constant 0 : i32
      %dma_wait3A_549 = tpu.memref_slice %arg7[%add3A_547, %dma_wait3A_548] : memref<40x64xi32, #tpu.memory_space<vmem>> -> memref<1x64xi32, #tpu.memory_space<vmem>>
      %dma_wait3A_550 = tpu.memref_squeeze %dma_wait3A_549 : memref<1x64xi32, #tpu.memory_space<vmem>> -> memref<64xi32, #tpu.memory_space<vmem>>
      %dma_wait3A_551 = arith.constant 0 : i32
      %dma_wait3A_552 = arith.constant 0 : i32
      %dma_wait3A_553 = tpu.memref_slice %arg4[%dma_wait3A_551, %dma_wait3A_552] : memref<10000x128xf32, #tpu.memory_space<hbm>> -> memref<10000x128xf32, #tpu.memory_space<hbm>>
      tpu.wait_indirect_dma semaphore(%arg18 : memref<!tpu.dma_semaphore, #tpu.memory_space<semaphore_mem>>) src(%dma_wait3A_553 : memref<10000x128xf32, #tpu.memory_space<hbm>>) dst(%arg9 : memref<64x128xf32, #tpu.memory_space<vmem>>)
      %add3A_554 = arith.constant 0 : i32
      %add3A_555 = arith.addi %add3A_545, %add3A_554 : i32
      %dma_start3A_556 = arith.constant 0 : i32
      %dma_start3A_557 = tpu.memref_slice %arg7[%add3A_555, %dma_start3A_556] : memref<40x64xi32, #tpu.memory_space<vmem>> -> memref<1x64xi32, #tpu.memory_space<vmem>>
      %dma_start3A_558 = tpu.memref_squeeze %dma_start3A_557 : memref<1x64xi32, #tpu.memory_space<vmem>> -> memref<64xi32, #tpu.memory_space<vmem>>
      %dma_start3A_559 = arith.constant 0 : i32
      %dma_start3A_560 = arith.constant 0 : i32
      %dma_start3A_561 = tpu.memref_slice %arg4[%dma_start3A_559, %dma_start3A_560] : memref<10000x128xf32, #tpu.memory_space<hbm>> -> memref<10000x128xf32, #tpu.memory_space<hbm>>
      tpu.enqueue_indirect_dma source(%dma_start3A_561 : memref<10000x128xf32, #tpu.memory_space<hbm>>) target(%arg9 : memref<64x128xf32, #tpu.memory_space<vmem>>) offsets(%dma_start3A_558 : memref<64xi32, #tpu.memory_space<vmem>>) semaphore(%arg14 : memref<!tpu.dma_semaphore, #tpu.memory_space<semaphore_mem>>)
      %add3A_562 = arith.constant 1 : i32
      %add3A_563 = arith.addi %mul3A_479, %add3A_562 : i32
      %dma_wait3A_564 = arith.constant 0 : i32
      %dma_wait3A_565 = tpu.memref_slice %arg7[%add3A_563, %dma_wait3A_564] : memref<40x64xi32, #tpu.memory_space<vmem>> -> memref<1x64xi32, #tpu.memory_space<vmem>>
      %dma_wait3A_566 = tpu.memref_squeeze %dma_wait3A_565 : memref<1x64xi32, #tpu.memory_space<vmem>> -> memref<64xi32, #tpu.memory_space<vmem>>
      %dma_wait3A_567 = arith.constant 0 : i32
      %dma_wait3A_568 = arith.constant 0 : i32
      %dma_wait3A_569 = tpu.memref_slice %arg4[%dma_wait3A_567, %dma_wait3A_568] : memref<10000x128xf32, #tpu.memory_space<hbm>> -> memref<10000x128xf32, #tpu.memory_space<hbm>>
      tpu.wait_indirect_dma semaphore(%arg19 : memref<!tpu.dma_semaphore, #tpu.memory_space<semaphore_mem>>) src(%dma_wait3A_569 : memref<10000x128xf32, #tpu.memory_space<hbm>>) dst(%arg10 : memref<64x128xf32, #tpu.memory_space<vmem>>)
      %add3A_570 = arith.constant 1 : i32
      %add3A_571 = arith.addi %add3A_545, %add3A_570 : i32
      %dma_start3A_572 = arith.constant 0 : i32
      %dma_start3A_573 = tpu.memref_slice %arg7[%add3A_571, %dma_start3A_572] : memref<40x64xi32, #tpu.memory_space<vmem>> -> memref<1x64xi32, #tpu.memory_space<vmem>>
      %dma_start3A_574 = tpu.memref_squeeze %dma_start3A_573 : memref<1x64xi32, #tpu.memory_space<vmem>> -> memref<64xi32, #tpu.memory_space<vmem>>
      %dma_start3A_575 = arith.constant 0 : i32
      %dma_start3A_576 = arith.constant 0 : i32
      %dma_start3A_577 = tpu.memref_slice %arg4[%dma_start3A_575, %dma_start3A_576] : memref<10000x128xf32, #tpu.memory_space<hbm>> -> memref<10000x128xf32, #tpu.memory_space<hbm>>
      tpu.enqueue_indirect_dma source(%dma_start3A_577 : memref<10000x128xf32, #tpu.memory_space<hbm>>) target(%arg10 : memref<64x128xf32, #tpu.memory_space<vmem>>) offsets(%dma_start3A_574 : memref<64xi32, #tpu.memory_space<vmem>>) semaphore(%arg15 : memref<!tpu.dma_semaphore, #tpu.memory_space<semaphore_mem>>)
      %add3A_578 = arith.constant 2 : i32
      %add3A_579 = arith.addi %mul3A_479, %add3A_578 : i32
      %dma_wait3A_580 = arith.constant 0 : i32
      %dma_wait3A_581 = tpu.memref_slice %arg7[%add3A_579, %dma_wait3A_580] : memref<40x64xi32, #tpu.memory_space<vmem>> -> memref<1x64xi32, #tpu.memory_space<vmem>>
      %dma_wait3A_582 = tpu.memref_squeeze %dma_wait3A_581 : memref<1x64xi32, #tpu.memory_space<vmem>> -> memref<64xi32, #tpu.memory_space<vmem>>
      %dma_wait3A_583 = arith.constant 0 : i32
      %dma_wait3A_584 = arith.constant 0 : i32
      %dma_wait3A_585 = tpu.memref_slice %arg4[%dma_wait3A_583, %dma_wait3A_584] : memref<10000x128xf32, #tpu.memory_space<hbm>> -> memref<10000x128xf32, #tpu.memory_space<hbm>>
      tpu.wait_indirect_dma semaphore(%arg20 : memref<!tpu.dma_semaphore, #tpu.memory_space<semaphore_mem>>) src(%dma_wait3A_585 : memref<10000x128xf32, #tpu.memory_space<hbm>>) dst(%arg11 : memref<64x128xf32, #tpu.memory_space<vmem>>)
      %add3A_586 = arith.constant 2 : i32
      %add3A_587 = arith.addi %add3A_545, %add3A_586 : i32
      %dma_start3A_588 = arith.constant 0 : i32
      %dma_start3A_589 = tpu.memref_slice %arg7[%add3A_587, %dma_start3A_588] : memref<40x64xi32, #tpu.memory_space<vmem>> -> memref<1x64xi32, #tpu.memory_space<vmem>>
      %dma_start3A_590 = tpu.memref_squeeze %dma_start3A_589 : memref<1x64xi32, #tpu.memory_space<vmem>> -> memref<64xi32, #tpu.memory_space<vmem>>
      %dma_start3A_591 = arith.constant 0 : i32
      %dma_start3A_592 = arith.constant 0 : i32
      %dma_start3A_593 = tpu.memref_slice %arg4[%dma_start3A_591, %dma_start3A_592] : memref<10000x128xf32, #tpu.memory_space<hbm>> -> memref<10000x128xf32, #tpu.memory_space<hbm>>
      tpu.enqueue_indirect_dma source(%dma_start3A_593 : memref<10000x128xf32, #tpu.memory_space<hbm>>) target(%arg11 : memref<64x128xf32, #tpu.memory_space<vmem>>) offsets(%dma_start3A_590 : memref<64xi32, #tpu.memory_space<vmem>>) semaphore(%arg16 : memref<!tpu.dma_semaphore, #tpu.memory_space<semaphore_mem>>)
      %add3A_594 = arith.constant 3 : i32
      %add3A_595 = arith.addi %mul3A_479, %add3A_594 : i32
      %dma_wait3A_596 = arith.constant 0 : i32
      %dma_wait3A_597 = tpu.memref_slice %arg7[%add3A_595, %dma_wait3A_596] : memref<40x64xi32, #tpu.memory_space<vmem>> -> memref<1x64xi32, #tpu.memory_space<vmem>>
      %dma_wait3A_598 = tpu.memref_squeeze %dma_wait3A_597 : memref<1x64xi32, #tpu.memory_space<vmem>> -> memref<64xi32, #tpu.memory_space<vmem>>
      %dma_wait3A_599 = arith.constant 0 : i32
      %dma_wait3A_600 = arith.constant 0 : i32
      %dma_wait3A_601 = tpu.memref_slice %arg4[%dma_wait3A_599, %dma_wait3A_600] : memref<10000x128xf32, #tpu.memory_space<hbm>> -> memref<10000x128xf32, #tpu.memory_space<hbm>>
      tpu.wait_indirect_dma semaphore(%arg21 : memref<!tpu.dma_semaphore, #tpu.memory_space<semaphore_mem>>) src(%dma_wait3A_601 : memref<10000x128xf32, #tpu.memory_space<hbm>>) dst(%arg12 : memref<64x128xf32, #tpu.memory_space<vmem>>)
      %add3A_602 = arith.constant 3 : i32
      %add3A_603 = arith.addi %add3A_545, %add3A_602 : i32
      %dma_start3A_604 = arith.constant 0 : i32
      %dma_start3A_605 = tpu.memref_slice %arg7[%add3A_603, %dma_start3A_604] : memref<40x64xi32, #tpu.memory_space<vmem>> -> memref<1x64xi32, #tpu.memory_space<vmem>>
      %dma_start3A_606 = tpu.memref_squeeze %dma_start3A_605 : memref<1x64xi32, #tpu.memory_space<vmem>> -> memref<64xi32, #tpu.memory_space<vmem>>
      %dma_start3A_607 = arith.constant 0 : i32
      %dma_start3A_608 = arith.constant 0 : i32
      %dma_start3A_609 = tpu.memref_slice %arg4[%dma_start3A_607, %dma_start3A_608] : memref<10000x128xf32, #tpu.memory_space<hbm>> -> memref<10000x128xf32, #tpu.memory_space<hbm>>
      tpu.enqueue_indirect_dma source(%dma_start3A_609 : memref<10000x128xf32, #tpu.memory_space<hbm>>) target(%arg12 : memref<64x128xf32, #tpu.memory_space<vmem>>) offsets(%dma_start3A_606 : memref<64xi32, #tpu.memory_space<vmem>>) semaphore(%arg17 : memref<!tpu.dma_semaphore, #tpu.memory_space<semaphore_mem>>)
    }
    %scan3A_387 = arith.constant 9 : i32
    %dma_wait3A_388 = arith.constant 36 : i32
    %dma_wait3A_389 = arith.constant 0 : i32
    %dma_wait3A_390 = tpu.memref_slice %arg7[%dma_wait3A_388, %dma_wait3A_389] : memref<40x64xi32, #tpu.memory_space<vmem>> -> memref<1x64xi32, #tpu.memory_space<vmem>>
    %dma_wait3A_391 = tpu.memref_squeeze %dma_wait3A_390 : memref<1x64xi32, #tpu.memory_space<vmem>> -> memref<64xi32, #tpu.memory_space<vmem>>
    %dma_wait3A_392 = arith.constant 0 : i32
    %dma_wait3A_393 = arith.constant 0 : i32
    %dma_wait3A_394 = tpu.memref_slice %arg4[%dma_wait3A_392, %dma_wait3A_393] : memref<10000x128xf32, #tpu.memory_space<hbm>> -> memref<10000x128xf32, #tpu.memory_space<hbm>>
    tpu.wait_indirect_dma semaphore(%arg14 : memref<!tpu.dma_semaphore, #tpu.memory_space<semaphore_mem>>) src(%dma_wait3A_394 : memref<10000x128xf32, #tpu.memory_space<hbm>>) dst(%arg9 : memref<64x128xf32, #tpu.memory_space<vmem>>)
    %dma_start3A_395 = arith.constant 36 : i32
    %dma_start3A_396 = arith.constant 0 : i32
    %dma_start3A_397 = tpu.memref_slice %arg8[%dma_start3A_395, %dma_start3A_396] : memref<40x64xi32, #tpu.memory_space<vmem>> -> memref<1x64xi32, #tpu.memory_space<vmem>>
    %dma_start3A_398 = tpu.memref_squeeze %dma_start3A_397 : memref<1x64xi32, #tpu.memory_space<vmem>> -> memref<64xi32, #tpu.memory_space<vmem>>
    %dma_start3A_399 = arith.constant 0 : i32
    %dma_start3A_400 = arith.constant 0 : i32
    %dma_start3A_401 = tpu.memref_slice %arg13[%dma_start3A_399, %dma_start3A_400] : memref<10240x128xf32, #tpu.memory_space<vmem_shared>> -> memref<10240x128xf32, #tpu.memory_space<vmem_shared>>
    tpu.enqueue_indirect_dma source(%arg9 : memref<64x128xf32, #tpu.memory_space<vmem>>) target(%dma_start3A_401 : memref<10240x128xf32, #tpu.memory_space<vmem_shared>>) offsets(%dma_start3A_398 : memref<64xi32, #tpu.memory_space<vmem>>) semaphore(%arg18 : memref<!tpu.dma_semaphore, #tpu.memory_space<semaphore_mem>>) {add = true}
    %dma_wait3A_402 = arith.constant 37 : i32
    %dma_wait3A_403 = arith.constant 0 : i32
    %dma_wait3A_404 = tpu.memref_slice %arg7[%dma_wait3A_402, %dma_wait3A_403] : memref<40x64xi32, #tpu.memory_space<vmem>> -> memref<1x64xi32, #tpu.memory_space<vmem>>
    %dma_wait3A_405 = tpu.memref_squeeze %dma_wait3A_404 : memref<1x64xi32, #tpu.memory_space<vmem>> -> memref<64xi32, #tpu.memory_space<vmem>>
    %dma_wait3A_406 = arith.constant 0 : i32
    %dma_wait3A_407 = arith.constant 0 : i32
    %dma_wait3A_408 = tpu.memref_slice %arg4[%dma_wait3A_406, %dma_wait3A_407] : memref<10000x128xf32, #tpu.memory_space<hbm>> -> memref<10000x128xf32, #tpu.memory_space<hbm>>
    tpu.wait_indirect_dma semaphore(%arg15 : memref<!tpu.dma_semaphore, #tpu.memory_space<semaphore_mem>>) src(%dma_wait3A_408 : memref<10000x128xf32, #tpu.memory_space<hbm>>) dst(%arg10 : memref<64x128xf32, #tpu.memory_space<vmem>>)
    %dma_start3A_409 = arith.constant 37 : i32
    %dma_start3A_410 = arith.constant 0 : i32
    %dma_start3A_411 = tpu.memref_slice %arg8[%dma_start3A_409, %dma_start3A_410] : memref<40x64xi32, #tpu.memory_space<vmem>> -> memref<1x64xi32, #tpu.memory_space<vmem>>
    %dma_start3A_412 = tpu.memref_squeeze %dma_start3A_411 : memref<1x64xi32, #tpu.memory_space<vmem>> -> memref<64xi32, #tpu.memory_space<vmem>>
    %dma_start3A_413 = arith.constant 0 : i32
    %dma_start3A_414 = arith.constant 0 : i32
    %dma_start3A_415 = tpu.memref_slice %arg13[%dma_start3A_413, %dma_start3A_414] : memref<10240x128xf32, #tpu.memory_space<vmem_shared>> -> memref<10240x128xf32, #tpu.memory_space<vmem_shared>>
    tpu.enqueue_indirect_dma source(%arg10 : memref<64x128xf32, #tpu.memory_space<vmem>>) target(%dma_start3A_415 : memref<10240x128xf32, #tpu.memory_space<vmem_shared>>) offsets(%dma_start3A_412 : memref<64xi32, #tpu.memory_space<vmem>>) semaphore(%arg19 : memref<!tpu.dma_semaphore, #tpu.memory_space<semaphore_mem>>) {add = true}
    %dma_wait3A_416 = arith.constant 38 : i32
    %dma_wait3A_417 = arith.constant 0 : i32
    %dma_wait3A_418 = tpu.memref_slice %arg7[%dma_wait3A_416, %dma_wait3A_417] : memref<40x64xi32, #tpu.memory_space<vmem>> -> memref<1x64xi32, #tpu.memory_space<vmem>>
    %dma_wait3A_419 = tpu.memref_squeeze %dma_wait3A_418 : memref<1x64xi32, #tpu.memory_space<vmem>> -> memref<64xi32, #tpu.memory_space<vmem>>
    %dma_wait3A_420 = arith.constant 0 : i32
    %dma_wait3A_421 = arith.constant 0 : i32
    %dma_wait3A_422 = tpu.memref_slice %arg4[%dma_wait3A_420, %dma_wait3A_421] : memref<10000x128xf32, #tpu.memory_space<hbm>> -> memref<10000x128xf32, #tpu.memory_space<hbm>>
    tpu.wait_indirect_dma semaphore(%arg16 : memref<!tpu.dma_semaphore, #tpu.memory_space<semaphore_mem>>) src(%dma_wait3A_422 : memref<10000x128xf32, #tpu.memory_space<hbm>>) dst(%arg11 : memref<64x128xf32, #tpu.memory_space<vmem>>)
    %dma_start3A_423 = arith.constant 38 : i32
    %dma_start3A_424 = arith.constant 0 : i32
    %dma_start3A_425 = tpu.memref_slice %arg8[%dma_start3A_423, %dma_start3A_424] : memref<40x64xi32, #tpu.memory_space<vmem>> -> memref<1x64xi32, #tpu.memory_space<vmem>>
    %dma_start3A_426 = tpu.memref_squeeze %dma_start3A_425 : memref<1x64xi32, #tpu.memory_space<vmem>> -> memref<64xi32, #tpu.memory_space<vmem>>
    %dma_start3A_427 = arith.constant 0 : i32
    %dma_start3A_428 = arith.constant 0 : i32
    %dma_start3A_429 = tpu.memref_slice %arg13[%dma_start3A_427, %dma_start3A_428] : memref<10240x128xf32, #tpu.memory_space<vmem_shared>> -> memref<10240x128xf32, #tpu.memory_space<vmem_shared>>
    tpu.enqueue_indirect_dma source(%arg11 : memref<64x128xf32, #tpu.memory_space<vmem>>) target(%dma_start3A_429 : memref<10240x128xf32, #tpu.memory_space<vmem_shared>>) offsets(%dma_start3A_426 : memref<64xi32, #tpu.memory_space<vmem>>) semaphore(%arg20 : memref<!tpu.dma_semaphore, #tpu.memory_space<semaphore_mem>>) {add = true}
    %dma_wait3A_430 = arith.constant 39 : i32
    %dma_wait3A_431 = arith.constant 0 : i32
    %dma_wait3A_432 = tpu.memref_slice %arg7[%dma_wait3A_430, %dma_wait3A_431] : memref<40x64xi32, #tpu.memory_space<vmem>> -> memref<1x64xi32, #tpu.memory_space<vmem>>
    %dma_wait3A_433 = tpu.memref_squeeze %dma_wait3A_432 : memref<1x64xi32, #tpu.memory_space<vmem>> -> memref<64xi32, #tpu.memory_space<vmem>>
    %dma_wait3A_434 = arith.constant 0 : i32
    %dma_wait3A_435 = arith.constant 0 : i32
    %dma_wait3A_436 = tpu.memref_slice %arg4[%dma_wait3A_434, %dma_wait3A_435] : memref<10000x128xf32, #tpu.memory_space<hbm>> -> memref<10000x128xf32, #tpu.memory_space<hbm>>
    tpu.wait_indirect_dma semaphore(%arg17 : memref<!tpu.dma_semaphore, #tpu.memory_space<semaphore_mem>>) src(%dma_wait3A_436 : memref<10000x128xf32, #tpu.memory_space<hbm>>) dst(%arg12 : memref<64x128xf32, #tpu.memory_space<vmem>>)
    %dma_start3A_437 = arith.constant 39 : i32
    %dma_start3A_438 = arith.constant 0 : i32
    %dma_start3A_439 = tpu.memref_slice %arg8[%dma_start3A_437, %dma_start3A_438] : memref<40x64xi32, #tpu.memory_space<vmem>> -> memref<1x64xi32, #tpu.memory_space<vmem>>
    %dma_start3A_440 = tpu.memref_squeeze %dma_start3A_439 : memref<1x64xi32, #tpu.memory_space<vmem>> -> memref<64xi32, #tpu.memory_space<vmem>>
    %dma_start3A_441 = arith.constant 0 : i32
    %dma_start3A_442 = arith.constant 0 : i32
    %dma_start3A_443 = tpu.memref_slice %arg13[%dma_start3A_441, %dma_start3A_442] : memref<10240x128xf32, #tpu.memory_space<vmem_shared>> -> memref<10240x128xf32, #tpu.memory_space<vmem_shared>>
    tpu.enqueue_indirect_dma source(%arg12 : memref<64x128xf32, #tpu.memory_space<vmem>>) target(%dma_start3A_443 : memref<10240x128xf32, #tpu.memory_space<vmem_shared>>) offsets(%dma_start3A_440 : memref<64xi32, #tpu.memory_space<vmem>>) semaphore(%arg21 : memref<!tpu.dma_semaphore, #tpu.memory_space<semaphore_mem>>) {add = true}
    %dma_wait3A_444 = arith.constant 36 : i32
    %dma_wait3A_445 = arith.constant 0 : i32
    %dma_wait3A_446 = tpu.memref_slice %arg7[%dma_wait3A_444, %dma_wait3A_445] : memref<40x64xi32, #tpu.memory_space<vmem>> -> memref<1x64xi32, #tpu.memory_space<vmem>>
    %dma_wait3A_447 = tpu.memref_squeeze %dma_wait3A_446 : memref<1x64xi32, #tpu.memory_space<vmem>> -> memref<64xi32, #tpu.memory_space<vmem>>
    %dma_wait3A_448 = arith.constant 0 : i32
    %dma_wait3A_449 = arith.constant 0 : i32
    %dma_wait3A_450 = tpu.memref_slice %arg4[%dma_wait3A_448, %dma_wait3A_449] : memref<10000x128xf32, #tpu.memory_space<hbm>> -> memref<10000x128xf32, #tpu.memory_space<hbm>>
    tpu.wait_indirect_dma semaphore(%arg18 : memref<!tpu.dma_semaphore, #tpu.memory_space<semaphore_mem>>) src(%dma_wait3A_450 : memref<10000x128xf32, #tpu.memory_space<hbm>>) dst(%arg9 : memref<64x128xf32, #tpu.memory_space<vmem>>)
    %dma_wait3A_451 = arith.constant 37 : i32
    %dma_wait3A_452 = arith.constant 0 : i32
    %dma_wait3A_453 = tpu.memref_slice %arg7[%dma_wait3A_451, %dma_wait3A_452] : memref<40x64xi32, #tpu.memory_space<vmem>> -> memref<1x64xi32, #tpu.memory_space<vmem>>
    %dma_wait3A_454 = tpu.memref_squeeze %dma_wait3A_453 : memref<1x64xi32, #tpu.memory_space<vmem>> -> memref<64xi32, #tpu.memory_space<vmem>>
    %dma_wait3A_455 = arith.constant 0 : i32
    %dma_wait3A_456 = arith.constant 0 : i32
    %dma_wait3A_457 = tpu.memref_slice %arg4[%dma_wait3A_455, %dma_wait3A_456] : memref<10000x128xf32, #tpu.memory_space<hbm>> -> memref<10000x128xf32, #tpu.memory_space<hbm>>
    tpu.wait_indirect_dma semaphore(%arg19 : memref<!tpu.dma_semaphore, #tpu.memory_space<semaphore_mem>>) src(%dma_wait3A_457 : memref<10000x128xf32, #tpu.memory_space<hbm>>) dst(%arg10 : memref<64x128xf32, #tpu.memory_space<vmem>>)
    %dma_wait3A_458 = arith.constant 38 : i32
    %dma_wait3A_459 = arith.constant 0 : i32
    %dma_wait3A_460 = tpu.memref_slice %arg7[%dma_wait3A_458, %dma_wait3A_459] : memref<40x64xi32, #tpu.memory_space<vmem>> -> memref<1x64xi32, #tpu.memory_space<vmem>>
    %dma_wait3A_461 = tpu.memref_squeeze %dma_wait3A_460 : memref<1x64xi32, #tpu.memory_space<vmem>> -> memref<64xi32, #tpu.memory_space<vmem>>
    %dma_wait3A_462 = arith.constant 0 : i32
    %dma_wait3A_463 = arith.constant 0 : i32
    %dma_wait3A_464 = tpu.memref_slice %arg4[%dma_wait3A_462, %dma_wait3A_463] : memref<10000x128xf32, #tpu.memory_space<hbm>> -> memref<10000x128xf32, #tpu.memory_space<hbm>>
    tpu.wait_indirect_dma semaphore(%arg20 : memref<!tpu.dma_semaphore, #tpu.memory_space<semaphore_mem>>) src(%dma_wait3A_464 : memref<10000x128xf32, #tpu.memory_space<hbm>>) dst(%arg11 : memref<64x128xf32, #tpu.memory_space<vmem>>)
    %dma_wait3A_465 = arith.constant 39 : i32
    %dma_wait3A_466 = arith.constant 0 : i32
    %dma_wait3A_467 = tpu.memref_slice %arg7[%dma_wait3A_465, %dma_wait3A_466] : memref<40x64xi32, #tpu.memory_space<vmem>> -> memref<1x64xi32, #tpu.memory_space<vmem>>
    %dma_wait3A_468 = tpu.memref_squeeze %dma_wait3A_467 : memref<1x64xi32, #tpu.memory_space<vmem>> -> memref<64xi32, #tpu.memory_space<vmem>>
    %dma_wait3A_469 = arith.constant 0 : i32
    %dma_wait3A_470 = arith.constant 0 : i32
    %dma_wait3A_471 = tpu.memref_slice %arg4[%dma_wait3A_469, %dma_wait3A_470] : memref<10000x128xf32, #tpu.memory_space<hbm>> -> memref<10000x128xf32, #tpu.memory_space<hbm>>
    tpu.wait_indirect_dma semaphore(%arg21 : memref<!tpu.dma_semaphore, #tpu.memory_space<semaphore_mem>>) src(%dma_wait3A_471 : memref<10000x128xf32, #tpu.memory_space<hbm>>) dst(%arg12 : memref<64x128xf32, #tpu.memory_space<vmem>>)
    %barrier3A_472 = arith.constant 0 : index
    tpu.barrier barrier_id(%barrier3A_472)
    %mul3A_473 = arith.constant 640 : i32
    %mul3A_474 = arith.muli %arg1, %mul3A_473 : i32
    %mul3A_475 = arith.constant 640 : i32
    %mul3A_476 = arith.muli %arg1, %mul3A_475 : i32
    "tpu.region"() ({
      %run_scoped3A = tpu.sem_alloc : memref<!tpu.dma_semaphore, #tpu.memory_space<semaphore_mem>>
      %dma_start3A_477 = arith.constant 0 : i32
      %dma_start3A_478 = tpu.memref_slice %arg6[%arg0, %mul3A_476, %dma_start3A_477] : memref<2x10240x128xf32, #tpu.memory_space<hbm>> -> memref<1x640x128xf32, #tpu.memory_space<hbm>>
      %dma_start3A_479 = tpu.memref_squeeze %dma_start3A_478 : memref<1x640x128xf32, #tpu.memory_space<hbm>> -> memref<640x128xf32, #tpu.memory_space<hbm>>
      %dma_start3A_480 = arith.constant 0 : i32
      %dma_start3A_481 = tpu.memref_slice %arg13[%mul3A_474, %dma_start3A_480] : memref<10240x128xf32, #tpu.memory_space<vmem_shared>> -> memref<640x128xf32, #tpu.memory_space<vmem_shared>>
      tpu.enqueue_dma source(%dma_start3A_481 : memref<640x128xf32, #tpu.memory_space<vmem_shared>>) target(%dma_start3A_479 : memref<640x128xf32, #tpu.memory_space<hbm>>) target_semaphore(%run_scoped3A : memref<!tpu.dma_semaphore, #tpu.memory_space<semaphore_mem>>)
      %dma_wait3A_482 = arith.constant 0 : i32
      %dma_wait3A_483 = tpu.memref_slice %arg6[%arg0, %mul3A_476, %dma_wait3A_482] : memref<2x10240x128xf32, #tpu.memory_space<hbm>> -> memref<1x640x128xf32, #tpu.memory_space<hbm>>
      %dma_wait3A_484 = tpu.memref_squeeze %dma_wait3A_483 : memref<1x640x128xf32, #tpu.memory_space<hbm>> -> memref<640x128xf32, #tpu.memory_space<hbm>>
      %dma_wait3A_485 = arith.constant 0 : i32
      %dma_wait3A_486 = tpu.memref_slice %arg13[%mul3A_474, %dma_wait3A_485] : memref<10240x128xf32, #tpu.memory_space<vmem_shared>> -> memref<640x128xf32, #tpu.memory_space<vmem_shared>>
      tpu.wait_dma2 semaphore(%run_scoped3A : memref<!tpu.dma_semaphore, #tpu.memory_space<semaphore_mem>>) src(%dma_wait3A_486 : memref<640x128xf32, #tpu.memory_space<vmem_shared>>) dst(%dma_wait3A_484 : memref<640x128xf32, #tpu.memory_space<hbm>>)
      tpu.yield
    }) : () -> ()
    return
  }
}

module attributes {stable_mosaic.version = 14 : i64} {
  func.func @_tc_scale_body(%arg0: memref<10000x128xf32, #tpu.memory_space<vmem>>, %arg1: memref<128x128xf32, #tpu.memory_space<vmem>>, %arg2: memref<32x10240xf32, #tpu.memory_space<vmem>>, %arg3: memref<10000x128xf32, #tpu.memory_space<vmem>>, %arg4: memref<10000xf32, #tpu.memory_space<vmem>>) attributes {dimension_semantics = [], scalar_prefetch = 0 : i64, scratch_operands = 0 : i64, tpu.core_type = #tpu.core_type<tc>} {
    %get3A = arith.constant 0 : index
    %get3A_0 = arith.constant 0 : index
    %get3A_1 = vector.load %arg2[%get3A, %get3A_0] : memref<32x10240xf32, #tpu.memory_space<vmem>>, vector<32x10240xf32>
    %reduce_sum3A = arith.constant dense<0.000000e+00> : vector<10240xf32>
    %reduce_sum3A_2 = vector.multi_reduction <add>, %get3A_1, %reduce_sum3A [0] : vector<32x10240xf32> to vector<10240xf32>
    %slice3A = vector.extract_strided_slice %reduce_sum3A_2 {offsets = [0], sizes = [10000], strides = [1]} : vector<10240xf32> to vector<10000xf32>
    %add3A = arith.constant 1.000000e+00 : f32
    %add3A_3 = vector.broadcast %add3A : f32 to vector<10000xf32>
    %add3A_4 = arith.addf %slice3A, %add3A_3 : vector<10000xf32>
    %rsqrt3A = math.rsqrt %add3A_4 : vector<10000xf32>
    %get3A_5 = arith.constant 0 : index
    %get3A_6 = arith.constant 0 : index
    %get3A_7 = vector.load %arg0[%get3A_5, %get3A_6] : memref<10000x128xf32, #tpu.memory_space<vmem>>, vector<10000x128xf32>
    %get3A_8 = arith.constant 0 : index
    %get3A_9 = arith.constant 0 : index
    %get3A_10 = vector.load %arg1[%get3A_8, %get3A_9] : memref<128x128xf32, #tpu.memory_space<vmem>>, vector<128x128xf32>
    %dot_general3A = arith.constant dense<0.000000e+00> : vector<10000x128xf32>
    %dot_general3A_11 = tpu.matmul %get3A_7, %get3A_10, %dot_general3A {dimension_numbers = #tpu.dot_dimension_numbers<[1], [0], [0], [1], [0, 0, 1, 1], [], []>, transpose_lhs_hint = false} : vector<10000x128xf32>, vector<128x128xf32>, vector<10000x128xf32> -> vector<10000x128xf32>
    %broadcast_in_dim3A = vector.shape_cast %rsqrt3A : vector<10000xf32> to vector<10000x1xf32>
    %mul3A = vector.broadcast %broadcast_in_dim3A : vector<10000x1xf32> to vector<10000x128xf32>
    %mul3A_12 = arith.mulf %dot_general3A_11, %mul3A : vector<10000x128xf32>
    %swap3A = arith.constant 0 : index
    %swap3A_13 = arith.constant 0 : index
    %swap3A_14 = vector.load %arg3[%swap3A, %swap3A_13] : memref<10000x128xf32, #tpu.memory_space<vmem>>, vector<10000x128xf32>
    tpu.vector_store %arg3[%swap3A, %swap3A_13], %mul3A_12 {strides = array<i32>} : memref<10000x128xf32, #tpu.memory_space<vmem>>, vector<10000x128xf32>,
    %swap3A_15 = arith.constant 0 : index
    %swap3A_16 = vector.load %arg4[%swap3A_15] : memref<10000xf32, #tpu.memory_space<vmem>>, vector<10000xf32>
    tpu.vector_store %arg4[%swap3A_15], %rsqrt3A {strides = array<i32>} : memref<10000xf32, #tpu.memory_space<vmem>>, vector<10000xf32>,
    return
  }
}

module attributes {stable_mosaic.version = 14 : i64} {
  func.func @_tc_final_body(%arg0: memref<2x10240x128xf32, #tpu.memory_space<vmem>>, %arg1: memref<10000x128xf32, #tpu.memory_space<vmem>>, %arg2: memref<10000xf32, #tpu.memory_space<vmem>>, %arg3: memref<128xf32, #tpu.memory_space<vmem>>, %arg4: memref<10000xi32, #tpu.memory_space<vmem>>, %arg5: memref<128x10xf32, #tpu.memory_space<vmem>>, %arg6: memref<10xf32, #tpu.memory_space<vmem>>, %arg7: memref<10xf32, #tpu.memory_space<vmem>>, %arg8: memref<10xf32, #tpu.memory_space<vmem>>, %arg9: memref<10000x128xf32, #tpu.memory_space<vmem>>, %arg10: memref<64x10xf32, #tpu.memory_space<vmem>>) attributes {dimension_semantics = [], scalar_prefetch = 0 : i64, scratch_operands = 0 : i64, tpu.core_type = #tpu.core_type<tc>} {
    %get3A = arith.constant 0 : index
    %get3A_0 = arith.constant 0 : index
    %get3A_1 = arith.constant 0 : index
    %get3A_2 = vector.load %arg0[%get3A, %get3A_0, %get3A_1] : memref<2x10240x128xf32, #tpu.memory_space<vmem>>, vector<1x10000x128xf32>
    %get3A_3 = vector.shape_cast %get3A_2 : vector<1x10000x128xf32> to vector<10000x128xf32>
    %get3A_4 = arith.constant 1 : index
    %get3A_5 = arith.constant 0 : index
    %get3A_6 = arith.constant 0 : index
    %get3A_7 = vector.load %arg0[%get3A_4, %get3A_5, %get3A_6] : memref<2x10240x128xf32, #tpu.memory_space<vmem>>, vector<1x10000x128xf32>
    %get3A_8 = vector.shape_cast %get3A_7 : vector<1x10000x128xf32> to vector<10000x128xf32>
    %add3A = arith.addf %get3A_3, %get3A_8 : vector<10000x128xf32>
    %get3A_9 = arith.constant 0 : index
    %get3A_10 = arith.constant 0 : index
    %get3A_11 = vector.load %arg1[%get3A_9, %get3A_10] : memref<10000x128xf32, #tpu.memory_space<vmem>>, vector<10000x128xf32>
    %add3A_12 = arith.addf %add3A, %get3A_11 : vector<10000x128xf32>
    %get3A_13 = arith.constant 0 : index
    %get3A_14 = vector.load %arg2[%get3A_13] : memref<10000xf32, #tpu.memory_space<vmem>>, vector<10000xf32>
    %broadcast_in_dim3A = vector.shape_cast %get3A_14 : vector<10000xf32> to vector<10000x1xf32>
    %mul3A = vector.broadcast %broadcast_in_dim3A : vector<10000x1xf32> to vector<10000x128xf32>
    %mul3A_15 = arith.mulf %add3A_12, %mul3A : vector<10000x128xf32>
    %get3A_16 = arith.constant 0 : index
    %get3A_17 = vector.load %arg3[%get3A_16] : memref<128xf32, #tpu.memory_space<vmem>>, vector<128xf32>
    %broadcast_in_dim3A_18 = vector.shape_cast %get3A_17 : vector<128xf32> to vector<1x128xf32>
    %add3A_19 = vector.broadcast %broadcast_in_dim3A_18 : vector<1x128xf32> to vector<10000x128xf32>
    %add3A_20 = arith.addf %mul3A_15, %add3A_19 : vector<10000x128xf32>
    %swap3A = arith.constant 0 : index
    %swap3A_21 = arith.constant 0 : index
    %swap3A_22 = vector.load %arg9[%swap3A, %swap3A_21] : memref<10000x128xf32, #tpu.memory_space<vmem>>, vector<10000x128xf32>
    tpu.vector_store %arg9[%swap3A, %swap3A_21], %add3A_20 {strides = array<i32>} : memref<10000x128xf32, #tpu.memory_space<vmem>>, vector<10000x128xf32>,
    %iota3A = tpu.iota {dimensions = array<i32: 0>} : vector<64x10000xi32>
    %get3A_23 = arith.constant 0 : index
    %get3A_24 = vector.load %arg4[%get3A_23] : memref<10000xi32, #tpu.memory_space<vmem>>, vector<10000xi32>
    %broadcast_in_dim3A_25 = vector.shape_cast %get3A_24 : vector<10000xi32> to vector<1x10000xi32>
    %eq3A = vector.broadcast %broadcast_in_dim3A_25 : vector<1x10000xi32> to vector<64x10000xi32>
    %eq3A_26 = arith.cmpi eq, %iota3A, %eq3A : vector<64x10000xi32>
    %convert_element_type3A = arith.extui %eq3A_26 : vector<64x10000xi1> to vector<64x10000xi32>
    %convert_element_type3A_27 = arith.sitofp %convert_element_type3A : vector<64x10000xi32> to vector<64x10000xf32>
    %dot_general3A = arith.constant dense<0.000000e+00> : vector<64x128xf32>
    %dot_general3A_28 = tpu.matmul %convert_element_type3A_27, %add3A_20, %dot_general3A {dimension_numbers = #tpu.dot_dimension_numbers<[1], [0], [0], [1], [0, 0, 1, 1], [], []>, transpose_lhs_hint = false} : vector<64x10000xf32>, vector<10000x128xf32>, vector<64x128xf32> -> vector<64x128xf32>
    %reduce_sum3A = arith.constant dense<0.000000e+00> : vector<64xf32>
    %reduce_sum3A_29 = vector.multi_reduction <add>, %convert_element_type3A_27, %reduce_sum3A [1] : vector<64x10000xf32> to vector<64xf32>
    %max3A = arith.constant 1.000000e+00 : f32
    %max3A_30 = vector.broadcast %max3A : f32 to vector<64xf32>
    %max3A_31 = arith.maximumf %reduce_sum3A_29, %max3A_30 : vector<64xf32>
    %broadcast_in_dim3A_32 = vector.shape_cast %max3A_31 : vector<64xf32> to vector<64x1xf32>
    %div3A = vector.broadcast %broadcast_in_dim3A_32 : vector<64x1xf32> to vector<64x128xf32>
    %div3A_33 = arith.divf %dot_general3A_28, %div3A : vector<64x128xf32>
    %get3A_34 = arith.constant 0 : index
    %get3A_35 = arith.constant 0 : index
    %get3A_36 = vector.load %arg5[%get3A_34, %get3A_35] : memref<128x10xf32, #tpu.memory_space<vmem>>, vector<128x10xf32>
    %dot_general3A_37 = arith.constant dense<0.000000e+00> : vector<64x10xf32>
    %dot_general3A_38 = tpu.matmul %div3A_33, %get3A_36, %dot_general3A_37 {dimension_numbers = #tpu.dot_dimension_numbers<[1], [0], [0], [1], [0, 0, 1, 1], [], []>, transpose_lhs_hint = false} : vector<64x128xf32>, vector<128x10xf32>, vector<64x10xf32> -> vector<64x10xf32>
    %get3A_39 = arith.constant 0 : index
    %get3A_40 = vector.load %arg6[%get3A_39] : memref<10xf32, #tpu.memory_space<vmem>>, vector<10xf32>
    %broadcast_in_dim3A_41 = vector.shape_cast %get3A_40 : vector<10xf32> to vector<1x10xf32>
    %add3A_42 = vector.broadcast %broadcast_in_dim3A_41 : vector<1x10xf32> to vector<64x10xf32>
    %add3A_43 = arith.addf %dot_general3A_38, %add3A_42 : vector<64x10xf32>
    %mul3A_44 = arith.constant 0.999994993 : f32
    %mul3A_45 = vector.broadcast %mul3A_44 : f32 to vector<64x10xf32>
    %mul3A_46 = arith.mulf %add3A_43, %mul3A_45 : vector<64x10xf32>
    %get3A_47 = arith.constant 0 : index
    %get3A_48 = vector.load %arg7[%get3A_47] : memref<10xf32, #tpu.memory_space<vmem>>, vector<10xf32>
    %broadcast_in_dim3A_49 = vector.shape_cast %get3A_48 : vector<10xf32> to vector<1x10xf32>
    %mul3A_50 = vector.broadcast %broadcast_in_dim3A_49 : vector<1x10xf32> to vector<64x10xf32>
    %mul3A_51 = arith.mulf %mul3A_46, %mul3A_50 : vector<64x10xf32>
    %get3A_52 = arith.constant 0 : index
    %get3A_53 = vector.load %arg8[%get3A_52] : memref<10xf32, #tpu.memory_space<vmem>>, vector<10xf32>
    %broadcast_in_dim3A_54 = vector.shape_cast %get3A_53 : vector<10xf32> to vector<1x10xf32>
    %add3A_55 = vector.broadcast %broadcast_in_dim3A_54 : vector<1x10xf32> to vector<64x10xf32>
    %add3A_56 = arith.addf %mul3A_51, %add3A_55 : vector<64x10xf32>
    %swap3A_57 = arith.constant 0 : index
    %swap3A_58 = arith.constant 0 : index
    %swap3A_59 = vector.load %arg10[%swap3A_57, %swap3A_58] : memref<64x10xf32, #tpu.memory_space<vmem>>, vector<64x10xf32>
    tpu.vector_store %arg10[%swap3A_57, %swap3A_58], %add3A_56 {strides = array<i32>} : memref<64x10xf32, #tpu.memory_space<vmem>>, vector<64x10xf32>,
    return
  }
}

</mosaic_0001>

<sc_bundles>
// kernel: kernel.6.cloned.1.call-start
scs
__scs_entry_jumppad:
0x0: {  	(pc) =	sbr.rel $0x88, $3  }
0x1: {  	(tag) =	ssettag $0x0;
	lr =	simm.s32 $0x1  }
0x2: {  	[smem:$0x3F98] =	sst lr;
	_ =	strace $0xD0000000  }
0x3: {  	_ = 	snop  }
0x4: {  	_ = 	snop  }
0x5: {  	_ = 	snop  }
0x6: {  	_ = 	snop  }
0x7: {  	_ = 	snop  }
__scs_overlays_trampoline_lowered:
0x8: {  	[smem:$0x3FA7] =	sst s0  }
0x9: {  	[smem:$0x3FA8] =	sst s1  }
0xa: {  	[smem:$0x3FA9] =	sst s2  }
0xb: {  	[smem:$0x3FAA] =	sst s3  }
0xc: {  	[smem:$0x3FAB] =	sst s4  }
0xd: {  	[smem:$0x3FAC] =	sst s5  }
0xe: {  	[smem:$0x3FAD] =	sst s6  }
0xf: {  	[smem:$0x3FAE] =	sst s7  }
0x10: {  	[smem:$0x3FAF] =	sst s8  }
0x11: {  	[smem:$0x3FB0] =	sst s9;
	s0 =	simm.s32 @!p0 $0x0  }
0x12: {  	s1 =	sld [smem:$0x3F96];
	s0 =	simm.s32 @p0 $0x1  }
0x13: {  	[smem:$0x3FB1] =	sst s0;
	s0 =	simm.s32 @!p1 $0x0  }
0x14: {  	s2 =	sld [smem:$0x3F95];
	s0 =	simm.s32 @p1 $0x1  }
0x15: {  	[smem:$0x3FB2] =	sst s0;
	s0 =	simm.s32 @!p2 $0x0  }
0x16: {  	s3 =	sld [smem:$0x3FDB];
	s0 =	simm.s32 @p2 $0x1  }
0x17: {  	s4 =	simm.s32 $0x1BF5;
	[smem:$0x3FB4] =	sst s0  }
0x18: {  	s0 =	sld [smem:$0x3F97];
	_ =	swait.ge [sflag:s4], $0x0  }
0x19: {  	s7 =	sld [smem:$0x3F98]  }
0x1a: {  	s8 =	sadd.s32 $0xFFFFE003, lr  }
0x1b: {  	s9 =	sadd.s32 $0xFFFFFEF7, lr;
	s5 =	simm.s32 $0xFFFFFFFF;
	p2 =	slt.u32 s8, $0xFFFFF086  }
0x1c: {  	p1 =	slt.u32 s9, $0xF7A;
	s5 =	simm.s32 @!p2 $0x0  }
0x1d: {  	s5 =	simm.s32 @p1 $0x1;
	p0 =	seq.s32 s7, s2  }
0x1e: {  	s7 =	smul.u32 @!p0 $0xF7A, s2;
	p2 =	seq.s32 @!p0 s5, $0x0  }
0x1f: {  	s9 =	smul.u32 $0xF7A, s1;
	s8 =	simm.s32 @!p0 $0x1BF5;
	p2 =	por !p2, p0  }
0x20: {  	[sflag:s8] =	ssyncset.s32 @!p0 $0xFFFFF086;
	s6 =	sadd.s32 @!p0 s3, s7;
	s7 =	simm.s32 @!p0 $0x108  }
0x21: {  	s3 =	sadd.s32 s3, s9;
	s6 =	sadd.s32 @!p0 $0x88, s6;
	s7 =	simm.s32 @p2 $0x1082  }
0x22: {  	[simem:s7], [sflag:s8] =	dma.local @!p0 [hbm:s6], $0xF7A  }
0x23: {  	s9 =	sor.u32 $0xD0000000, s2;
	s6 =	simm.s32 $0x108;
	_ =	swait.ge @!p0 [sflag:s8], $0x0  }
0x24: {  	s3 =	sadd.s32 $0x88, s3;
	s6 =	simm.s32 @!p1 $0x1082;
	[sflag:s4] =	ssyncset.s32 $0xFFFFF086  }
0x25: {  	[simem:s6], [sflag:s4] =	dma.local [hbm:s3], $0xF7A  }
0x26: {  	[smem:$0x3F98] =	sst s1;
	(tag) =	ssettag s2;
	_ =	strace s9  }
0x27: {  	s1 =	sld [smem:$0x3FA8]  }
0x28: {  	s2 =	sld [smem:$0x3FA9]  }
0x29: {  	s4 =	sld [smem:$0x3FAB]  }
0x2a: {  	p0 =	seq.s32 s5, $0x0;
	s5 =	sld [smem:$0x3FAC]  }
0x2b: {  	s6 =	sld [smem:$0x3FAD]  }
0x2c: {  	s7 =	sld [smem:$0x3FAE]  }
0x2d: {  	s3 =	simm.s32 $0x108;
	s8 =	sld [smem:$0x3FAF]  }
0x2e: {  	s3 =	simm.s32 @!p0 $0x1082;
	s9 =	sld [smem:$0x3FB0]  }
0x2f: {  	lr =	sadd.s32 s0, s3;
	s0 =	sld [smem:$0x3FA7]  }
0x30: {  	s3 =	sld [smem:$0x3FAA]  }
0x31: {  	[smem:$0x3FB3] =	sst s10  }
0x32: {  	s10 =	sld [smem:$0x3FB1];
	_ =	sdelay $0x3  }
0x33: {  	p0 =	seq.s32 s10, $0x1;
	s10 =	sld [smem:$0x3FB3];
	_ =	sdelay $0x3  }
0x34: {  	[smem:$0x3FB3] =	sst s10  }
0x35: {  	s10 =	sld [smem:$0x3FB2];
	_ =	sdelay $0x3  }
0x36: {  	p1 =	seq.s32 s10, $0x1;
	s10 =	sld [smem:$0x3FB3];
	_ =	sdelay $0x3  }
0x37: {  	[smem:$0x3FB3] =	sst s10  }
0x38: {  	s10 =	sld [smem:$0x3FB4]  }
0x39: {  	_ = 	snop;
	(pc) =	sbr.ind lr, $3  }
0x3a: {  	_ = 	snop  }
0x3b: {  	_ = 	snop  }
0x3c: {  	p2 =	seq.s32 s10, $0x1;
	s10 =	sld [smem:$0x3FB3]  }
0x3d: {  	_ =	shalt  }
0x3e: {  	_ =	shalt  }
0x3f: {  	_ =	shalt  }
0x40: {  	_ =	shalt  }
0x41: {  	_ =	shalt  }
0x42: {  	_ =	shalt  }
0x43: {  	_ =	shalt  }
0x44: {  	_ =	shalt  }
0x45: {  	_ =	shalt  }
0x46: {  	_ =	shalt  }
0x47: {  	_ =	shalt  }
0x48: {  	_ =	shalt  }
0x49: {  	_ =	shalt  }
0x4a: {  	_ =	shalt  }
0x4b: {  	_ =	shalt  }
0x4c: {  	_ =	shalt  }
0x4d: {  	_ =	shalt  }
0x4e: {  	_ =	shalt  }
0x4f: {  	_ =	shalt  }
0x50: {  	_ =	shalt  }
0x51: {  	_ =	shalt  }
0x52: {  	_ =	shalt  }
0x53: {  	_ =	shalt  }
0x54: {  	_ =	shalt  }
0x55: {  	_ =	shalt  }
0x56: {  	_ =	shalt  }
0x57: {  	_ =	shalt  }
0x58: {  	_ =	shalt  }
0x59: {  	_ =	shalt  }
0x5a: {  	_ =	shalt  }
0x5b: {  	_ =	shalt  }
0x5c: {  	_ =	shalt  }
0x5d: {  	_ =	shalt  }
0x5e: {  	_ =	shalt  }
0x5f: {  	_ =	shalt  }
0x60: {  	_ =	shalt  }
0x61: {  	_ =	shalt  }
0x62: {  	_ =	shalt  }
0x63: {  	_ =	shalt  }
0x64: {  	_ =	shalt  }
0x65: {  	_ =	shalt  }
0x66: {  	_ =	shalt  }
0x67: {  	_ =	shalt  }
0x68: {  	_ =	shalt  }
0x69: {  	_ =	shalt  }
0x6a: {  	_ =	shalt  }
0x6b: {  	_ =	shalt  }
0x6c: {  	_ =	shalt  }
0x6d: {  	_ =	shalt  }
0x6e: {  	_ =	shalt  }
0x6f: {  	_ =	shalt  }
0x70: {  	_ =	shalt  }
0x71: {  	_ =	shalt  }
0x72: {  	_ =	shalt  }
0x73: {  	_ =	shalt  }
0x74: {  	_ =	shalt  }
0x75: {  	_ =	shalt  }
0x76: {  	_ =	shalt  }
0x77: {  	_ =	shalt  }
0x78: {  	_ =	shalt  }
0x79: {  	_ =	shalt  }
0x7a: {  	_ =	shalt  }
0x7b: {  	_ =	shalt  }
0x7c: {  	_ =	shalt  }
0x7d: {  	_ =	shalt  }
0x7e: {  	_ =	shalt  }
0x7f: {  	_ =	shalt  }
0x80: {  	_ =	shalt  }
0x81: {  	_ =	shalt  }
0x82: {  	_ =	shalt  }
0x83: {  	_ =	shalt  }
0x84: {  	_ =	shalt  }
0x85: {  	_ =	shalt  }
0x86: {  	_ =	shalt  }
0x87: {  	_ =	shalt  }
.Lfunc_end0:
.L_simem_size_0:
called_computation_lowered:
.L_overlay_start_0:
0x88: {  	s2 =	sld [smem:$0x3FD9]  }
0x89: {  	s3 =	sld [smem:$0x3FFE];
	_ =	sdelay $0x1  }
0x8a: {  	s1 =	srdreg.scid  }
0x8b: {  	s0 =	sand.u32 $0x1, s1  }
0x8c: {  	s14 =	sshll.u32 s0, $0xA;
	s2 =	sadd.s32 s3, s2  }
0x8d: {  	s2 =	sadd.s32 s2, s14  }
0x8e: {  	[smem:$0x3FBF] =	sst s2  }
0x8f: {  	_ = 	snop  }
0x90: {  	s2 =	sld [smem:$0x3FD0];
	_ =	sdelay $0x2  }
0x91: {  	s15 =	simm.s32 $0xA;
	s4 =	simm.s32 $0x10  }
0x92: {  	[smem:s4], [sflag:s15] =	dma.local [hbm:s2], $0x1  }
0x93: {  	_ =	swait.eq [sflag:s15], $0x1  }
0x94: {  	[sflag:s15] =	ssyncset.done $0x0  }
0x95: {  	[sflag:s15] =	ssyncadd.s32 $0xFFFFFFFF  }
0x96: {  	s16 =	sld [smem:$0x10];
	(tm) =	ssettm $0x1  }
0x97: {  	s17 =	sld [smem:$0x3FFB];
	_ =	sdelay $0x3  }
0x98: {  	_ =	strace s17  }
0x99: {  	s3 =	sld [smem:$0x3FFC];
	_ =	sdelay $0x3  }
0x9a: {  	_ =	strace s3  }
0x9b: {  	s3 =	sld [smem:$0x3FFD];
	_ =	sdelay $0x3  }
0x9c: {  	_ =	strace s3  }
0x9d: {  	_ =	strace $0x8FFFFFFF  }
0x9e: {  	s18 =	sld [smem:$0x3FDB];
	_ =	sdelay $0x1  }
0x9f: {  	s19 =	simm.s32 $_scs_section_size  }
0xa0: {  	s5 =	simm.s32 $_size__tile_overlayer_lowered;
	s6 =	simm.s32 $_tile_overlayer_lowered  }
0xa1: {  	s22 =	simm.s32 $0x1BFF;
	s21 =	sshll.u32 s6, $0x1;
	s3 =	sadd.s32 s19, s18  }
0xa2: {  	s7 =	simm.s32 $0x0;
	s20 =	sshll.u32 s5, $0x1;
	s5 =	sadd.s32 s21, s3  }
0xa3: {  	[timem:s7], [sflag:s22] =	dma.local [hbm:s5], s20  }
0xa4: {  	_ =	swait.ge [sflag:s22], s20  }
0xa5: {  	s4 =	ssub.s32 $0x0, s20;
	[sflag:s22] =	ssyncset.done $0x0  }
0xa6: {  	[sflag:s22] =	ssyncadd.s32 s4;
	_ =	sdelay $0x1  }
0xa7: {  	s23 =	simm.s32 $0x1B8B  }
0xa8: {  	_ =	swait.ge [sflag:s23], $0x1  }
0xa9: {  	[sflag:s23] =	ssyncset.done $0x0  }
0xaa: {  	s25 =	simm.s32 $0x1B8E;
	s24 =	sld [smem:$0x3FFE];
	[sflag:s23] =	ssyncadd.s32 $0xFFFFFFFF  }
0xab: {  	s26 =	simm.s32 $execute0_lowered;
	[smem:$0x3FD2] =	sst s25  }
0xac: {  	s5 =	sshll.u32 s26, $0x1;
	_ =	strace $0x80000046;
	[dreg:$0x1] =	wrdreg $0xFFFFFFFF  }
0xad: {  	s28 =	simm.s32 $_size_execute0_lowered;
	s3 =	sadd.s32 s3, s5;
	[dreg:$0x0] =	wrdreg $0x0  }
0xae: {  	s5 =	sshll.u32 s28, $0x1;
	[dreg:$0x2] =	wrdreg s3  }
0xaf: {  	[dreg:$0x3] =	wrdreg s5  }
0xb0: {  	[dreg:$0x4] =	wrdreg $0xC0  }
0xb1: {  	_ =	task [dreg:s7], $0x5FFFF  }
0xb2: {  	[dreg:$0x1] =	wrdreg $0xFFFFFFFF  }
0xb3: {  	[dreg:$0x0] =	wrdreg $0x60  }
0xb4: {  	[dreg:$0x2] =	wrdreg s16  }
0xb5: {  	[dreg:$0x3] =	wrdreg s24  }
0xb6: {  	[dreg:$0x4] =	wrdreg $0x9  }
0xb7: {  	_ =	task.clear_ibuf [dreg:s7], $0x5FFFF;
	_ =	strace $0x90000046  }
0xb8: {  	s29 =	simm.s32 $0x9;
	_ =	strace $0x80000048  }
0xb9: {  	_ =	swait.ge [sflag:s29], $0x1  }
0xba: {  	[sflag:s29] =	ssyncadd.s32 $0xFFFFFFFF  }
0xbb: {  	_ =	strace $0x90000048  }
0xbc: {  	_ =	sfence  }
0xbd: {  	s30 =	sld [smem:$0x0];
	_ =	sdelay $0x2  }
0xbe: {  	s31 =	sshll.u32 s1, $0xD;
	s1 =	sshrl.u32 s1, $0x2  }
0xbf: {  	s3 =	sand.u32 $0x4000, s31;
	s1 =	sadd.s32 s1, s30  }
0xc0: {  	s0 =	sor.u32 s3, s0;
	s1 =	sshll.u32 s1, $0x11  }
0xc1: {  	s0 =	sor.u32 s1, s0  }
0xc2: {  	s0 =	sadd.s32 $0x8F2B, s0  }
0xc3: {  	[sflag:s0] =	ssyncadd.remote.s32 $0x1  }
0xc4: {  	_ =	sfence.sel $0xFFFF  }
0xc5: {  	[dreg:$0x0] =	wrdreg $0xFFFFFFFF;
	(pc) =	sbr.abs _section_cstart, $3  }
0xc6: {  	[dreg:$0x1] =	wrdreg $0xFFFFFFFF  }
0xc7: {  	_ =	task.clear_ibuf [dreg:s7], $0x2FFFF;
	_ =	strace $0x9FFFFFFF  }
0xc8: {  	(tm) =	ssettm $0x7FFFFFFF  }
0xc9: {  	_ =	shalt  }
tec
execute0_lowered:
.L_overlay_start_1:
0x0: {  	(tag) =	ssettag $0x1  }
0x1: {  	s1 =	srdreg.scid  }
0x2: {  	s0 =	stileid.u32;
	s4 =	rddreg [dreg:$0x0]  }
0x3: {  	s6 =	rddreg [dreg:$0x1];
	s3 =	sand.u32 $0x1, s1;
	s29 =	sshll.u32 s0, $0x1  }
0x4: {  	s2 =	simm.s32 $0x0;
	s30 =	sshrl.u32 s0, $0x2;
	s5 =	sor.u32 s3, s29  }
0x5: {  	s9 =	simm.s32 $0x400;
	s7 =	smul.u32 $0x14000, s30;
	s8 =	sshll.u32 s5, $0x7  }
0x6: {  	s10 =	simm.s32 $0x0;
	s1 =	rddreg [dreg:$0x2];
	s8 =	sand.u32 $0x380, s8  }
0x7: {  	[smem:$0x7FF] =	sst s2;
	s3 =	ssub.s32 $0x2, s3;
	s7 =	sor.u32 s7, s8  }
0x8: {  	_ =	strace $0x80000047;
	s5 =	smul.u32 $0x500, s5;
	s7 =	sshrl.u32 s7, $0x3  }
0x9: {  	s31 =	sshrl.u32 s3, $0x1;
	s8 =	simm.s32 $0x80;
	s6 =	sadd.s32 s7, s6  }
0xa: {  	s7 =	ssub.s32 s3, s31;
	s3 =	sadd.s32 s4, s5;
	s4 =	sadd.s32 $0x2C00, s6  }
0xb: {  	v0 =	vimm.f32 $0.0e+00;
	v1 =	vimm.f32 $1.000000000e+00;
	s5 =	smax.u32 s7, $0x1;
	s6 =	simm.s32 $0x1;
	s7 =	simm.s32 $0x2800  }
.LBB2_1:
0xc: {  	[tilespmem:s2], [sflag:$0x1] =	stream.linear.gather [hbm4b:s3+s2], $0x2800, $0x38;
	[tilespmem:$0x5000] =	vst v63  }
0xd: {  	_ =	swait.ge [sflag:s6], $0x2800  }
0xe: {  	[sflag:s6] =	ssyncset.done $0x0  }
0xf: {  	s11 =	simm.s32 $0x0;
	[sflag:s6] =	ssyncadd.s32 $0xFFFFD800  }
.LBB2_2:
0x10: {  	p0 =	sne.s32 s11, $0x9FC0  }
.Ltmp0:
0x11: {  	_ = 	snop;
	(pc) =	sbr.rel @p0 .LBB2_2-.Ltmp0, $3  }
0x12: {  	_ =	sdelay $0x1  }
0x13: {  	s12 =	sshra.s32 s11, $0x2  }
0x14: {  	s11 =	sadd.s32 $0x40, s11;
	[tilespmem:s12+$0x2800] =	vst v0  }
0x15: {  	s12 =	simm.s32 $0x0;
	s11 =	simm.s32 $0x40  }
.LBB2_4:
0x16: {  	p0 =	sne.s32 s11, $0x9FC0;
	v2 =	vld [tilespmem:s12+$0x0];
	_ =	sdelay $0x3  }
.Ltmp1:
0x17: {  	(pc) =	sbr.rel @p0 .LBB2_4-.Ltmp1, $2  }
0x18: {  	_ =	sdelay $0x2  }
0x19: {  	s12 =	sshra.s32 s11, $0x2;
	s11 =	sadd.s32 $0x40, s11;
	[tilespmem:v2+s7+$0x0] =	vst.idx.add.f32.msk $0xffff, v1  }
0x1a: {  	v2 =	vld [tilespmem:s12+$0x0];
	_ =	sdelay $0x5  }
0x1b: {  	s10 =	sadd.s32 $0x1, s10  }
0x1c: {  	p0 =	sne.s32 s10, s5  }
.Ltmp2:
0x1d: {  	[tilespmem:v2+s7+$0x0] =	vst.idx.add.f32.msk $0xffff, v1;
	(pc) =	sbr.rel @p0 .LBB2_1-.Ltmp2, $4  }
0x1e: {  	[hbm4b:s4+s8] =	stream.strided.scatter [tilespmem:s7], [sflag:$0x1], $0x2800, s9, s8, $0x38;
	[tilespmem:$0x5000] =	vst v63  }
0x1f: {  	_ =	swait.ge [sflag:s6], $0x2800  }
0x20: {  	[sflag:s6] =	ssyncset.done $0x0  }
0x21: {  	[sflag:s6] =	ssyncadd.s32 $0xFFFFD800  }
0x22: {  	_ =	sfence.sel $0x180000  }
0x23: {  	[bflag:$0x0] =	sbarrier.arrive $0xFFFF  }
0x24: {  	p0 =	sne.s32 s0, $0x0;
	_ =	strace $0x90000047  }
0x25: {  	s0 =	sadd.s32 @!p0 $0x100000, s1;
	[bflag:$0x2] =	sbarrier.arrive $0xFFFF  }
0x26: {  	[sflag:s0] =	ssyncadd.tile.s32 @!p0 $0x1;
	_ =	shalt  }
.Lfunc_end2:
_tile_overlayer_lowered:
.L_overlay_start_2:
0x27: {  	(tag) =	ssettag $0x2  }
0x28: {  	s0 =	rddreg [dreg:$0x0];
	s2 =	stileid.u32  }
0x29: {  	s1 =	rddreg [dreg:$0x1];
	p0 =	sne.s32 s2, $0x0  }
0x2a: {  	s3 =	rddreg [dreg:$0x2];
	[bflag:$0x3] =	sbarrier.arrive $0xFFFF;
	s2 =	simm.s32 @!p0 $0x1C01  }
0x2b: {  	[timem:s3], [sflag:s2] =	dma.local @!p0 [hbm:s0], s1  }
0x2c: {  	s0 =	simm.s32 @!p0 $0x1  }
0x2d: {  	_ =	swait.ge @!p0 [sflag:s0], s1  }
0x2e: {  	s1 =	ssub.s32 @!p0 $0x0, s1;
	[sflag:s0] =	ssyncset.done @!p0 $0x0  }
0x2f: {  	[sflag:s0] =	ssyncadd.s32 @!p0 s1  }
0x30: {  	[bflag:$0x3] =	sbarrier.arrive $0xFFFF  }
0x31: {  	_ =	shalt  }

// kernel: kernel.9.cloned.1.call-start
scs
__scs_entry_jumppad:
0x0: {  	(pc) =	sbr.rel $0x88, $3  }
0x1: {  	(tag) =	ssettag $0x0;
	lr =	simm.s32 $0x1  }
0x2: {  	[smem:$0x3F98] =	sst lr;
	_ =	strace $0xD0000000  }
0x3: {  	_ = 	snop  }
0x4: {  	_ = 	snop  }
0x5: {  	_ = 	snop  }
0x6: {  	_ = 	snop  }
0x7: {  	_ = 	snop  }
__scs_overlays_trampoline_lowered:
0x8: {  	[smem:$0x3FA7] =	sst s0  }
0x9: {  	[smem:$0x3FA8] =	sst s1  }
0xa: {  	[smem:$0x3FA9] =	sst s2  }
0xb: {  	[smem:$0x3FAA] =	sst s3  }
0xc: {  	[smem:$0x3FAB] =	sst s4  }
0xd: {  	[smem:$0x3FAC] =	sst s5  }
0xe: {  	[smem:$0x3FAD] =	sst s6  }
0xf: {  	[smem:$0x3FAE] =	sst s7  }
0x10: {  	[smem:$0x3FAF] =	sst s8  }
0x11: {  	[smem:$0x3FB0] =	sst s9;
	s0 =	simm.s32 @!p0 $0x0  }
0x12: {  	s1 =	sld [smem:$0x3F96];
	s0 =	simm.s32 @p0 $0x1  }
0x13: {  	[smem:$0x3FB1] =	sst s0;
	s0 =	simm.s32 @!p1 $0x0  }
0x14: {  	s2 =	sld [smem:$0x3F95];
	s0 =	simm.s32 @p1 $0x1  }
0x15: {  	[smem:$0x3FB2] =	sst s0;
	s0 =	simm.s32 @!p2 $0x0  }
0x16: {  	s3 =	sld [smem:$0x3FDB];
	s0 =	simm.s32 @p2 $0x1  }
0x17: {  	s4 =	simm.s32 $0x1BF5;
	[smem:$0x3FB4] =	sst s0  }
0x18: {  	s0 =	sld [smem:$0x3F97];
	_ =	swait.ge [sflag:s4], $0x0  }
0x19: {  	s7 =	sld [smem:$0x3F98]  }
0x1a: {  	s8 =	sadd.s32 $0xFFFFE003, lr  }
0x1b: {  	s9 =	sadd.s32 $0xFFFFFEF7, lr;
	s5 =	simm.s32 $0xFFFFFFFF;
	p2 =	slt.u32 s8, $0xFFFFF086  }
0x1c: {  	p1 =	slt.u32 s9, $0xF7A;
	s5 =	simm.s32 @!p2 $0x0  }
0x1d: {  	s5 =	simm.s32 @p1 $0x1;
	p0 =	seq.s32 s7, s2  }
0x1e: {  	s7 =	smul.u32 @!p0 $0xF7A, s2;
	p2 =	seq.s32 @!p0 s5, $0x0  }
0x1f: {  	s9 =	smul.u32 $0xF7A, s1;
	s8 =	simm.s32 @!p0 $0x1BF5;
	p2 =	por !p2, p0  }
0x20: {  	[sflag:s8] =	ssyncset.s32 @!p0 $0xFFFFF086;
	s6 =	sadd.s32 @!p0 s3, s7;
	s7 =	simm.s32 @!p0 $0x108  }
0x21: {  	s3 =	sadd.s32 s3, s9;
	s6 =	sadd.s32 @!p0 $0x88, s6;
	s7 =	simm.s32 @p2 $0x1082  }
0x22: {  	[simem:s7], [sflag:s8] =	dma.local @!p0 [hbm:s6], $0xF7A  }
0x23: {  	s9 =	sor.u32 $0xD0000000, s2;
	s6 =	simm.s32 $0x108;
	_ =	swait.ge @!p0 [sflag:s8], $0x0  }
0x24: {  	s3 =	sadd.s32 $0x88, s3;
	s6 =	simm.s32 @!p1 $0x1082;
	[sflag:s4] =	ssyncset.s32 $0xFFFFF086  }
0x25: {  	[simem:s6], [sflag:s4] =	dma.local [hbm:s3], $0xF7A  }
0x26: {  	[smem:$0x3F98] =	sst s1;
	(tag) =	ssettag s2;
	_ =	strace s9  }
0x27: {  	s1 =	sld [smem:$0x3FA8]  }
0x28: {  	s2 =	sld [smem:$0x3FA9]  }
0x29: {  	s4 =	sld [smem:$0x3FAB]  }
0x2a: {  	p0 =	seq.s32 s5, $0x0;
	s5 =	sld [smem:$0x3FAC]  }
0x2b: {  	s6 =	sld [smem:$0x3FAD]  }
0x2c: {  	s7 =	sld [smem:$0x3FAE]  }
0x2d: {  	s3 =	simm.s32 $0x108;
	s8 =	sld [smem:$0x3FAF]  }
0x2e: {  	s3 =	simm.s32 @!p0 $0x1082;
	s9 =	sld [smem:$0x3FB0]  }
0x2f: {  	lr =	sadd.s32 s0, s3;
	s0 =	sld [smem:$0x3FA7]  }
0x30: {  	s3 =	sld [smem:$0x3FAA]  }
0x31: {  	[smem:$0x3FB3] =	sst s10  }
0x32: {  	s10 =	sld [smem:$0x3FB1];
	_ =	sdelay $0x3  }
0x33: {  	p0 =	seq.s32 s10, $0x1;
	s10 =	sld [smem:$0x3FB3];
	_ =	sdelay $0x3  }
0x34: {  	[smem:$0x3FB3] =	sst s10  }
0x35: {  	s10 =	sld [smem:$0x3FB2];
	_ =	sdelay $0x3  }
0x36: {  	p1 =	seq.s32 s10, $0x1;
	s10 =	sld [smem:$0x3FB3];
	_ =	sdelay $0x3  }
0x37: {  	[smem:$0x3FB3] =	sst s10  }
0x38: {  	s10 =	sld [smem:$0x3FB4]  }
0x39: {  	_ = 	snop;
	(pc) =	sbr.ind lr, $3  }
0x3a: {  	_ = 	snop  }
0x3b: {  	_ = 	snop  }
0x3c: {  	p2 =	seq.s32 s10, $0x1;
	s10 =	sld [smem:$0x3FB3]  }
0x3d: {  	_ =	shalt  }
0x3e: {  	_ =	shalt  }
0x3f: {  	_ =	shalt  }
0x40: {  	_ =	shalt  }
0x41: {  	_ =	shalt  }
0x42: {  	_ =	shalt  }
0x43: {  	_ =	shalt  }
0x44: {  	_ =	shalt  }
0x45: {  	_ =	shalt  }
0x46: {  	_ =	shalt  }
0x47: {  	_ =	shalt  }
0x48: {  	_ =	shalt  }
0x49: {  	_ =	shalt  }
0x4a: {  	_ =	shalt  }
0x4b: {  	_ =	shalt  }
0x4c: {  	_ =	shalt  }
0x4d: {  	_ =	shalt  }
0x4e: {  	_ =	shalt  }
0x4f: {  	_ =	shalt  }
0x50: {  	_ =	shalt  }
0x51: {  	_ =	shalt  }
0x52: {  	_ =	shalt  }
0x53: {  	_ =	shalt  }
0x54: {  	_ =	shalt  }
0x55: {  	_ =	shalt  }
0x56: {  	_ =	shalt  }
0x57: {  	_ =	shalt  }
0x58: {  	_ =	shalt  }
0x59: {  	_ =	shalt  }
0x5a: {  	_ =	shalt  }
0x5b: {  	_ =	shalt  }
0x5c: {  	_ =	shalt  }
0x5d: {  	_ =	shalt  }
0x5e: {  	_ =	shalt  }
0x5f: {  	_ =	shalt  }
0x60: {  	_ =	shalt  }
0x61: {  	_ =	shalt  }
0x62: {  	_ =	shalt  }
0x63: {  	_ =	shalt  }
0x64: {  	_ =	shalt  }
0x65: {  	_ =	shalt  }
0x66: {  	_ =	shalt  }
0x67: {  	_ =	shalt  }
0x68: {  	_ =	shalt  }
0x69: {  	_ =	shalt  }
0x6a: {  	_ =	shalt  }
0x6b: {  	_ =	shalt  }
0x6c: {  	_ =	shalt  }
0x6d: {  	_ =	shalt  }
0x6e: {  	_ =	shalt  }
0x6f: {  	_ =	shalt  }
0x70: {  	_ =	shalt  }
0x71: {  	_ =	shalt  }
0x72: {  	_ =	shalt  }
0x73: {  	_ =	shalt  }
0x74: {  	_ =	shalt  }
0x75: {  	_ =	shalt  }
0x76: {  	_ =	shalt  }
0x77: {  	_ =	shalt  }
0x78: {  	_ =	shalt  }
0x79: {  	_ =	shalt  }
0x7a: {  	_ =	shalt  }
0x7b: {  	_ =	shalt  }
0x7c: {  	_ =	shalt  }
0x7d: {  	_ =	shalt  }
0x7e: {  	_ =	shalt  }
0x7f: {  	_ =	shalt  }
0x80: {  	_ =	shalt  }
0x81: {  	_ =	shalt  }
0x82: {  	_ =	shalt  }
0x83: {  	_ =	shalt  }
0x84: {  	_ =	shalt  }
0x85: {  	_ =	shalt  }
0x86: {  	_ =	shalt  }
0x87: {  	_ =	shalt  }
.Lfunc_end0:
.L_simem_size_0:
called_computation.1_lowered:
.L_overlay_start_0:
0x88: {  	s2 =	sld [smem:$0x3FD9]  }
0x89: {  	s3 =	sld [smem:$0x3FFE];
	_ =	sdelay $0x1  }
0x8a: {  	s1 =	srdreg.scid  }
0x8b: {  	s0 =	sand.u32 $0x1, s1  }
0x8c: {  	s14 =	sshll.u32 s0, $0xA;
	s2 =	sadd.s32 s3, s2  }
0x8d: {  	s2 =	sadd.s32 s2, s14  }
0x8e: {  	[smem:$0x3FBF] =	sst s2  }
0x8f: {  	_ = 	snop  }
0x90: {  	s2 =	sld [smem:$0x3FD0];
	_ =	sdelay $0x2  }
0x91: {  	s15 =	simm.s32 $0xA;
	s4 =	simm.s32 $0x10  }
0x92: {  	[smem:s4], [sflag:s15] =	dma.local [hbm:s2], $0x1  }
0x93: {  	_ =	swait.eq [sflag:s15], $0x1  }
0x94: {  	[sflag:s15] =	ssyncset.done $0x0  }
0x95: {  	[sflag:s15] =	ssyncadd.s32 $0xFFFFFFFF  }
0x96: {  	s16 =	sld [smem:$0x10];
	(tm) =	ssettm $0x1  }
0x97: {  	s17 =	sld [smem:$0x3FFB];
	_ =	sdelay $0x3  }
0x98: {  	_ =	strace s17  }
0x99: {  	s3 =	sld [smem:$0x3FFC];
	_ =	sdelay $0x3  }
0x9a: {  	_ =	strace s3  }
0x9b: {  	s3 =	sld [smem:$0x3FFD];
	_ =	sdelay $0x3  }
0x9c: {  	_ =	strace s3  }
0x9d: {  	_ =	strace $0x8FFFFFFF  }
0x9e: {  	s18 =	sld [smem:$0x3FDB];
	_ =	sdelay $0x1  }
0x9f: {  	s19 =	simm.s32 $_scs_section_size  }
0xa0: {  	s5 =	simm.s32 $_size__tile_overlayer_lowered;
	s6 =	simm.s32 $_tile_overlayer_lowered  }
0xa1: {  	s22 =	simm.s32 $0x1BFF;
	s21 =	sshll.u32 s6, $0x1;
	s3 =	sadd.s32 s19, s18  }
0xa2: {  	s7 =	simm.s32 $0x0;
	s20 =	sshll.u32 s5, $0x1;
	s5 =	sadd.s32 s21, s3  }
0xa3: {  	[timem:s7], [sflag:s22] =	dma.local [hbm:s5], s20  }
0xa4: {  	_ =	swait.ge [sflag:s22], s20  }
0xa5: {  	s4 =	ssub.s32 $0x0, s20;
	[sflag:s22] =	ssyncset.done $0x0  }
0xa6: {  	[sflag:s22] =	ssyncadd.s32 s4;
	_ =	sdelay $0x1  }
0xa7: {  	s23 =	simm.s32 $0x1B8B  }
0xa8: {  	_ =	swait.ge [sflag:s23], $0x1  }
0xa9: {  	[sflag:s23] =	ssyncset.done $0x0  }
0xaa: {  	s25 =	simm.s32 $0x1B8E;
	s24 =	sld [smem:$0x3FFE];
	[sflag:s23] =	ssyncadd.s32 $0xFFFFFFFF  }
0xab: {  	s26 =	simm.s32 $execute0_lowered;
	[smem:$0x3FD2] =	sst s25  }
0xac: {  	s5 =	sshll.u32 s26, $0x1;
	_ =	strace $0x80000049;
	[dreg:$0x1] =	wrdreg $0xFFFFFFFF  }
0xad: {  	s28 =	simm.s32 $_size_execute0_lowered;
	s3 =	sadd.s32 s3, s5;
	[dreg:$0x0] =	wrdreg $0x0  }
0xae: {  	s5 =	sshll.u32 s28, $0x1;
	[dreg:$0x2] =	wrdreg s3  }
0xaf: {  	[dreg:$0x3] =	wrdreg s5  }
0xb0: {  	[dreg:$0x4] =	wrdreg $0xC0  }
0xb1: {  	_ =	task [dreg:s7], $0x5FFFF  }
0xb2: {  	[dreg:$0x1] =	wrdreg $0xFFFFFFFF  }
0xb3: {  	[dreg:$0x0] =	wrdreg $0x60  }
0xb4: {  	[dreg:$0x2] =	wrdreg s24  }
0xb5: {  	[dreg:$0x3] =	wrdreg s16  }
0xb6: {  	[dreg:$0x4] =	wrdreg $0xA8000  }
0xb7: {  	[dreg:$0x5] =	wrdreg $0x9  }
0xb8: {  	_ =	task.clear_ibuf [dreg:s7], $0x6FFFF;
	_ =	strace $0x90000049  }
0xb9: {  	s29 =	simm.s32 $0x9;
	_ =	strace $0x8000004B  }
0xba: {  	_ =	swait.ge [sflag:s29], $0x1  }
0xbb: {  	[sflag:s29] =	ssyncadd.s32 $0xFFFFFFFF  }
0xbc: {  	_ =	strace $0x9000004B  }
0xbd: {  	_ =	sfence  }
0xbe: {  	s30 =	sld [smem:$0x0];
	_ =	sdelay $0x2  }
0xbf: {  	s31 =	sshll.u32 s1, $0xD;
	s1 =	sshrl.u32 s1, $0x2  }
0xc0: {  	s3 =	sand.u32 $0x4000, s31;
	s1 =	sadd.s32 s1, s30  }
0xc1: {  	s0 =	sor.u32 s3, s0;
	s1 =	sshll.u32 s1, $0x11  }
0xc2: {  	s0 =	sor.u32 s1, s0  }
0xc3: {  	s0 =	sadd.s32 $0x8F2B, s0  }
0xc4: {  	[sflag:s0] =	ssyncadd.remote.s32 $0x1  }
0xc5: {  	_ =	sfence.sel $0xFFFF  }
0xc6: {  	[dreg:$0x0] =	wrdreg $0xFFFFFFFF;
	(pc) =	sbr.abs _section_cstart, $3  }
0xc7: {  	[dreg:$0x1] =	wrdreg $0xFFFFFFFF  }
0xc8: {  	_ =	task.clear_ibuf [dreg:s7], $0x2FFFF;
	_ =	strace $0x9FFFFFFF  }
0xc9: {  	(tm) =	ssettm $0x7FFFFFFF  }
tec
execute0_lowered:
.L_overlay_start_1:
0x0: {  	(tag) =	ssettag $0x1  }
0x1: {  	s0 =	rddreg [dreg:$0x0]  }
0x2: {  	s1 =	rddreg [dreg:$0x1]  }
0x3: {  	s2 =	rddreg [dreg:$0x2];
	s3 =	srdreg.scid;
	s4 =	simm.s32 $0x0  }
0x4: {  	s11 =	stileid.u32;
	s28 =	simm.s32 $0x8800;
	s29 =	simm.s32 $0x1  }
0x5: {  	s30 =	simm.s32 $0x2;
	s31 =	simm.s32 $0x3;
	s13 =	simm.s32 $0x0  }
0x6: {  	s3 =	sand.u32 $0x1, s3;
	[smem:$0x7FF] =	sst s4;
	s6 =	smul.u32 $0x14000, s11  }
0x7: {  	s7 =	sadd.s32 $0x20C00, s0;
	s8 =	sadd.s32 $0xCC00, s0;
	s15 =	sshll.u32 s11, $0x1  }
0x8: {  	s16 =	smul.u32 $0x50000, s11;
	s12 =	sadd.s32 $0x2C00, s0;
	s18 =	sshll.u32 s11, $0x6  }
0x9: {  	s11 =	simm.s32 $0x2700;
	s5 =	smul.u32 $0x140000, s3;
	_ =	strace $0x8000004A  }
0xa: {  	s9 =	ssub.s32 $0x2, s3;
	s3 =	sor.u32 s3, s15;
	[dreg:$0x4] =	wrdreg s12  }
0xb: {  	s12 =	simm.s32 $0x2780;
	s10 =	sshrl.u32 s9, $0x1;
	s3 =	smul.u32 $0x5000, s3  }
0xc: {  	s5 =	sadd.s32 s6, s5;
	s17 =	ssub.s32 s9, s10;
	s6 =	sshrl.u32 s16, $0x2  }
0xd: {  	s10 =	simm.s32 $0x2680;
	s5 =	sshrl.u32 s5, $0x3;
	s3 =	sshrl.u32 s3, $0x3  }
0xe: {  	s19 =	sadd.s32 s6, s2;
	s6 =	sor.u32 $0x1C09, s18;
	s26 =	smax.u32 s17, $0x1  }
0xf: {  	s18 =	simm.s32 $0x9;
	s0 =	sadd.s32 s5, s0;
	s20 =	sadd.s32 $0x280, s3  }
0x10: {  	s21 =	sadd.s32 s7, s3;
	s22 =	sadd.s32 s8, s3;
	[dreg:$0xe] =	wrdreg s26  }
0x11: {  	s24 =	sadd.s32 $0x500, s3;
	s3 =	sadd.s32 $0x780, s3;
	[dreg:$0x5] =	wrdreg s21  }
0x12: {  	s17 =	sshrl.u32 s19, $0x3;
	[dreg:$0x6] =	wrdreg s22;
	s23 =	sadd.s32 s7, s20  }
0x13: {  	s19 =	simm.s32 $0x1400;
	s9 =	sadd.s32 s8, s20;
	[dreg:$0x7] =	wrdreg s23  }
0x14: {  	s26 =	simm.s32 $0x180;
	s25 =	sadd.s32 s7, s24;
	[dreg:$0x8] =	wrdreg s9  }
0x15: {  	s5 =	simm.s32 $0x6;
	s7 =	sadd.s32 s7, s3;
	[dreg:$0x9] =	wrdreg s25  }
0x16: {  	s3 =	sadd.s32 s8, s3;
	s0 =	sadd.s32 $0x34C00, s0;
	[dreg:$0xb] =	wrdreg s7  }
0x17: {  	s20 =	simm.s32 $0x40;
	s21 =	simm.s32 $0x2800;
	[dreg:$0xc] =	wrdreg s3  }
0x18: {  	s22 =	simm.s32 $0x80;
	s9 =	sadd.s32 s8, s24;
	[dreg:$0xd] =	wrdreg s0  }
0x19: {  	s23 =	simm.s32 $0x4800;
	s24 =	simm.s32 $0x100;
	s25 =	simm.s32 $0x6800  }
0x1a: {  	s0 =	simm.s32 $0x4;
	s3 =	simm.s32 $0x5;
	s7 =	simm.s32 $0x7  }
0x1b: {  	s8 =	simm.s32 $0x8;
	[dreg:$0xa] =	wrdreg s9;
	s9 =	simm.s32 $0x2600  }
.LBB2_1:
0x1c: {  	s14 =	rddreg [dreg:$0x4]  }
0x1d: {  	[spmem:s17], [sflag:s6] =	dma.local [hbm:s14], $0x2800  }
0x1e: {  	_ =	swait.ge [sflag:s18], $0x2800  }
0x1f: {  	[sflag:s18] =	ssyncset.done $0x0  }
0x20: {  	[sflag:s18] =	ssyncadd.s32 $0xFFFFD800  }
0x21: {  	[bflag:$0x0] =	sbarrier.arrive $0xFFFF  }
0x22: {  	s16 =	rddreg [dreg:$0x5]  }
0x23: {  	[tilespmem:s4], [sflag:$0x9] =	stream.linear.gather [hbm4b:s16+s4], $0x1400, $0x38;
	[tilespmem:$0x1E800] =	vst v63  }
0x24: {  	_ =	swait.ge [sflag:s18], $0x1400  }
0x25: {  	[sflag:s18] =	ssyncset.done $0x0  }
0x26: {  	s15 =	rddreg [dreg:$0x6];
	[sflag:s18] =	ssyncadd.s32 $0xFFFFEC00  }
0x27: {  	[tilespmem:s19], [sflag:$0x9] =	stream.linear.gather [hbm4b:s15+s4], $0x1400, $0x38;
	[tilespmem:$0x1E800] =	vst v63  }
0x28: {  	_ =	swait.ge [sflag:s18], $0x1400  }
0x29: {  	[sflag:s18] =	ssyncset.done $0x0  }
0x2a: {  	[sflag:s18] =	ssyncadd.s32 $0xFFFFEC00  }
0x2b: {  	[tilespmem:s21], [sflag:$0x1] =	stream.indirect.gather [hbm4b:s1+s20], $0x80, s4, s20, $0xb8;
	[tilespmem:$0x1E800] =	vst v63  }
0x2c: {  	_ = 	snop  }
0x2d: {  	[tilespmem:s23], [sflag:$0x2] =	stream.indirect.gather [hbm4b:s1+s20], $0x80, s22, s20, $0xb8;
	[tilespmem:$0x1E800] =	vst v63  }
0x2e: {  	_ = 	snop  }
0x2f: {  	[tilespmem:s25], [sflag:$0x3] =	stream.indirect.gather [hbm4b:s1+s20], $0x80, s24, s20, $0xb8;
	[tilespmem:$0x1E800] =	vst v63  }
0x30: {  	_ = 	snop  }
0x31: {  	[tilespmem:s28], [sflag:$0x4] =	stream.indirect.gather [hbm4b:s1+s20], $0x80, s26, s20, $0xb8;
	[tilespmem:$0x1E800] =	vst v63  }
0x32: {  	_ =	swait.ge [sflag:s29], $0x2000  }
0x33: {  	[sflag:s29] =	ssyncset.done $0x0  }
0x34: {  	s16 =	simm.s32 $0x1400;
	[sflag:s29] =	ssyncadd.s32 $0xFFFFE000  }
0x35: {  	[spmem:s2] =	stream.indirect.scatter.add.f32 [tilespmem:s21], [sflag:$0x5], $0x80, s16, s20, $0xb8;
	[tilespmem:$0x1E800] =	vst v63  }
0x36: {  	_ =	swait.ge [sflag:s30], $0x2000  }
0x37: {  	[sflag:s30] =	ssyncset.done $0x0  }
0x38: {  	s15 =	simm.s32 $0x1480;
	[sflag:s30] =	ssyncadd.s32 $0xFFFFE000  }
0x39: {  	[spmem:s2] =	stream.indirect.scatter.add.f32 [tilespmem:s23], [sflag:$0x6], $0x80, s15, s20, $0xb8;
	[tilespmem:$0x1E800] =	vst v63  }
0x3a: {  	_ =	swait.ge [sflag:s31], $0x2000  }
0x3b: {  	[sflag:s31] =	ssyncset.done $0x0  }
0x3c: {  	s16 =	simm.s32 $0x1500;
	[sflag:s31] =	ssyncadd.s32 $0xFFFFE000  }
0x3d: {  	[spmem:s2] =	stream.indirect.scatter.add.f32 [tilespmem:s25], [sflag:$0x7], $0x80, s16, s20, $0xb8;
	[tilespmem:$0x1E800] =	vst v63  }
0x3e: {  	_ =	swait.ge [sflag:s0], $0x2000  }
0x3f: {  	[sflag:s0] =	ssyncset.done $0x0  }
0x40: {  	s15 =	simm.s32 $0x1580;
	[sflag:s0] =	ssyncadd.s32 $0xFFFFE000  }
0x41: {  	[spmem:s2] =	stream.indirect.scatter.add.f32 [tilespmem:s28], [sflag:$0x8], $0x80, s15, s20, $0xb8;
	[tilespmem:$0x1E800] =	vst v63  }
0x42: {  	_ =	swait.ge [sflag:s3], $0x2000  }
0x43: {  	[sflag:s3] =	ssyncset.done $0x0  }
0x44: {  	s16 =	simm.s32 $0x200;
	[sflag:s3] =	ssyncadd.s32 $0xFFFFE000  }
0x45: {  	[tilespmem:s21], [sflag:$0x1] =	stream.indirect.gather [hbm4b:s1+s20], $0x80, s16, s20, $0xb8;
	[tilespmem:$0x1E800] =	vst v63  }
0x46: {  	_ =	swait.ge [sflag:s5], $0x2000  }
0x47: {  	[sflag:s5] =	ssyncset.done $0x0  }
0x48: {  	s15 =	simm.s32 $0x280;
	[sflag:s5] =	ssyncadd.s32 $0xFFFFE000  }
0x49: {  	[tilespmem:s23], [sflag:$0x2] =	stream.indirect.gather [hbm4b:s1+s20], $0x80, s15, s20, $0xb8;
	[tilespmem:$0x1E800] =	vst v63  }
0x4a: {  	_ =	swait.ge [sflag:s7], $0x2000  }
0x4b: {  	[sflag:s7] =	ssyncset.done $0x0  }
0x4c: {  	s16 =	simm.s32 $0x300;
	[sflag:s7] =	ssyncadd.s32 $0xFFFFE000  }
0x4d: {  	[tilespmem:s25], [sflag:$0x3] =	stream.indirect.gather [hbm4b:s1+s20], $0x80, s16, s20, $0xb8;
	[tilespmem:$0x1E800] =	vst v63  }
0x4e: {  	_ =	swait.ge [sflag:s8], $0x2000  }
0x4f: {  	[sflag:s8] =	ssyncset.done $0x0  }
0x50: {  	s14 =	simm.s32 $0x800;
	s15 =	simm.s32 $0x380;
	[sflag:s8] =	ssyncadd.s32 $0xFFFFE000  }
.LBB2_2:
0x51: {  	[tilespmem:s28], [sflag:$0x4] =	stream.indirect.gather [hbm4b:s1+s20], $0x80, s15, s20, $0xb8;
	[tilespmem:$0x1E800] =	vst v63  }
0x52: {  	s15 =	smov.u32 s14  }
0x53: {  	p0 =	sne.s32 s14, $0x4000;
	s14 =	sadd.s32 $0x800, s14;
	_ =	swait.ge [sflag:s29], $0x2000  }
0x54: {  	s15 =	sshra.s32 s15, $0x2;
	[sflag:s29] =	ssyncset.done $0x0  }
0x55: {  	s16 =	sadd.s32 $0x1400, s15;
	[sflag:s29] =	ssyncadd.s32 $0xFFFFE000  }
0x56: {  	[spmem:s2] =	stream.indirect.scatter.add.f32 [tilespmem:s21], [sflag:$0x5], $0x80, s16, s20, $0xb8;
	[tilespmem:$0x1E800] =	vst v63  }
0x57: {  	_ =	swait.ge [sflag:s30], $0x2000  }
0x58: {  	[sflag:s30] =	ssyncset.done $0x0  }
0x59: {  	s16 =	sadd.s32 $0x1480, s15;
	[sflag:s30] =	ssyncadd.s32 $0xFFFFE000  }
0x5a: {  	[spmem:s2] =	stream.indirect.scatter.add.f32 [tilespmem:s23], [sflag:$0x6], $0x80, s16, s20, $0xb8;
	[tilespmem:$0x1E800] =	vst v63  }
0x5b: {  	_ =	swait.ge [sflag:s31], $0x2000  }
0x5c: {  	[sflag:s31] =	ssyncset.done $0x0  }
0x5d: {  	s16 =	sadd.s32 $0x1500, s15;
	[sflag:s31] =	ssyncadd.s32 $0xFFFFE000  }
0x5e: {  	[spmem:s2] =	stream.indirect.scatter.add.f32 [tilespmem:s25], [sflag:$0x7], $0x80, s16, s20, $0xb8;
	[tilespmem:$0x1E800] =	vst v63  }
0x5f: {  	_ =	swait.ge [sflag:s0], $0x2000  }
0x60: {  	[sflag:s0] =	ssyncset.done $0x0  }
0x61: {  	s16 =	sadd.s32 $0x1580, s15;
	[sflag:s0] =	ssyncadd.s32 $0xFFFFE000  }
0x62: {  	[spmem:s2] =	stream.indirect.scatter.add.f32 [tilespmem:s28], [sflag:$0x8], $0x80, s16, s20, $0xb8;
	[tilespmem:$0x1E800] =	vst v63  }
0x63: {  	_ =	swait.ge [sflag:s3], $0x2000  }
0x64: {  	[sflag:s3] =	ssyncset.done $0x0  }
0x65: {  	s16 =	sadd.s32 $0x200, s15;
	[sflag:s3] =	ssyncadd.s32 $0xFFFFE000  }
0x66: {  	[tilespmem:s21], [sflag:$0x1] =	stream.indirect.gather [hbm4b:s1+s20], $0x80, s16, s20, $0xb8;
	[tilespmem:$0x1E800] =	vst v63  }
0x67: {  	_ =	swait.ge [sflag:s5], $0x2000  }
0x68: {  	[sflag:s5] =	ssyncset.done $0x0  }
0x69: {  	s16 =	sadd.s32 $0x280, s15;
	[sflag:s5] =	ssyncadd.s32 $0xFFFFE000  }
0x6a: {  	[tilespmem:s23], [sflag:$0x2] =	stream.indirect.gather [hbm4b:s1+s20], $0x80, s16, s20, $0xb8;
	[tilespmem:$0x1E800] =	vst v63  }
0x6b: {  	_ =	swait.ge [sflag:s7], $0x2000  }
0x6c: {  	[sflag:s7] =	ssyncset.done $0x0  }
.Ltmp0:
0x6d: {  	s16 =	sadd.s32 $0x300, s15;
	[sflag:s7] =	ssyncadd.s32 $0xFFFFE000;
	(pc) =	sbr.rel @p0 .LBB2_2-.Ltmp0, $4  }
0x6e: {  	[tilespmem:s25], [sflag:$0x3] =	stream.indirect.gather [hbm4b:s1+s20], $0x80, s16, s20, $0xb8;
	[tilespmem:$0x1E800] =	vst v63  }
0x6f: {  	_ =	swait.ge [sflag:s8], $0x2000  }
0x70: {  	[sflag:s8] =	ssyncset.done $0x0  }
0x71: {  	s15 =	sadd.s32 $0x380, s15;
	[sflag:s8] =	ssyncadd.s32 $0xFFFFE000  }
0x72: {  	[tilespmem:s28], [sflag:$0x4] =	stream.indirect.gather [hbm4b:s1+s20], $0x80, s15, s20, $0xb8;
	[tilespmem:$0x1E800] =	vst v63  }
0x73: {  	_ =	swait.ge [sflag:s29], $0x2000  }
0x74: {  	[sflag:s29] =	ssyncset.done $0x0  }
0x75: {  	[sflag:s29] =	ssyncadd.s32 $0xFFFFE000  }
0x76: {  	[spmem:s2] =	stream.indirect.scatter.add.f32 [tilespmem:s21], [sflag:$0x5], $0x80, s9, s20, $0xb8;
	[tilespmem:$0x1E800] =	vst v63  }
0x77: {  	_ =	swait.ge [sflag:s30], $0x2000  }
0x78: {  	[sflag:s30] =	ssyncset.done $0x0  }
0x79: {  	[sflag:s30] =	ssyncadd.s32 $0xFFFFE000  }
0x7a: {  	[spmem:s2] =	stream.indirect.scatter.add.f32 [tilespmem:s23], [sflag:$0x6], $0x80, s10, s20, $0xb8;
	[tilespmem:$0x1E800] =	vst v63  }
0x7b: {  	_ =	swait.ge [sflag:s31], $0x2000  }
0x7c: {  	[sflag:s31] =	ssyncset.done $0x0  }
0x7d: {  	[sflag:s31] =	ssyncadd.s32 $0xFFFFE000  }
0x7e: {  	[spmem:s2] =	stream.indirect.scatter.add.f32 [tilespmem:s25], [sflag:$0x7], $0x80, s11, s20, $0xb8;
	[tilespmem:$0x1E800] =	vst v63  }
0x7f: {  	_ =	swait.ge [sflag:s0], $0x2000  }
0x80: {  	[sflag:s0] =	ssyncset.done $0x0  }
0x81: {  	[sflag:s0] =	ssyncadd.s32 $0xFFFFE000  }
0x82: {  	[spmem:s2] =	stream.indirect.scatter.add.f32 [tilespmem:s28], [sflag:$0x8], $0x80, s12, s20, $0xb8;
	[tilespmem:$0x1E800] =	vst v63  }
0x83: {  	_ =	swait.ge [sflag:s3], $0x2000  }
0x84: {  	[sflag:s3] =	ssyncset.done $0x0  }
0x85: {  	[sflag:s3] =	ssyncadd.s32 $0xFFFFE000  }
0x86: {  	_ =	swait.ge [sflag:s5], $0x2000  }
0x87: {  	[sflag:s5] =	ssyncset.done $0x0  }
0x88: {  	[sflag:s5] =	ssyncadd.s32 $0xFFFFE000  }
0x89: {  	_ =	swait.ge [sflag:s7], $0x2000  }
0x8a: {  	[sflag:s7] =	ssyncset.done $0x0  }
0x8b: {  	[sflag:s7] =	ssyncadd.s32 $0xFFFFE000  }
0x8c: {  	_ =	swait.ge [sflag:s8], $0x2000  }
0x8d: {  	[sflag:s8] =	ssyncset.done $0x0  }
0x8e: {  	s14 =	simm.s32 $0x0;
	s16 =	rddreg [dreg:$0x7];
	[sflag:s8] =	ssyncadd.s32 $0xFFFFE000  }
0x8f: {  	[tilespmem:s14], [sflag:$0x9] =	stream.linear.gather [hbm4b:s16+s14], $0x1400, $0x38;
	[tilespmem:$0x1E800] =	vst v63  }
0x90: {  	_ =	swait.ge [sflag:s18], $0x1400  }
0x91: {  	[sflag:s18] =	ssyncset.done $0x0  }
0x92: {  	s16 =	rddreg [dreg:$0x8];
	[sflag:s18] =	ssyncadd.s32 $0xFFFFEC00  }
0x93: {  	[tilespmem:s19], [sflag:$0x9] =	stream.linear.gather [hbm4b:s16+s14], $0x1400, $0x38;
	[tilespmem:$0x1E800] =	vst v63  }
0x94: {  	_ =	swait.ge [sflag:s18], $0x1400  }
0x95: {  	[sflag:s18] =	ssyncset.done $0x0  }
0x96: {  	[sflag:s18] =	ssyncadd.s32 $0xFFFFEC00  }
0x97: {  	[tilespmem:s21], [sflag:$0x1] =	stream.indirect.gather [hbm4b:s1+s20], $0x80, s14, s20, $0xb8;
	[tilespmem:$0x1E800] =	vst v63  }
0x98: {  	_ = 	snop  }
0x99: {  	[tilespmem:s23], [sflag:$0x2] =	stream.indirect.gather [hbm4b:s1+s20], $0x80, s22, s20, $0xb8;
	[tilespmem:$0x1E800] =	vst v63  }
0x9a: {  	_ = 	snop  }
0x9b: {  	[tilespmem:s25], [sflag:$0x3] =	stream.indirect.gather [hbm4b:s1+s20], $0x80, s24, s20, $0xb8;
	[tilespmem:$0x1E800] =	vst v63  }
0x9c: {  	_ = 	snop  }
0x9d: {  	[tilespmem:s28], [sflag:$0x4] =	stream.indirect.gather [hbm4b:s1+s20], $0x80, s26, s20, $0xb8;
	[tilespmem:$0x1E800] =	vst v63  }
0x9e: {  	_ =	swait.ge [sflag:s29], $0x2000  }
0x9f: {  	[sflag:s29] =	ssyncset.done $0x0  }
0xa0: {  	s16 =	simm.s32 $0x1400;
	[sflag:s29] =	ssyncadd.s32 $0xFFFFE000  }
0xa1: {  	[spmem:s2] =	stream.indirect.scatter.add.f32 [tilespmem:s21], [sflag:$0x5], $0x80, s16, s20, $0xb8;
	[tilespmem:$0x1E800] =	vst v63  }
0xa2: {  	_ =	swait.ge [sflag:s30], $0x2000  }
0xa3: {  	[sflag:s30] =	ssyncset.done $0x0  }
0xa4: {  	s15 =	simm.s32 $0x1480;
	[sflag:s30] =	ssyncadd.s32 $0xFFFFE000  }
0xa5: {  	[spmem:s2] =	stream.indirect.scatter.add.f32 [tilespmem:s23], [sflag:$0x6], $0x80, s15, s20, $0xb8;
	[tilespmem:$0x1E800] =	vst v63  }
0xa6: {  	_ =	swait.ge [sflag:s31], $0x2000  }
0xa7: {  	[sflag:s31] =	ssyncset.done $0x0  }
0xa8: {  	s16 =	simm.s32 $0x1500;
	[sflag:s31] =	ssyncadd.s32 $0xFFFFE000  }
0xa9: {  	[spmem:s2] =	stream.indirect.scatter.add.f32 [tilespmem:s25], [sflag:$0x7], $0x80, s16, s20, $0xb8;
	[tilespmem:$0x1E800] =	vst v63  }
0xaa: {  	_ =	swait.ge [sflag:s0], $0x2000  }
0xab: {  	[sflag:s0] =	ssyncset.done $0x0  }
0xac: {  	s15 =	simm.s32 $0x1580;
	[sflag:s0] =	ssyncadd.s32 $0xFFFFE000  }
0xad: {  	[spmem:s2] =	stream.indirect.scatter.add.f32 [tilespmem:s28], [sflag:$0x8], $0x80, s15, s20, $0xb8;
	[tilespmem:$0x1E800] =	vst v63  }
0xae: {  	_ =	swait.ge [sflag:s3], $0x2000  }
0xaf: {  	[sflag:s3] =	ssyncset.done $0x0  }
0xb0: {  	s16 =	simm.s32 $0x200;
	[sflag:s3] =	ssyncadd.s32 $0xFFFFE000  }
0xb1: {  	[tilespmem:s21], [sflag:$0x1] =	stream.indirect.gather [hbm4b:s1+s20], $0x80, s16, s20, $0xb8;
	[tilespmem:$0x1E800] =	vst v63  }
0xb2: {  	_ =	swait.ge [sflag:s5], $0x2000  }
0xb3: {  	[sflag:s5] =	ssyncset.done $0x0  }
0xb4: {  	s15 =	simm.s32 $0x280;
	[sflag:s5] =	ssyncadd.s32 $0xFFFFE000  }
0xb5: {  	[tilespmem:s23], [sflag:$0x2] =	stream.indirect.gather [hbm4b:s1+s20], $0x80, s15, s20, $0xb8;
	[tilespmem:$0x1E800] =	vst v63  }
0xb6: {  	_ =	swait.ge [sflag:s7], $0x2000  }
0xb7: {  	[sflag:s7] =	ssyncset.done $0x0  }
0xb8: {  	s16 =	simm.s32 $0x300;
	[sflag:s7] =	ssyncadd.s32 $0xFFFFE000  }
0xb9: {  	[tilespmem:s25], [sflag:$0x3] =	stream.indirect.gather [hbm4b:s1+s20], $0x80, s16, s20, $0xb8;
	[tilespmem:$0x1E800] =	vst v63  }
0xba: {  	_ =	swait.ge [sflag:s8], $0x2000  }
0xbb: {  	[sflag:s8] =	ssyncset.done $0x0  }
0xbc: {  	s14 =	simm.s32 $0x800;
	s15 =	simm.s32 $0x380;
	[sflag:s8] =	ssyncadd.s32 $0xFFFFE000  }
.LBB2_4:
0xbd: {  	[tilespmem:s28], [sflag:$0x4] =	stream.indirect.gather [hbm4b:s1+s20], $0x80, s15, s20, $0xb8;
	[tilespmem:$0x1E800] =	vst v63  }
0xbe: {  	s15 =	smov.u32 s14  }
0xbf: {  	p0 =	sne.s32 s14, $0x4000;
	s14 =	sadd.s32 $0x800, s14;
	_ =	swait.ge [sflag:s29], $0x2000  }
0xc0: {  	s15 =	sshra.s32 s15, $0x2;
	[sflag:s29] =	ssyncset.done $0x0  }
0xc1: {  	s16 =	sadd.s32 $0x1400, s15;
	[sflag:s29] =	ssyncadd.s32 $0xFFFFE000  }
0xc2: {  	[spmem:s2] =	stream.indirect.scatter.add.f32 [tilespmem:s21], [sflag:$0x5], $0x80, s16, s20, $0xb8;
	[tilespmem:$0x1E800] =	vst v63  }
0xc3: {  	_ =	swait.ge [sflag:s30], $0x2000  }
0xc4: {  	[sflag:s30] =	ssyncset.done $0x0  }
0xc5: {  	s16 =	sadd.s32 $0x1480, s15;
	[sflag:s30] =	ssyncadd.s32 $0xFFFFE000  }
0xc6: {  	[spmem:s2] =	stream.indirect.scatter.add.f32 [tilespmem:s23], [sflag:$0x6], $0x80, s16, s20, $0xb8;
	[tilespmem:$0x1E800] =	vst v63  }
0xc7: {  	_ =	swait.ge [sflag:s31], $0x2000  }
0xc8: {  	[sflag:s31] =	ssyncset.done $0x0  }
0xc9: {  	s16 =	sadd.s32 $0x1500, s15;
	[sflag:s31] =	ssyncadd.s32 $0xFFFFE000  }
0xca: {  	[spmem:s2] =	stream.indirect.scatter.add.f32 [tilespmem:s25], [sflag:$0x7], $0x80, s16, s20, $0xb8;
	[tilespmem:$0x1E800] =	vst v63  }
0xcb: {  	_ =	swait.ge [sflag:s0], $0x2000  }
0xcc: {  	[sflag:s0] =	ssyncset.done $0x0  }
0xcd: {  	s16 =	sadd.s32 $0x1580, s15;
	[sflag:s0] =	ssyncadd.s32 $0xFFFFE000  }
0xce: {  	[spmem:s2] =	stream.indirect.scatter.add.f32 [tilespmem:s28], [sflag:$0x8], $0x80, s16, s20, $0xb8;
	[tilespmem:$0x1E800] =	vst v63  }
0xcf: {  	_ =	swait.ge [sflag:s3], $0x2000  }
0xd0: {  	[sflag:s3] =	ssyncset.done $0x0  }
0xd1: {  	s16 =	sadd.s32 $0x200, s15;
	[sflag:s3] =	ssyncadd.s32 $0xFFFFE000  }
0xd2: {  	[tilespmem:s21], [sflag:$0x1] =	stream.indirect.gather [hbm4b:s1+s20], $0x80, s16, s20, $0xb8;
	[tilespmem:$0x1E800] =	vst v63  }
0xd3: {  	_ =	swait.ge [sflag:s5], $0x2000  }
0xd4: {  	[sflag:s5] =	ssyncset.done $0x0  }
0xd5: {  	s16 =	sadd.s32 $0x280, s15;
	[sflag:s5] =	ssyncadd.s32 $0xFFFFE000  }
0xd6: {  	[tilespmem:s23], [sflag:$0x2] =	stream.indirect.gather [hbm4b:s1+s20], $0x80, s16, s20, $0xb8;
	[tilespmem:$0x1E800] =	vst v63  }
0xd7: {  	_ =	swait.ge [sflag:s7], $0x2000  }
0xd8: {  	[sflag:s7] =	ssyncset.done $0x0  }
.Ltmp1:
0xd9: {  	s16 =	sadd.s32 $0x300, s15;
	[sflag:s7] =	ssyncadd.s32 $0xFFFFE000;
	(pc) =	sbr.rel @p0 .LBB2_4-.Ltmp1, $4  }
0xda: {  	[tilespmem:s25], [sflag:$0x3] =	stream.indirect.gather [hbm4b:s1+s20], $0x80, s16, s20, $0xb8;
	[tilespmem:$0x1E800] =	vst v63  }
0xdb: {  	_ =	swait.ge [sflag:s8], $0x2000  }
0xdc: {  	[sflag:s8] =	ssyncset.done $0x0  }
0xdd: {  	s15 =	sadd.s32 $0x380, s15;
	[sflag:s8] =	ssyncadd.s32 $0xFFFFE000  }
0xde: {  	[tilespmem:s28], [sflag:$0x4] =	stream.indirect.gather [hbm4b:s1+s20], $0x80, s15, s20, $0xb8;
	[tilespmem:$0x1E800] =	vst v63  }
0xdf: {  	_ =	swait.ge [sflag:s29], $0x2000  }
0xe0: {  	[sflag:s29] =	ssyncset.done $0x0  }
0xe1: {  	[sflag:s29] =	ssyncadd.s32 $0xFFFFE000  }
0xe2: {  	[spmem:s2] =	stream.indirect.scatter.add.f32 [tilespmem:s21], [sflag:$0x5], $0x80, s9, s20, $0xb8;
	[tilespmem:$0x1E800] =	vst v63  }
0xe3: {  	_ =	swait.ge [sflag:s30], $0x2000  }
0xe4: {  	[sflag:s30] =	ssyncset.done $0x0  }
0xe5: {  	[sflag:s30] =	ssyncadd.s32 $0xFFFFE000  }
0xe6: {  	[spmem:s2] =	stream.indirect.scatter.add.f32 [tilespmem:s23], [sflag:$0x6], $0x80, s10, s20, $0xb8;
	[tilespmem:$0x1E800] =	vst v63  }
0xe7: {  	_ =	swait.ge [sflag:s31], $0x2000  }
0xe8: {  	[sflag:s31] =	ssyncset.done $0x0  }
0xe9: {  	[sflag:s31] =	ssyncadd.s32 $0xFFFFE000  }
0xea: {  	[spmem:s2] =	stream.indirect.scatter.add.f32 [tilespmem:s25], [sflag:$0x7], $0x80, s11, s20, $0xb8;
	[tilespmem:$0x1E800] =	vst v63  }
0xeb: {  	_ =	swait.ge [sflag:s0], $0x2000  }
0xec: {  	[sflag:s0] =	ssyncset.done $0x0  }
0xed: {  	[sflag:s0] =	ssyncadd.s32 $0xFFFFE000  }
0xee: {  	[spmem:s2] =	stream.indirect.scatter.add.f32 [tilespmem:s28], [sflag:$0x8], $0x80, s12, s20, $0xb8;
	[tilespmem:$0x1E800] =	vst v63  }
0xef: {  	_ =	swait.ge [sflag:s3], $0x2000  }
0xf0: {  	[sflag:s3] =	ssyncset.done $0x0  }
0xf1: {  	[sflag:s3] =	ssyncadd.s32 $0xFFFFE000  }
0xf2: {  	_ =	swait.ge [sflag:s5], $0x2000  }
0xf3: {  	[sflag:s5] =	ssyncset.done $0x0  }
0xf4: {  	[sflag:s5] =	ssyncadd.s32 $0xFFFFE000  }
0xf5: {  	_ =	swait.ge [sflag:s7], $0x2000  }
0xf6: {  	[sflag:s7] =	ssyncset.done $0x0  }
0xf7: {  	[sflag:s7] =	ssyncadd.s32 $0xFFFFE000  }
0xf8: {  	_ =	swait.ge [sflag:s8], $0x2000  }
0xf9: {  	[sflag:s8] =	ssyncset.done $0x0  }
0xfa: {  	s14 =	simm.s32 $0x0;
	s16 =	rddreg [dreg:$0x9];
	[sflag:s8] =	ssyncadd.s32 $0xFFFFE000  }
0xfb: {  	[tilespmem:s14], [sflag:$0x9] =	stream.linear.gather [hbm4b:s16+s14], $0x1400, $0x38;
	[tilespmem:$0x1E800] =	vst v63  }
0xfc: {  	_ =	swait.ge [sflag:s18], $0x1400  }
0xfd: {  	[sflag:s18] =	ssyncset.done $0x0  }
0xfe: {  	s16 =	rddreg [dreg:$0xa];
	[sflag:s18] =	ssyncadd.s32 $0xFFFFEC00  }
0xff: {  	[tilespmem:s19], [sflag:$0x9] =	stream.linear.gather [hbm4b:s16+s14], $0x1400, $0x38;
	[tilespmem:$0x1E800] =	vst v63  }
0x100: {  	_ =	swait.ge [sflag:s18], $0x1400  }
0x101: {  	[sflag:s18] =	ssyncset.done $0x0  }
0x102: {  	[sflag:s18] =	ssyncadd.s32 $0xFFFFEC00  }
0x103: {  	[tilespmem:s21], [sflag:$0x1] =	stream.indirect.gather [hbm4b:s1+s20], $0x80, s14, s20, $0xb8;
	[tilespmem:$0x1E800] =	vst v63  }
0x104: {  	_ = 	snop  }
0x105: {  	[tilespmem:s23], [sflag:$0x2] =	stream.indirect.gather [hbm4b:s1+s20], $0x80, s22, s20, $0xb8;
	[tilespmem:$0x1E800] =	vst v63  }
0x106: {  	_ = 	snop  }
0x107: {  	[tilespmem:s25], [sflag:$0x3] =	stream.indirect.gather [hbm4b:s1+s20], $0x80, s24, s20, $0xb8;
	[tilespmem:$0x1E800] =	vst v63  }
0x108: {  	_ = 	snop  }
0x109: {  	[tilespmem:s28], [sflag:$0x4] =	stream.indirect.gather [hbm4b:s1+s20], $0x80, s26, s20, $0xb8;
	[tilespmem:$0x1E800] =	vst v63  }
0x10a: {  	_ =	swait.ge [sflag:s29], $0x2000  }
0x10b: {  	[sflag:s29] =	ssyncset.done $0x0  }
0x10c: {  	s16 =	simm.s32 $0x1400;
	[sflag:s29] =	ssyncadd.s32 $0xFFFFE000  }
0x10d: {  	[spmem:s2] =	stream.indirect.scatter.add.f32 [tilespmem:s21], [sflag:$0x5], $0x80, s16, s20, $0xb8;
	[tilespmem:$0x1E800] =	vst v63  }
0x10e: {  	_ =	swait.ge [sflag:s30], $0x2000  }
0x10f: {  	[sflag:s30] =	ssyncset.done $0x0  }
0x110: {  	s15 =	simm.s32 $0x1480;
	[sflag:s30] =	ssyncadd.s32 $0xFFFFE000  }
0x111: {  	[spmem:s2] =	stream.indirect.scatter.add.f32 [tilespmem:s23], [sflag:$0x6], $0x80, s15, s20, $0xb8;
	[tilespmem:$0x1E800] =	vst v63  }
0x112: {  	_ =	swait.ge [sflag:s31], $0x2000  }
0x113: {  	[sflag:s31] =	ssyncset.done $0x0  }
0x114: {  	s16 =	simm.s32 $0x1500;
	[sflag:s31] =	ssyncadd.s32 $0xFFFFE000  }
0x115: {  	[spmem:s2] =	stream.indirect.scatter.add.f32 [tilespmem:s25], [sflag:$0x7], $0x80, s16, s20, $0xb8;
	[tilespmem:$0x1E800] =	vst v63  }
0x116: {  	_ =	swait.ge [sflag:s0], $0x2000  }
0x117: {  	[sflag:s0] =	ssyncset.done $0x0  }
0x118: {  	s15 =	simm.s32 $0x1580;
	[sflag:s0] =	ssyncadd.s32 $0xFFFFE000  }
0x119: {  	[spmem:s2] =	stream.indirect.scatter.add.f32 [tilespmem:s28], [sflag:$0x8], $0x80, s15, s20, $0xb8;
	[tilespmem:$0x1E800] =	vst v63  }
0x11a: {  	_ =	swait.ge [sflag:s3], $0x2000  }
0x11b: {  	[sflag:s3] =	ssyncset.done $0x0  }
0x11c: {  	s16 =	simm.s32 $0x200;
	[sflag:s3] =	ssyncadd.s32 $0xFFFFE000  }
0x11d: {  	[tilespmem:s21], [sflag:$0x1] =	stream.indirect.gather [hbm4b:s1+s20], $0x80, s16, s20, $0xb8;
	[tilespmem:$0x1E800] =	vst v63  }
0x11e: {  	_ =	swait.ge [sflag:s5], $0x2000  }
0x11f: {  	[sflag:s5] =	ssyncset.done $0x0  }
0x120: {  	s15 =	simm.s32 $0x280;
	[sflag:s5] =	ssyncadd.s32 $0xFFFFE000  }
0x121: {  	[tilespmem:s23], [sflag:$0x2] =	stream.indirect.gather [hbm4b:s1+s20], $0x80, s15, s20, $0xb8;
	[tilespmem:$0x1E800] =	vst v63  }
0x122: {  	_ =	swait.ge [sflag:s7], $0x2000  }
0x123: {  	[sflag:s7] =	ssyncset.done $0x0  }
0x124: {  	s16 =	simm.s32 $0x300;
	[sflag:s7] =	ssyncadd.s32 $0xFFFFE000  }
0x125: {  	[tilespmem:s25], [sflag:$0x3] =	stream.indirect.gather [hbm4b:s1+s20], $0x80, s16, s20, $0xb8;
	[tilespmem:$0x1E800] =	vst v63  }
0x126: {  	_ =	swait.ge [sflag:s8], $0x2000  }
0x127: {  	[sflag:s8] =	ssyncset.done $0x0  }
0x128: {  	s14 =	simm.s32 $0x800;
	s15 =	simm.s32 $0x380;
	[sflag:s8] =	ssyncadd.s32 $0xFFFFE000  }
.LBB2_6:
0x129: {  	[tilespmem:s28], [sflag:$0x4] =	stream.indirect.gather [hbm4b:s1+s20], $0x80, s15, s20, $0xb8;
	[tilespmem:$0x1E800] =	vst v63  }
0x12a: {  	s15 =	smov.u32 s14  }
0x12b: {  	p0 =	sne.s32 s14, $0x4000;
	s14 =	sadd.s32 $0x800, s14;
	_ =	swait.ge [sflag:s29], $0x2000  }
0x12c: {  	s15 =	sshra.s32 s15, $0x2;
	[sflag:s29] =	ssyncset.done $0x0  }
0x12d: {  	s16 =	sadd.s32 $0x1400, s15;
	[sflag:s29] =	ssyncadd.s32 $0xFFFFE000  }
0x12e: {  	[spmem:s2] =	stream.indirect.scatter.add.f32 [tilespmem:s21], [sflag:$0x5], $0x80, s16, s20, $0xb8;
	[tilespmem:$0x1E800] =	vst v63  }
0x12f: {  	_ =	swait.ge [sflag:s30], $0x2000  }
0x130: {  	[sflag:s30] =	ssyncset.done $0x0  }
0x131: {  	s16 =	sadd.s32 $0x1480, s15;
	[sflag:s30] =	ssyncadd.s32 $0xFFFFE000  }
0x132: {  	[spmem:s2] =	stream.indirect.scatter.add.f32 [tilespmem:s23], [sflag:$0x6], $0x80, s16, s20, $0xb8;
	[tilespmem:$0x1E800] =	vst v63  }
0x133: {  	_ =	swait.ge [sflag:s31], $0x2000  }
0x134: {  	[sflag:s31] =	ssyncset.done $0x0  }
0x135: {  	s16 =	sadd.s32 $0x1500, s15;
	[sflag:s31] =	ssyncadd.s32 $0xFFFFE000  }
0x136: {  	[spmem:s2] =	stream.indirect.scatter.add.f32 [tilespmem:s25], [sflag:$0x7], $0x80, s16, s20, $0xb8;
	[tilespmem:$0x1E800] =	vst v63  }
0x137: {  	_ =	swait.ge [sflag:s0], $0x2000  }
0x138: {  	[sflag:s0] =	ssyncset.done $0x0  }
0x139: {  	s16 =	sadd.s32 $0x1580, s15;
	[sflag:s0] =	ssyncadd.s32 $0xFFFFE000  }
0x13a: {  	[spmem:s2] =	stream.indirect.scatter.add.f32 [tilespmem:s28], [sflag:$0x8], $0x80, s16, s20, $0xb8;
	[tilespmem:$0x1E800] =	vst v63  }
0x13b: {  	_ =	swait.ge [sflag:s3], $0x2000  }
0x13c: {  	[sflag:s3] =	ssyncset.done $0x0  }
0x13d: {  	s16 =	sadd.s32 $0x200, s15;
	[sflag:s3] =	ssyncadd.s32 $0xFFFFE000  }
0x13e: {  	[tilespmem:s21], [sflag:$0x1] =	stream.indirect.gather [hbm4b:s1+s20], $0x80, s16, s20, $0xb8;
	[tilespmem:$0x1E800] =	vst v63  }
0x13f: {  	_ =	swait.ge [sflag:s5], $0x2000  }
0x140: {  	[sflag:s5] =	ssyncset.done $0x0  }
0x141: {  	s16 =	sadd.s32 $0x280, s15;
	[sflag:s5] =	ssyncadd.s32 $0xFFFFE000  }
0x142: {  	[tilespmem:s23], [sflag:$0x2] =	stream.indirect.gather [hbm4b:s1+s20], $0x80, s16, s20, $0xb8;
	[tilespmem:$0x1E800] =	vst v63  }
0x143: {  	_ =	swait.ge [sflag:s7], $0x2000  }
0x144: {  	[sflag:s7] =	ssyncset.done $0x0  }
.Ltmp2:
0x145: {  	s16 =	sadd.s32 $0x300, s15;
	[sflag:s7] =	ssyncadd.s32 $0xFFFFE000;
	(pc) =	sbr.rel @p0 .LBB2_6-.Ltmp2, $4  }
0x146: {  	[tilespmem:s25], [sflag:$0x3] =	stream.indirect.gather [hbm4b:s1+s20], $0x80, s16, s20, $0xb8;
	[tilespmem:$0x1E800] =	vst v63  }
0x147: {  	_ =	swait.ge [sflag:s8], $0x2000  }
0x148: {  	[sflag:s8] =	ssyncset.done $0x0  }
0x149: {  	s15 =	sadd.s32 $0x380, s15;
	[sflag:s8] =	ssyncadd.s32 $0xFFFFE000  }
0x14a: {  	[tilespmem:s28], [sflag:$0x4] =	stream.indirect.gather [hbm4b:s1+s20], $0x80, s15, s20, $0xb8;
	[tilespmem:$0x1E800] =	vst v63  }
0x14b: {  	_ =	swait.ge [sflag:s29], $0x2000  }
0x14c: {  	[sflag:s29] =	ssyncset.done $0x0  }
0x14d: {  	[sflag:s29] =	ssyncadd.s32 $0xFFFFE000  }
0x14e: {  	[spmem:s2] =	stream.indirect.scatter.add.f32 [tilespmem:s21], [sflag:$0x5], $0x80, s9, s20, $0xb8;
	[tilespmem:$0x1E800] =	vst v63  }
0x14f: {  	_ =	swait.ge [sflag:s30], $0x2000  }
0x150: {  	[sflag:s30] =	ssyncset.done $0x0  }
0x151: {  	[sflag:s30] =	ssyncadd.s32 $0xFFFFE000  }
0x152: {  	[spmem:s2] =	stream.indirect.scatter.add.f32 [tilespmem:s23], [sflag:$0x6], $0x80, s10, s20, $0xb8;
	[tilespmem:$0x1E800] =	vst v63  }
0x153: {  	_ =	swait.ge [sflag:s31], $0x2000  }
0x154: {  	[sflag:s31] =	ssyncset.done $0x0  }
0x155: {  	[sflag:s31] =	ssyncadd.s32 $0xFFFFE000  }
0x156: {  	[spmem:s2] =	stream.indirect.scatter.add.f32 [tilespmem:s25], [sflag:$0x7], $0x80, s11, s20, $0xb8;
	[tilespmem:$0x1E800] =	vst v63  }
0x157: {  	_ =	swait.ge [sflag:s0], $0x2000  }
0x158: {  	[sflag:s0] =	ssyncset.done $0x0  }
0x159: {  	[sflag:s0] =	ssyncadd.s32 $0xFFFFE000  }
0x15a: {  	[spmem:s2] =	stream.indirect.scatter.add.f32 [tilespmem:s28], [sflag:$0x8], $0x80, s12, s20, $0xb8;
	[tilespmem:$0x1E800] =	vst v63  }
0x15b: {  	_ =	swait.ge [sflag:s3], $0x2000  }
0x15c: {  	[sflag:s3] =	ssyncset.done $0x0  }
0x15d: {  	[sflag:s3] =	ssyncadd.s32 $0xFFFFE000  }
0x15e: {  	_ =	swait.ge [sflag:s5], $0x2000  }
0x15f: {  	[sflag:s5] =	ssyncset.done $0x0  }
0x160: {  	[sflag:s5] =	ssyncadd.s32 $0xFFFFE000  }
0x161: {  	_ =	swait.ge [sflag:s7], $0x2000  }
0x162: {  	[sflag:s7] =	ssyncset.done $0x0  }
0x163: {  	[sflag:s7] =	ssyncadd.s32 $0xFFFFE000  }
0x164: {  	_ =	swait.ge [sflag:s8], $0x2000  }
0x165: {  	[sflag:s8] =	ssyncset.done $0x0  }
0x166: {  	s14 =	simm.s32 $0x0;
	s16 =	rddreg [dreg:$0xb];
	[sflag:s8] =	ssyncadd.s32 $0xFFFFE000  }
0x167: {  	[tilespmem:s14], [sflag:$0x9] =	stream.linear.gather [hbm4b:s16+s14], $0x1400, $0x38;
	[tilespmem:$0x1E800] =	vst v63  }
0x168: {  	_ =	swait.ge [sflag:s18], $0x1400  }
0x169: {  	[sflag:s18] =	ssyncset.done $0x0  }
0x16a: {  	s16 =	rddreg [dreg:$0xc];
	[sflag:s18] =	ssyncadd.s32 $0xFFFFEC00  }
0x16b: {  	[tilespmem:s19], [sflag:$0x9] =	stream.linear.gather [hbm4b:s16+s14], $0x1400, $0x38;
	[tilespmem:$0x1E800] =	vst v63  }
0x16c: {  	_ =	swait.ge [sflag:s18], $0x1400  }
0x16d: {  	[sflag:s18] =	ssyncset.done $0x0  }
0x16e: {  	[sflag:s18] =	ssyncadd.s32 $0xFFFFEC00  }
0x16f: {  	[tilespmem:s21], [sflag:$0x1] =	stream.indirect.gather [hbm4b:s1+s20], $0x80, s14, s20, $0xb8;
	[tilespmem:$0x1E800] =	vst v63  }
0x170: {  	_ = 	snop  }
0x171: {  	[tilespmem:s23], [sflag:$0x2] =	stream.indirect.gather [hbm4b:s1+s20], $0x80, s22, s20, $0xb8;
	[tilespmem:$0x1E800] =	vst v63  }
0x172: {  	_ = 	snop  }
0x173: {  	[tilespmem:s25], [sflag:$0x3] =	stream.indirect.gather [hbm4b:s1+s20], $0x80, s24, s20, $0xb8;
	[tilespmem:$0x1E800] =	vst v63  }
0x174: {  	_ = 	snop  }
0x175: {  	[tilespmem:s28], [sflag:$0x4] =	stream.indirect.gather [hbm4b:s1+s20], $0x80, s26, s20, $0xb8;
	[tilespmem:$0x1E800] =	vst v63  }
0x176: {  	_ =	swait.ge [sflag:s29], $0x2000  }
0x177: {  	[sflag:s29] =	ssyncset.done $0x0  }
0x178: {  	s16 =	simm.s32 $0x1400;
	[sflag:s29] =	ssyncadd.s32 $0xFFFFE000  }
0x179: {  	[spmem:s2] =	stream.indirect.scatter.add.f32 [tilespmem:s21], [sflag:$0x5], $0x80, s16, s20, $0xb8;
	[tilespmem:$0x1E800] =	vst v63  }
0x17a: {  	_ =	swait.ge [sflag:s30], $0x2000  }
0x17b: {  	[sflag:s30] =	ssyncset.done $0x0  }
0x17c: {  	s15 =	simm.s32 $0x1480;
	[sflag:s30] =	ssyncadd.s32 $0xFFFFE000  }
0x17d: {  	[spmem:s2] =	stream.indirect.scatter.add.f32 [tilespmem:s23], [sflag:$0x6], $0x80, s15, s20, $0xb8;
	[tilespmem:$0x1E800] =	vst v63  }
0x17e: {  	_ =	swait.ge [sflag:s31], $0x2000  }
0x17f: {  	[sflag:s31] =	ssyncset.done $0x0  }
0x180: {  	s16 =	simm.s32 $0x1500;
	[sflag:s31] =	ssyncadd.s32 $0xFFFFE000  }
0x181: {  	[spmem:s2] =	stream.indirect.scatter.add.f32 [tilespmem:s25], [sflag:$0x7], $0x80, s16, s20, $0xb8;
	[tilespmem:$0x1E800] =	vst v63  }
0x182: {  	_ =	swait.ge [sflag:s0], $0x2000  }
0x183: {  	[sflag:s0] =	ssyncset.done $0x0  }
0x184: {  	s15 =	simm.s32 $0x1580;
	[sflag:s0] =	ssyncadd.s32 $0xFFFFE000  }
0x185: {  	[spmem:s2] =	stream.indirect.scatter.add.f32 [tilespmem:s28], [sflag:$0x8], $0x80, s15, s20, $0xb8;
	[tilespmem:$0x1E800] =	vst v63  }
0x186: {  	_ =	swait.ge [sflag:s3], $0x2000  }
0x187: {  	[sflag:s3] =	ssyncset.done $0x0  }
0x188: {  	s16 =	simm.s32 $0x200;
	[sflag:s3] =	ssyncadd.s32 $0xFFFFE000  }
0x189: {  	[tilespmem:s21], [sflag:$0x1] =	stream.indirect.gather [hbm4b:s1+s20], $0x80, s16, s20, $0xb8;
	[tilespmem:$0x1E800] =	vst v63  }
0x18a: {  	_ =	swait.ge [sflag:s5], $0x2000  }
0x18b: {  	[sflag:s5] =	ssyncset.done $0x0  }
0x18c: {  	s15 =	simm.s32 $0x280;
	[sflag:s5] =	ssyncadd.s32 $0xFFFFE000  }
0x18d: {  	[tilespmem:s23], [sflag:$0x2] =	stream.indirect.gather [hbm4b:s1+s20], $0x80, s15, s20, $0xb8;
	[tilespmem:$0x1E800] =	vst v63  }
0x18e: {  	_ =	swait.ge [sflag:s7], $0x2000  }
0x18f: {  	[sflag:s7] =	ssyncset.done $0x0  }
0x190: {  	s16 =	simm.s32 $0x300;
	[sflag:s7] =	ssyncadd.s32 $0xFFFFE000  }
0x191: {  	[tilespmem:s25], [sflag:$0x3] =	stream.indirect.gather [hbm4b:s1+s20], $0x80, s16, s20, $0xb8;
	[tilespmem:$0x1E800] =	vst v63  }
0x192: {  	_ =	swait.ge [sflag:s8], $0x2000  }
0x193: {  	[sflag:s8] =	ssyncset.done $0x0  }
0x194: {  	s14 =	simm.s32 $0x800;
	s15 =	simm.s32 $0x380;
	[sflag:s8] =	ssyncadd.s32 $0xFFFFE000  }
.LBB2_8:
0x195: {  	[tilespmem:s28], [sflag:$0x4] =	stream.indirect.gather [hbm4b:s1+s20], $0x80, s15, s20, $0xb8;
	[tilespmem:$0x1E800] =	vst v63  }
0x196: {  	s15 =	smov.u32 s14  }
0x197: {  	p0 =	sne.s32 s14, $0x4000;
	s14 =	sadd.s32 $0x800, s14;
	_ =	swait.ge [sflag:s29], $0x2000  }
0x198: {  	s15 =	sshra.s32 s15, $0x2;
	[sflag:s29] =	ssyncset.done $0x0  }
0x199: {  	s16 =	sadd.s32 $0x1400, s15;
	[sflag:s29] =	ssyncadd.s32 $0xFFFFE000  }
0x19a: {  	[spmem:s2] =	stream.indirect.scatter.add.f32 [tilespmem:s21], [sflag:$0x5], $0x80, s16, s20, $0xb8;
	[tilespmem:$0x1E800] =	vst v63  }
0x19b: {  	_ =	swait.ge [sflag:s30], $0x2000  }
0x19c: {  	[sflag:s30] =	ssyncset.done $0x0  }
0x19d: {  	s16 =	sadd.s32 $0x1480, s15;
	[sflag:s30] =	ssyncadd.s32 $0xFFFFE000  }
0x19e: {  	[spmem:s2] =	stream.indirect.scatter.add.f32 [tilespmem:s23], [sflag:$0x6], $0x80, s16, s20, $0xb8;
	[tilespmem:$0x1E800] =	vst v63  }
0x19f: {  	_ =	swait.ge [sflag:s31], $0x2000  }
0x1a0: {  	[sflag:s31] =	ssyncset.done $0x0  }
0x1a1: {  	s16 =	sadd.s32 $0x1500, s15;
	[sflag:s31] =	ssyncadd.s32 $0xFFFFE000  }
0x1a2: {  	[spmem:s2] =	stream.indirect.scatter.add.f32 [tilespmem:s25], [sflag:$0x7], $0x80, s16, s20, $0xb8;
	[tilespmem:$0x1E800] =	vst v63  }
0x1a3: {  	_ =	swait.ge [sflag:s0], $0x2000  }
0x1a4: {  	[sflag:s0] =	ssyncset.done $0x0  }
0x1a5: {  	s16 =	sadd.s32 $0x1580, s15;
	[sflag:s0] =	ssyncadd.s32 $0xFFFFE000  }
0x1a6: {  	[spmem:s2] =	stream.indirect.scatter.add.f32 [tilespmem:s28], [sflag:$0x8], $0x80, s16, s20, $0xb8;
	[tilespmem:$0x1E800] =	vst v63  }
0x1a7: {  	_ =	swait.ge [sflag:s3], $0x2000  }
0x1a8: {  	[sflag:s3] =	ssyncset.done $0x0  }
0x1a9: {  	s16 =	sadd.s32 $0x200, s15;
	[sflag:s3] =	ssyncadd.s32 $0xFFFFE000  }
0x1aa: {  	[tilespmem:s21], [sflag:$0x1] =	stream.indirect.gather [hbm4b:s1+s20], $0x80, s16, s20, $0xb8;
	[tilespmem:$0x1E800] =	vst v63  }
0x1ab: {  	_ =	swait.ge [sflag:s5], $0x2000  }
0x1ac: {  	[sflag:s5] =	ssyncset.done $0x0  }
0x1ad: {  	s16 =	sadd.s32 $0x280, s15;
	[sflag:s5] =	ssyncadd.s32 $0xFFFFE000  }
0x1ae: {  	[tilespmem:s23], [sflag:$0x2] =	stream.indirect.gather [hbm4b:s1+s20], $0x80, s16, s20, $0xb8;
	[tilespmem:$0x1E800] =	vst v63  }
0x1af: {  	_ =	swait.ge [sflag:s7], $0x2000  }
0x1b0: {  	[sflag:s7] =	ssyncset.done $0x0  }
.Ltmp3:
0x1b1: {  	s16 =	sadd.s32 $0x300, s15;
	[sflag:s7] =	ssyncadd.s32 $0xFFFFE000;
	(pc) =	sbr.rel @p0 .LBB2_8-.Ltmp3, $4  }
0x1b2: {  	[tilespmem:s25], [sflag:$0x3] =	stream.indirect.gather [hbm4b:s1+s20], $0x80, s16, s20, $0xb8;
	[tilespmem:$0x1E800] =	vst v63  }
0x1b3: {  	_ =	swait.ge [sflag:s8], $0x2000  }
0x1b4: {  	[sflag:s8] =	ssyncset.done $0x0  }
0x1b5: {  	s15 =	sadd.s32 $0x380, s15;
	[sflag:s8] =	ssyncadd.s32 $0xFFFFE000  }
0x1b6: {  	[tilespmem:s28], [sflag:$0x4] =	stream.indirect.gather [hbm4b:s1+s20], $0x80, s15, s20, $0xb8;
	[tilespmem:$0x1E800] =	vst v63  }
0x1b7: {  	_ =	swait.ge [sflag:s29], $0x2000  }
0x1b8: {  	[sflag:s29] =	ssyncset.done $0x0  }
0x1b9: {  	[sflag:s29] =	ssyncadd.s32 $0xFFFFE000  }
0x1ba: {  	[spmem:s2] =	stream.indirect.scatter.add.f32 [tilespmem:s21], [sflag:$0x5], $0x80, s9, s20, $0xb8;
	[tilespmem:$0x1E800] =	vst v63  }
0x1bb: {  	_ =	swait.ge [sflag:s30], $0x2000  }
0x1bc: {  	[sflag:s30] =	ssyncset.done $0x0  }
0x1bd: {  	[sflag:s30] =	ssyncadd.s32 $0xFFFFE000  }
0x1be: {  	[spmem:s2] =	stream.indirect.scatter.add.f32 [tilespmem:s23], [sflag:$0x6], $0x80, s10, s20, $0xb8;
	[tilespmem:$0x1E800] =	vst v63  }
0x1bf: {  	_ =	swait.ge [sflag:s31], $0x2000  }
0x1c0: {  	[sflag:s31] =	ssyncset.done $0x0  }
0x1c1: {  	[sflag:s31] =	ssyncadd.s32 $0xFFFFE000  }
0x1c2: {  	[spmem:s2] =	stream.indirect.scatter.add.f32 [tilespmem:s25], [sflag:$0x7], $0x80, s11, s20, $0xb8;
	[tilespmem:$0x1E800] =	vst v63  }
0x1c3: {  	_ =	swait.ge [sflag:s0], $0x2000  }
0x1c4: {  	[sflag:s0] =	ssyncset.done $0x0  }
0x1c5: {  	[sflag:s0] =	ssyncadd.s32 $0xFFFFE000  }
0x1c6: {  	[spmem:s2] =	stream.indirect.scatter.add.f32 [tilespmem:s28], [sflag:$0x8], $0x80, s12, s20, $0xb8;
	[tilespmem:$0x1E800] =	vst v63  }
0x1c7: {  	_ =	swait.ge [sflag:s3], $0x2000  }
0x1c8: {  	[sflag:s3] =	ssyncset.done $0x0  }
0x1c9: {  	[sflag:s3] =	ssyncadd.s32 $0xFFFFE000  }
0x1ca: {  	_ =	swait.ge [sflag:s5], $0x2000  }
0x1cb: {  	[sflag:s5] =	ssyncset.done $0x0  }
0x1cc: {  	[sflag:s5] =	ssyncadd.s32 $0xFFFFE000  }
0x1cd: {  	_ =	swait.ge [sflag:s7], $0x2000  }
0x1ce: {  	[sflag:s7] =	ssyncset.done $0x0  }
0x1cf: {  	[sflag:s7] =	ssyncadd.s32 $0xFFFFE000  }
0x1d0: {  	_ =	swait.ge [sflag:s8], $0x2000  }
0x1d1: {  	[sflag:s8] =	ssyncset.done $0x0  }
0x1d2: {  	[sflag:s8] =	ssyncadd.s32 $0xFFFFE000  }
0x1d3: {  	[bflag:$0x0] =	sbarrier.arrive $0xFFFF  }
0x1d4: {  	s14 =	rddreg [dreg:$0xd]  }
0x1d5: {  	[hbm:s14], [sflag:s6] =	dma.local [spmem:s17], $0x2800  }
0x1d6: {  	_ =	swait.ge [sflag:s18], $0x2800  }
0x1d7: {  	s13 =	sadd.s32 $0x1, s13;
	s16 =	rddreg [dreg:$0xe]  }
0x1d8: {  	p0 =	sne.s32 s13, s16  }
.Ltmp4:
0x1d9: {  	_ = 	snop;
	(pc) =	sbr.rel @p0 .LBB2_1-.Ltmp4, $3  }
0x1da: {  	_ =	sdelay $0x1  }
0x1db: {  	[sflag:s18] =	ssyncset.done $0x0  }
0x1dc: {  	[sflag:s18] =	ssyncadd.s32 $0xFFFFD800  }
0x1dd: {  	_ =	sfence.sel $0x180000  }
0x1de: {  	[bflag:$0x0] =	sbarrier.arrive $0xFFFF  }
0x1df: {  	_ =	strace $0x9000004A  }
0x1e0: {  	s0 =	stileid.u32;
	[bflag:$0x2] =	sbarrier.arrive $0xFFFF  }
0x1e1: {  	p0 =	sne.s32 s0, $0x0;
	s0 =	rddreg [dreg:$0x3]  }
0x1e2: {  	s0 =	sadd.s32 @!p0 $0x100000, s0  }
0x1e3: {  	[sflag:s0] =	ssyncadd.tile.s32 @!p0 $0x1;
	_ =	shalt  }
.Lfunc_end2:
_tile_overlayer_lowered:
.L_overlay_start_2:
0x1e4: {  	(tag) =	ssettag $0x2  }
0x1e5: {  	s0 =	rddreg [dreg:$0x0];
	s2 =	stileid.u32  }
0x1e6: {  	s1 =	rddreg [dreg:$0x1];
	p0 =	sne.s32 s2, $0x0  }
0x1e7: {  	s3 =	rddreg [dreg:$0x2];
	[bflag:$0x3] =	sbarrier.arrive $0xFFFF;
	s2 =	simm.s32 @!p0 $0x1C09  }
0x1e8: {  	[timem:s3], [sflag:s2] =	dma.local @!p0 [hbm:s0], s1  }
0x1e9: {  	s0 =	simm.s32 @!p0 $0x9  }
0x1ea: {  	_ =	swait.ge @!p0 [sflag:s0], s1  }
0x1eb: {  	s1 =	ssub.s32 @!p0 $0x0, s1;
	[sflag:s0] =	ssyncset.done @!p0 $0x0  }
0x1ec: {  	[sflag:s0] =	ssyncadd.s32 @!p0 s1  }
0x1ed: {  	[bflag:$0x3] =	sbarrier.arrive $0xFFFF  }
0x1ee: {  	_ =	shalt  }

</sc_bundles>
